<compile_context>
chip_gen: v7x
topology: tpu7x:2x2x1
jax: 0.10.2.dev20260603
libtpu: 0.0.44.dev20260713+nightly
codegen_flags: <defaults>
</compile_context>

<pallas_src>
import functools

import jax
import jax.numpy as jnp
from jax import lax
from jax.experimental import pallas as pl
from jax.experimental.pallas import tpu as pltpu
from jax.experimental.pallas import tpu_sc as plsc

N = 10000
E = 320000
G = 64
NW = 32
EPW = E // NW
NB = 100
BB = 100
RPT = N // 16
NR = 5

_sc_mesh = plsc.VectorSubcoreMesh(core_axis_name="c", subcore_axis_name="s")
_sc_params = pltpu.CompilerParams(needs_layout_passes=False,
                                  use_tc_tiling_on_sc=False)


@functools.partial(
    pl.kernel,
    out_type=(
        jax.ShapeDtypeStruct((NW, N), jnp.float32),
        jax.ShapeDtypeStruct((NW, N), jnp.float32),
    ),
    mesh=_sc_mesh,
    scratch_types=[
        pltpu.VMEM((EPW,), jnp.int32),
        pltpu.VMEM((EPW,), jnp.int32),
        pltpu.VMEM((N,), jnp.float32),
        pltpu.VMEM((N,), jnp.float32),
    ],
    compiler_params=_sc_params,
)
def _sc_degrees(src_hbm, dst_hbm, zn_hbm, dsrc_out, ddst_out,
                src_v, dst_v, csrc_v, cdst_v):
    c = lax.axis_index("c")
    s = lax.axis_index("s")
    w = s * 2 + c
    pltpu.sync_copy(src_hbm.at[pl.ds(w * EPW, EPW)], src_v)
    pltpu.sync_copy(dst_hbm.at[pl.ds(w * EPW, EPW)], dst_v)
    pltpu.sync_copy(zn_hbm, csrc_v)
    pltpu.sync_copy(zn_hbm, cdst_v)

    ones16 = jnp.ones((16,), jnp.float32)

    def count_body(i, carry):
        si = src_v[pl.ds(i * 16, 16)]
        plsc.addupdate_scatter(csrc_v, [si], ones16)
        di = dst_v[pl.ds(i * 16, 16)]
        plsc.addupdate_scatter(cdst_v, [di], ones16)
        return carry

    lax.fori_loop(0, EPW // 16, count_body, 0)

    pltpu.sync_copy(csrc_v, dsrc_out.at[w])
    pltpu.sync_copy(cdst_v, ddst_out.at[w])


@functools.partial(
    pl.kernel,
    out_type=jax.ShapeDtypeStruct((2, N, G), jnp.float32),
    mesh=_sc_mesh,
    scratch_types=[
        pltpu.VMEM((NB, BB), jnp.int32),
        pltpu.VMEM((NB, BB), jnp.int32),
        (pltpu.VMEM((BB, G), jnp.float32),) * NR,
        pltpu.VMEM_SHARED((N, G), jnp.float32),
        (pltpu.SemaphoreType.DMA,) * NR,
        (pltpu.SemaphoreType.DMA,) * NR,
    ],
    compiler_params=_sc_params,
)
def _sc_prop64(tbl_hbm, gidx_hbm, sidx_hbm, zrows_hbm, out_hbm,
               gi_v, si_v, rows, acc_sh, gsem, ssem):
    c = lax.axis_index("c")
    s = lax.axis_index("s")
    w = s * 2 + c
    pltpu.sync_copy(gidx_hbm.at[w], gi_v)
    pltpu.sync_copy(sidx_hbm.at[w], si_v)
    base = s * RPT

    pltpu.sync_copy(zrows_hbm, rows[0])
    for k in range(6):
        pltpu.sync_copy(rows[0], acc_sh.at[pl.ds(base + k * BB, BB)])
    pltpu.sync_copy(rows[0].at[pl.ds(0, RPT - 6 * BB)],
                    acc_sh.at[pl.ds(base + 6 * BB, RPT - 6 * BB)])
    plsc.subcore_barrier()

    def body(i, carry):
        j = i * NR
        for r in range(NR):
            @pl.when(i > 0)
            def _():
                pltpu.make_async_copy(
                    rows[r], acc_sh.at[si_v.at[j + r]], ssem[r]).wait()
            pltpu.async_copy(tbl_hbm.at[gi_v.at[j + r]], rows[r], gsem[r])
        for r in range(NR):
            pltpu.make_async_copy(
                tbl_hbm.at[gi_v.at[j + r]], rows[r], gsem[r]).wait()
            pltpu.async_copy(rows[r], acc_sh.at[si_v.at[j + r]], ssem[r],
                             add=True)
        return carry

    lax.fori_loop(0, NB // NR, body, 0)
    for r in range(NR):
        pltpu.make_async_copy(
            rows[r], acc_sh.at[si_v.at[NB - NR + r]], ssem[r]).wait()
    plsc.subcore_barrier()
    pltpu.sync_copy(acc_sh.at[pl.ds(base, RPT)],
                    out_hbm.at[c, pl.ds(base, RPT)])


_CN = (((0,), (0,)), ((), ()))


def _tc_extract_body(pkt_ref, arv_ref, wp_ref, bp_ref, wa_ref, ba_ref,
                     p_ref, a_ref):
    p_ref[...] = jnp.maximum(
        jnp.dot(pkt_ref[...], wp_ref[...], preferred_element_type=jnp.float32)
        + bp_ref[...], 0.0)
    a_ref[...] = jnp.maximum(
        jnp.dot(arv_ref[...], wa_ref[...], preferred_element_type=jnp.float32)
        + ba_ref[...], 0.0)


def _tc_build_body(dsrc_ref, ddst_ref, gid_ref, ones_ref,
                   rtab_ref, rin_ref, rout_ref, c0_ref):
    ones32 = ones_ref[...]
    deg_o = lax.dot_general(dsrc_ref[...], ones32, _CN,
                            preferred_element_type=jnp.float32)
    deg_i = lax.dot_general(ddst_ref[...], ones32, _CN,
                            preferred_element_type=jnp.float32)
    rout = lax.rsqrt(jnp.maximum(deg_o, 1.0))
    rin = lax.rsqrt(jnp.maximum(deg_i, 1.0))
    iot = lax.broadcasted_iota(jnp.int32, (N, G), 1)
    oh = (iot == gid_ref[...]).astype(jnp.float32)
    n_g = jnp.sum(oh, axis=0, keepdims=True)
    rtab_ref[...] = rin * oh / jnp.maximum(n_g, 1.0)
    rin_ref[...] = rin
    rout_ref[...] = rout
    c0_ref[...] = (n_g >= 1.0).astype(jnp.float32)


def _tc_mid_body(parts_ref, rin_ref, rout_ref, t2_ref, s1_ref):
    v1 = (parts_ref[0] + parts_ref[1]) * rout_ref[...]
    s1_ref[...] = jnp.sum(v1, axis=0, keepdims=True)
    t2_ref[...] = v1 * rin_ref[...]


def _tc_final_body(parts_ref, rout_ref, p_ref, a_ref, w0_ref, w1_ref,
                   wc_ref, b0_ref, b1_ref, bc_ref, s1_ref, c0_ref, out_ref):
    v2 = (parts_ref[0] + parts_ref[1]) * rout_ref[...]
    gp = lax.dot_general(v2, p_ref[...], _CN,
                         preferred_element_type=jnp.float32)
    ga = lax.dot_general(v2, a_ref[...], _CN,
                         preferred_element_type=jnp.float32)
    wt = wc_ref[:200]
    wb = wc_ref[200:]
    w1t = jnp.dot(w1_ref[...], wt, preferred_element_type=jnp.float32)
    w1b = jnp.dot(w1_ref[...], wb, preferred_element_type=jnp.float32)
    k1 = jnp.dot(w0_ref[...], w1t, preferred_element_type=jnp.float32)
    k2 = jnp.dot(w0_ref[...], w1b, preferred_element_type=jnp.float32)
    bias_mid = jnp.dot(b0_ref[...], w1t + w1b,
                       preferred_element_type=jnp.float32)
    bias_out = jnp.dot(b1_ref[...], wt + wb,
                       preferred_element_type=jnp.float32)
    out_ref[...] = (
        jnp.dot(gp, k1, preferred_element_type=jnp.float32)
        + jnp.dot(ga, k2, preferred_element_type=jnp.float32)
        + lax.dot_general(s1_ref[...], bias_mid, _CN,
                          preferred_element_type=jnp.float32)
        + lax.dot_general(c0_ref[...], bias_out, _CN,
                          preferred_element_type=jnp.float32)
        + bc_ref[...])


def kernel(pkt_length, arv_time, edge_index, graph_ids,
           W_pkt, b_pkt, W_arv, b_arv, W0, b0, W1, b1, Wc, bc):
    src = edge_index[0]
    dst = edge_index[1]
    srcr = src.reshape(NW, NB, BB)
    dstr = dst.reshape(NW, NB, BB)
    zrows = jnp.zeros((BB, G), jnp.float32)
    zn = jnp.zeros((N,), jnp.float32)
    ones32 = jnp.ones((NW, 1), jnp.float32)

    p_feat, a_feat = pl.pallas_call(
        _tc_extract_body,
        out_shape=(jax.ShapeDtypeStruct((N, 100), jnp.float32),
                   jax.ShapeDtypeStruct((N, 100), jnp.float32)),
    )(pkt_length, arv_time, W_pkt, b_pkt.reshape(1, -1),
      W_arv, b_arv.reshape(1, -1))

    dsrc, ddst = _sc_degrees(src, dst, zn)

    rtab, rin_col, rout_col, c0_row = pl.pallas_call(
        _tc_build_body,
        out_shape=(jax.ShapeDtypeStruct((N, G), jnp.float32),
                   jax.ShapeDtypeStruct((N, 1), jnp.float32),
                   jax.ShapeDtypeStruct((N, 1), jnp.float32),
                   jax.ShapeDtypeStruct((1, G), jnp.float32)),
    )(dsrc, ddst, graph_ids.reshape(N, 1), ones32)

    v1_parts = _sc_prop64(rtab, dstr, srcr, zrows)

    t2, s1_row = pl.pallas_call(
        _tc_mid_body,
        out_shape=(jax.ShapeDtypeStruct((N, G), jnp.float32),
                   jax.ShapeDtypeStruct((1, G), jnp.float32)),
    )(v1_parts, rin_col, rout_col)

    v2_parts = _sc_prop64(t2, dstr, srcr, zrows)

    out = pl.pallas_call(
        _tc_final_body,
        out_shape=jax.ShapeDtypeStruct((G, 55), jnp.float32),
    )(v2_parts, rout_col, p_feat, a_feat, W0, W1, Wc,
      b0.reshape(1, -1), b1.reshape(1, -1), bc.reshape(1, -1),
      s1_row, c0_row)
    return out

# --- scband reference (transcript-rebuilt; emitter-appended) ---
"""Pipeline reference for scband-app-classifier-19928648253913 (READ-ONLY COPY).

The authoritative reference and input builder live on the scoring server;
editing this copy changes nothing except your own understanding.
"""

import jax, jax.numpy as jnp
import numpy as np

N = 10000
E = 320000
G = 64
RAW = 64
D0 = 100   # latent_feature_length * int(1.6**0)
D1 = 100   # latent_feature_length * int(1.6**1)
D2 = 200   # latent_feature_length * int(1.6**2)
C = 55


def setup_inputs(seed: int = 0) -> dict:
    key = jax.random.key(seed)
    ks = jax.random.split(key, 16)
    pkt_length = jax.random.normal(ks[0], (N, RAW), dtype=jnp.float32)
    arv_time = jax.random.normal(ks[1], (N, RAW), dtype=jnp.float32)
    edge_index = jax.random.randint(ks[2], (2, E), 0, N, dtype=jnp.int32)
    graph_ids = jnp.sort(jax.random.randint(ks[3], (N,), 0, G, dtype=jnp.int32))
    # Extractor params (modeled as Linear(RAW -> latent) + ReLU), one per feature stream
    W_pkt = jax.random.normal(ks[4], (RAW, D0), dtype=jnp.float32) * 0.1
    b_pkt = jnp.zeros((D0,), dtype=jnp.float32)
    W_arv = jax.random.normal(ks[5], (RAW, D0), dtype=jnp.float32) * 0.1
    b_arv = jnp.zeros((D0,), dtype=jnp.float32)
    # GraphConv layer 0: 100 -> 100, layer 1: 100 -> 200
    W0 = jax.random.normal(ks[6], (D0, D1), dtype=jnp.float32) * 0.1
    b0 = jnp.zeros((D1,), dtype=jnp.float32)
    W1 = jax.random.normal(ks[7], (D1, D2), dtype=jnp.float32) * 0.1
    b1 = jnp.zeros((D2,), dtype=jnp.float32)
    # classifier: 2*D2 -> C
    Wc = jax.random.normal(ks[8], (2 * D2, C), dtype=jnp.float32) * 0.1
    bc = jnp.zeros((C,), dtype=jnp.float32)
    return {
        "pkt_length": pkt_length,
        "arv_time": arv_time,
        "edge_index": edge_index,
        "graph_ids": graph_ids,
        "W_pkt": W_pkt, "b_pkt": b_pkt,
        "W_arv": W_arv, "b_arv": b_arv,
        "W0": W0, "b0": b0,
        "W1": W1, "b1": b1,
        "Wc": Wc, "bc": bc,
    }


def _gcn_layer(x, W, b, src, dst, n_nodes):
    # DGL GraphConv with norm='both', allow_zero_in_degree=True:
    # h = D_in^{-1/2} A D_out^{-1/2} X W + b, degrees clamped to >= 1
    ones_e = jnp.ones((src.shape[0],), dtype=x.dtype)
    deg_out = jnp.clip(jax.ops.segment_sum(ones_e, src, num_segments=n_nodes), 1.0)
    deg_in = jnp.clip(jax.ops.segment_sum(ones_e, dst, num_segments=n_nodes), 1.0)
    h = x * (deg_out ** -0.5)[:, None]
    h = h @ W
    msg = jnp.take(h, src, axis=0)
    agg = jax.ops.segment_sum(msg, dst, num_segments=n_nodes)
    return agg * (deg_in ** -0.5)[:, None] + b


def _mean_nodes(h, graph_ids, n_graphs):
    counts = jnp.clip(jax.ops.segment_sum(jnp.ones((h.shape[0],), dtype=h.dtype), graph_ids, num_segments=n_graphs), 1.0)
    sums = jax.ops.segment_sum(h, graph_ids, num_segments=n_graphs)
    return sums / counts[:, None]


def reference(pkt_length, arv_time, edge_index, graph_ids,
              W_pkt, b_pkt, W_arv, b_arv, W0, b0, W1, b1, Wc, bc):
    src = edge_index[0]
    dst = edge_index[1]
    # feature extractors
    p = jax.nn.relu(pkt_length @ W_pkt + b_pkt)
    a = jax.nn.relu(arv_time @ W_arv + b_arv)
    # shared GCN stack applied to both streams (layers shared, as in original)
    p = _gcn_layer(p, W0, b0, src, dst, N)
    a = _gcn_layer(a, W0, b0, src, dst, N)
    p = _gcn_layer(p, W1, b1, src, dst, N)
    a = _gcn_layer(a, W1, b1, src, dst, N)
    # per-graph mean readout (dgl.mean_nodes on a batched graph)
    pm = _mean_nodes(p, graph_ids, G)
    am = _mean_nodes(a, graph_ids, G)
    mat = jnp.concatenate([pm, am], axis=1)
    return mat @ Wc + bc

if __name__ == "__main__":
    import jax
    _d = setup_inputs()
    print(jax.jit(kernel)(*tuple(_d.values())))

</pallas_src>

<mosaic_0001>
#map = affine_map<(d0, d1) -> (0)>
#map1 = affine_map<(d0, d1) -> (0, 0)>
module attributes {stable_mosaic.version = 14 : i64} {
  func.func @_sc_degrees(%arg0: i32, %arg1: i32, %arg2: memref<320000xi32, #tpu.memory_space<hbm>>, %arg3: memref<320000xi32, #tpu.memory_space<hbm>>, %arg4: memref<10000xf32, #tpu.memory_space<hbm>>, %arg5: memref<32x10000xf32, #tpu.memory_space<hbm>>, %arg6: memref<32x10000xf32, #tpu.memory_space<hbm>>, %arg7: memref<10000xi32, #tpu.memory_space<vmem>>, %arg8: memref<10000xi32, #tpu.memory_space<vmem>>, %arg9: memref<10000xf32, #tpu.memory_space<vmem>>, %arg10: memref<10000xf32, #tpu.memory_space<vmem>>) attributes {dimension_semantics = [#tpu.dimension_semantics<core_parallel>, #tpu.dimension_semantics<subcore_parallel>], iteration_bounds = array<i64: 2, 16>, scalar_prefetch = 0 : i64, scratch_operands = 4 : i64, tpu.core_type = #tpu.core_type<sc_vector_subcore>, window_params = [{transform_indices = #map}, {transform_indices = #map}, {transform_indices = #map}, {transform_indices = #map1}, {transform_indices = #map1}]} {
    %mul3A = arith.constant 2 : i32
    %mul3A_0 = arith.muli %arg1, %mul3A : i32
    %add3A = arith.addi %mul3A_0, %arg0 : i32
    %mul3A_1 = arith.constant 10000 : i32
    %mul3A_2 = arith.muli %add3A, %mul3A_1 : i32
    "tpu.region"() ({
      %run_scoped3A = tpu.sem_alloc : memref<!tpu.dma_semaphore, #tpu.memory_space<semaphore_mem>>
      %dma_start3A = tpu.memref_slice %arg2[%mul3A_2] : memref<320000xi32, #tpu.memory_space<hbm>> -> memref<10000xi32, #tpu.memory_space<hbm>>
      %dma_start3A_11 = tpu.memref_slice %arg2[%mul3A_2] : memref<320000xi32, #tpu.memory_space<hbm>> -> memref<10000xi32, #tpu.memory_space<hbm>>
      tpu.enqueue_dma source(%dma_start3A_11 : memref<10000xi32, #tpu.memory_space<hbm>>) target(%arg7 : memref<10000xi32, #tpu.memory_space<vmem>>) target_semaphore(%run_scoped3A : memref<!tpu.dma_semaphore, #tpu.memory_space<semaphore_mem>>)
      %dma_wait3A = tpu.memref_slice %arg2[%mul3A_2] : memref<320000xi32, #tpu.memory_space<hbm>> -> memref<10000xi32, #tpu.memory_space<hbm>>
      %dma_wait3A_12 = tpu.memref_slice %arg2[%mul3A_2] : memref<320000xi32, #tpu.memory_space<hbm>> -> memref<10000xi32, #tpu.memory_space<hbm>>
      tpu.wait_dma2 semaphore(%run_scoped3A : memref<!tpu.dma_semaphore, #tpu.memory_space<semaphore_mem>>) src(%dma_wait3A_12 : memref<10000xi32, #tpu.memory_space<hbm>>) dst(%arg7 : memref<10000xi32, #tpu.memory_space<vmem>>)
      tpu.yield
    }) : () -> ()
    %mul3A_3 = arith.constant 10000 : i32
    %mul3A_4 = arith.muli %add3A, %mul3A_3 : i32
    "tpu.region"() ({
      %run_scoped3A = tpu.sem_alloc : memref<!tpu.dma_semaphore, #tpu.memory_space<semaphore_mem>>
      %dma_start3A = tpu.memref_slice %arg3[%mul3A_4] : memref<320000xi32, #tpu.memory_space<hbm>> -> memref<10000xi32, #tpu.memory_space<hbm>>
      %dma_start3A_11 = tpu.memref_slice %arg3[%mul3A_4] : memref<320000xi32, #tpu.memory_space<hbm>> -> memref<10000xi32, #tpu.memory_space<hbm>>
      tpu.enqueue_dma source(%dma_start3A_11 : memref<10000xi32, #tpu.memory_space<hbm>>) target(%arg8 : memref<10000xi32, #tpu.memory_space<vmem>>) target_semaphore(%run_scoped3A : memref<!tpu.dma_semaphore, #tpu.memory_space<semaphore_mem>>)
      %dma_wait3A = tpu.memref_slice %arg3[%mul3A_4] : memref<320000xi32, #tpu.memory_space<hbm>> -> memref<10000xi32, #tpu.memory_space<hbm>>
      %dma_wait3A_12 = tpu.memref_slice %arg3[%mul3A_4] : memref<320000xi32, #tpu.memory_space<hbm>> -> memref<10000xi32, #tpu.memory_space<hbm>>
      tpu.wait_dma2 semaphore(%run_scoped3A : memref<!tpu.dma_semaphore, #tpu.memory_space<semaphore_mem>>) src(%dma_wait3A_12 : memref<10000xi32, #tpu.memory_space<hbm>>) dst(%arg8 : memref<10000xi32, #tpu.memory_space<vmem>>)
      tpu.yield
    }) : () -> ()
    "tpu.region"() ({
      %run_scoped3A = tpu.sem_alloc : memref<!tpu.dma_semaphore, #tpu.memory_space<semaphore_mem>>
      tpu.enqueue_dma source(%arg4 : memref<10000xf32, #tpu.memory_space<hbm>>) target(%arg9 : memref<10000xf32, #tpu.memory_space<vmem>>) target_semaphore(%run_scoped3A : memref<!tpu.dma_semaphore, #tpu.memory_space<semaphore_mem>>)
      tpu.wait_dma2 semaphore(%run_scoped3A : memref<!tpu.dma_semaphore, #tpu.memory_space<semaphore_mem>>) src(%arg4 : memref<10000xf32, #tpu.memory_space<hbm>>) dst(%arg9 : memref<10000xf32, #tpu.memory_space<vmem>>)
      tpu.yield
    }) : () -> ()
    "tpu.region"() ({
      %run_scoped3A = tpu.sem_alloc : memref<!tpu.dma_semaphore, #tpu.memory_space<semaphore_mem>>
      tpu.enqueue_dma source(%arg4 : memref<10000xf32, #tpu.memory_space<hbm>>) target(%arg10 : memref<10000xf32, #tpu.memory_space<vmem>>) target_semaphore(%run_scoped3A : memref<!tpu.dma_semaphore, #tpu.memory_space<semaphore_mem>>)
      tpu.wait_dma2 semaphore(%run_scoped3A : memref<!tpu.dma_semaphore, #tpu.memory_space<semaphore_mem>>) src(%arg4 : memref<10000xf32, #tpu.memory_space<hbm>>) dst(%arg10 : memref<10000xf32, #tpu.memory_space<vmem>>)
      tpu.yield
    }) : () -> ()
    %broadcast_in_dim3A = arith.constant 1.000000e+00 : f32
    %broadcast_in_dim3A_5 = vector.broadcast %broadcast_in_dim3A : f32 to vector<16xf32>
    %scan3A = arith.constant 0 : i32
    %scan3A_6 = arith.constant 0 : i32
    %scan3A_7 = arith.constant 625 : i32
    %scan3A_8 = arith.addi %scan3A_6, %scan3A_7 : i32
    %scan3A_9 = arith.constant 1 : i32
    scf.for %scan3A_11 = %scan3A_6 to %scan3A_8 step %scan3A_9  : i32 {
      %mul3A_12 = arith.constant 16 : i32
      %mul3A_13 = arith.muli %scan3A_11, %mul3A_12 : i32
      %get3A = arith.index_cast %mul3A_13 : i32 to index
      %get3A_14 = tpu.vector_load %arg7[%get3A] {strides = array<i32>} : memref<10000xi32, #tpu.memory_space<vmem>>, vector<16xi32>,
      tpu.vector_store_idx %arg9[%get3A_14], %broadcast_in_dim3A_5 {add = true} : memref<10000xf32, #tpu.memory_space<vmem>>[vector<16xi32>], vector<16xf32>,
      %mul3A_15 = arith.constant 16 : i32
      %mul3A_16 = arith.muli %scan3A_11, %mul3A_15 : i32
      %get3A_17 = arith.index_cast %mul3A_16 : i32 to index
      %get3A_18 = tpu.vector_load %arg8[%get3A_17] {strides = array<i32>} : memref<10000xi32, #tpu.memory_space<vmem>>, vector<16xi32>,
      tpu.vector_store_idx %arg10[%get3A_18], %broadcast_in_dim3A_5 {add = true} : memref<10000xf32, #tpu.memory_space<vmem>>[vector<16xi32>], vector<16xf32>,
    }
    %scan3A_10 = arith.constant 625 : i32
    "tpu.region"() ({
      %run_scoped3A = tpu.sem_alloc : memref<!tpu.dma_semaphore, #tpu.memory_space<semaphore_mem>>
      %dma_start3A = arith.constant 0 : i32
      %dma_start3A_11 = tpu.memref_slice %arg5[%add3A, %dma_start3A] : memref<32x10000xf32, #tpu.memory_space<hbm>> -> memref<1x10000xf32, #tpu.memory_space<hbm>>
      %dma_start3A_12 = tpu.memref_squeeze %dma_start3A_11 : memref<1x10000xf32, #tpu.memory_space<hbm>> -> memref<10000xf32, #tpu.memory_space<hbm>>
      %dma_start3A_13 = arith.constant 0 : i32
      %dma_start3A_14 = tpu.memref_slice %arg5[%add3A, %dma_start3A_13] : memref<32x10000xf32, #tpu.memory_space<hbm>> -> memref<1x10000xf32, #tpu.memory_space<hbm>>
      %dma_start3A_15 = tpu.memref_squeeze %dma_start3A_14 : memref<1x10000xf32, #tpu.memory_space<hbm>> -> memref<10000xf32, #tpu.memory_space<hbm>>
      tpu.enqueue_dma source(%arg9 : memref<10000xf32, #tpu.memory_space<vmem>>) target(%dma_start3A_15 : memref<10000xf32, #tpu.memory_space<hbm>>) target_semaphore(%run_scoped3A : memref<!tpu.dma_semaphore, #tpu.memory_space<semaphore_mem>>)
      %dma_wait3A = arith.constant 0 : i32
      %dma_wait3A_16 = tpu.memref_slice %arg5[%add3A, %dma_wait3A] : memref<32x10000xf32, #tpu.memory_space<hbm>> -> memref<1x10000xf32, #tpu.memory_space<hbm>>
      %dma_wait3A_17 = tpu.memref_squeeze %dma_wait3A_16 : memref<1x10000xf32, #tpu.memory_space<hbm>> -> memref<10000xf32, #tpu.memory_space<hbm>>
      %dma_wait3A_18 = arith.constant 0 : i32
      %dma_wait3A_19 = tpu.memref_slice %arg5[%add3A, %dma_wait3A_18] : memref<32x10000xf32, #tpu.memory_space<hbm>> -> memref<1x10000xf32, #tpu.memory_space<hbm>>
      %dma_wait3A_20 = tpu.memref_squeeze %dma_wait3A_19 : memref<1x10000xf32, #tpu.memory_space<hbm>> -> memref<10000xf32, #tpu.memory_space<hbm>>
      tpu.wait_dma2 semaphore(%run_scoped3A : memref<!tpu.dma_semaphore, #tpu.memory_space<semaphore_mem>>) src(%arg9 : memref<10000xf32, #tpu.memory_space<vmem>>) dst(%dma_wait3A_20 : memref<10000xf32, #tpu.memory_space<hbm>>)
      tpu.yield
    }) : () -> ()
    "tpu.region"() ({
      %run_scoped3A = tpu.sem_alloc : memref<!tpu.dma_semaphore, #tpu.memory_space<semaphore_mem>>
      %dma_start3A = arith.constant 0 : i32
      %dma_start3A_11 = tpu.memref_slice %arg6[%add3A, %dma_start3A] : memref<32x10000xf32, #tpu.memory_space<hbm>> -> memref<1x10000xf32, #tpu.memory_space<hbm>>
      %dma_start3A_12 = tpu.memref_squeeze %dma_start3A_11 : memref<1x10000xf32, #tpu.memory_space<hbm>> -> memref<10000xf32, #tpu.memory_space<hbm>>
      %dma_start3A_13 = arith.constant 0 : i32
      %dma_start3A_14 = tpu.memref_slice %arg6[%add3A, %dma_start3A_13] : memref<32x10000xf32, #tpu.memory_space<hbm>> -> memref<1x10000xf32, #tpu.memory_space<hbm>>
      %dma_start3A_15 = tpu.memref_squeeze %dma_start3A_14 : memref<1x10000xf32, #tpu.memory_space<hbm>> -> memref<10000xf32, #tpu.memory_space<hbm>>
      tpu.enqueue_dma source(%arg10 : memref<10000xf32, #tpu.memory_space<vmem>>) target(%dma_start3A_15 : memref<10000xf32, #tpu.memory_space<hbm>>) target_semaphore(%run_scoped3A : memref<!tpu.dma_semaphore, #tpu.memory_space<semaphore_mem>>)
      %dma_wait3A = arith.constant 0 : i32
      %dma_wait3A_16 = tpu.memref_slice %arg6[%add3A, %dma_wait3A] : memref<32x10000xf32, #tpu.memory_space<hbm>> -> memref<1x10000xf32, #tpu.memory_space<hbm>>
      %dma_wait3A_17 = tpu.memref_squeeze %dma_wait3A_16 : memref<1x10000xf32, #tpu.memory_space<hbm>> -> memref<10000xf32, #tpu.memory_space<hbm>>
      %dma_wait3A_18 = arith.constant 0 : i32
      %dma_wait3A_19 = tpu.memref_slice %arg6[%add3A, %dma_wait3A_18] : memref<32x10000xf32, #tpu.memory_space<hbm>> -> memref<1x10000xf32, #tpu.memory_space<hbm>>
      %dma_wait3A_20 = tpu.memref_squeeze %dma_wait3A_19 : memref<1x10000xf32, #tpu.memory_space<hbm>> -> memref<10000xf32, #tpu.memory_space<hbm>>
      tpu.wait_dma2 semaphore(%run_scoped3A : memref<!tpu.dma_semaphore, #tpu.memory_space<semaphore_mem>>) src(%arg10 : memref<10000xf32, #tpu.memory_space<vmem>>) dst(%dma_wait3A_20 : memref<10000xf32, #tpu.memory_space<hbm>>)
      tpu.yield
    }) : () -> ()
    return
  }
}

#map = affine_map<(d0, d1) -> (0, 0)>
#map1 = affine_map<(d0, d1) -> (0, 0, 0)>
module attributes {stable_mosaic.version = 14 : i64} {
  func.func @_sc_prop64(%arg0: i32, %arg1: i32, %arg2: memref<10000x64xf32, #tpu.memory_space<hbm>>, %arg3: memref<32x100x100xi32, #tpu.memory_space<hbm>>, %arg4: memref<32x100x100xi32, #tpu.memory_space<hbm>>, %arg5: memref<100x64xf32, #tpu.memory_space<hbm>>, %arg6: memref<2x10000x64xf32, #tpu.memory_space<hbm>>, %arg7: memref<100x100xi32, #tpu.memory_space<vmem>>, %arg8: memref<100x100xi32, #tpu.memory_space<vmem>>, %arg9: memref<100x64xf32, #tpu.memory_space<vmem>>, %arg10: memref<100x64xf32, #tpu.memory_space<vmem>>, %arg11: memref<100x64xf32, #tpu.memory_space<vmem>>, %arg12: memref<100x64xf32, #tpu.memory_space<vmem>>, %arg13: memref<100x64xf32, #tpu.memory_space<vmem>>, %arg14: memref<10000x64xf32, #tpu.memory_space<vmem_shared>>, %arg15: memref<!tpu.dma_semaphore, #tpu.memory_space<semaphore_mem>>, %arg16: memref<!tpu.dma_semaphore, #tpu.memory_space<semaphore_mem>>, %arg17: memref<!tpu.dma_semaphore, #tpu.memory_space<semaphore_mem>>, %arg18: memref<!tpu.dma_semaphore, #tpu.memory_space<semaphore_mem>>, %arg19: memref<!tpu.dma_semaphore, #tpu.memory_space<semaphore_mem>>, %arg20: memref<!tpu.dma_semaphore, #tpu.memory_space<semaphore_mem>>, %arg21: memref<!tpu.dma_semaphore, #tpu.memory_space<semaphore_mem>>, %arg22: memref<!tpu.dma_semaphore, #tpu.memory_space<semaphore_mem>>, %arg23: memref<!tpu.dma_semaphore, #tpu.memory_space<semaphore_mem>>, %arg24: memref<!tpu.dma_semaphore, #tpu.memory_space<semaphore_mem>>) attributes {dimension_semantics = [#tpu.dimension_semantics<core_parallel>, #tpu.dimension_semantics<subcore_parallel>], iteration_bounds = array<i64: 2, 16>, scalar_prefetch = 0 : i64, scratch_operands = 18 : i64, tpu.core_type = #tpu.core_type<sc_vector_subcore>, window_params = [{transform_indices = #map}, {transform_indices = #map1}, {transform_indices = #map1}, {transform_indices = #map}, {transform_indices = #map1}]} {
    %mul3A = arith.constant 2 : i32
    %mul3A_0 = arith.muli %arg1, %mul3A : i32
    %add3A = arith.addi %mul3A_0, %arg0 : i32
    "tpu.region"() ({
      %run_scoped3A = tpu.sem_alloc : memref<!tpu.dma_semaphore, #tpu.memory_space<semaphore_mem>>
      %dma_start3A = arith.constant 0 : i32
      %dma_start3A_57 = arith.constant 0 : i32
      %dma_start3A_58 = tpu.memref_slice %arg3[%add3A, %dma_start3A, %dma_start3A_57] : memref<32x100x100xi32, #tpu.memory_space<hbm>> -> memref<1x100x100xi32, #tpu.memory_space<hbm>>
      %dma_start3A_59 = tpu.memref_squeeze %dma_start3A_58 : memref<1x100x100xi32, #tpu.memory_space<hbm>> -> memref<100x100xi32, #tpu.memory_space<hbm>>
      %dma_start3A_60 = arith.constant 0 : i32
      %dma_start3A_61 = arith.constant 0 : i32
      %dma_start3A_62 = tpu.memref_slice %arg3[%add3A, %dma_start3A_60, %dma_start3A_61] : memref<32x100x100xi32, #tpu.memory_space<hbm>> -> memref<1x100x100xi32, #tpu.memory_space<hbm>>
      %dma_start3A_63 = tpu.memref_squeeze %dma_start3A_62 : memref<1x100x100xi32, #tpu.memory_space<hbm>> -> memref<100x100xi32, #tpu.memory_space<hbm>>
      tpu.enqueue_dma source(%dma_start3A_63 : memref<100x100xi32, #tpu.memory_space<hbm>>) target(%arg7 : memref<100x100xi32, #tpu.memory_space<vmem>>) target_semaphore(%run_scoped3A : memref<!tpu.dma_semaphore, #tpu.memory_space<semaphore_mem>>)
      %dma_wait3A_64 = arith.constant 0 : i32
      %dma_wait3A_65 = arith.constant 0 : i32
      %dma_wait3A_66 = tpu.memref_slice %arg3[%add3A, %dma_wait3A_64, %dma_wait3A_65] : memref<32x100x100xi32, #tpu.memory_space<hbm>> -> memref<1x100x100xi32, #tpu.memory_space<hbm>>
      %dma_wait3A_67 = tpu.memref_squeeze %dma_wait3A_66 : memref<1x100x100xi32, #tpu.memory_space<hbm>> -> memref<100x100xi32, #tpu.memory_space<hbm>>
      %dma_wait3A_68 = arith.constant 0 : i32
      %dma_wait3A_69 = arith.constant 0 : i32
      %dma_wait3A_70 = tpu.memref_slice %arg3[%add3A, %dma_wait3A_68, %dma_wait3A_69] : memref<32x100x100xi32, #tpu.memory_space<hbm>> -> memref<1x100x100xi32, #tpu.memory_space<hbm>>
      %dma_wait3A_71 = tpu.memref_squeeze %dma_wait3A_70 : memref<1x100x100xi32, #tpu.memory_space<hbm>> -> memref<100x100xi32, #tpu.memory_space<hbm>>
      tpu.wait_dma2 semaphore(%run_scoped3A : memref<!tpu.dma_semaphore, #tpu.memory_space<semaphore_mem>>) src(%dma_wait3A_71 : memref<100x100xi32, #tpu.memory_space<hbm>>) dst(%arg7 : memref<100x100xi32, #tpu.memory_space<vmem>>)
      tpu.yield
    }) : () -> ()
    "tpu.region"() ({
      %run_scoped3A = tpu.sem_alloc : memref<!tpu.dma_semaphore, #tpu.memory_space<semaphore_mem>>
      %dma_start3A = arith.constant 0 : i32
      %dma_start3A_57 = arith.constant 0 : i32
      %dma_start3A_58 = tpu.memref_slice %arg4[%add3A, %dma_start3A, %dma_start3A_57] : memref<32x100x100xi32, #tpu.memory_space<hbm>> -> memref<1x100x100xi32, #tpu.memory_space<hbm>>
      %dma_start3A_59 = tpu.memref_squeeze %dma_start3A_58 : memref<1x100x100xi32, #tpu.memory_space<hbm>> -> memref<100x100xi32, #tpu.memory_space<hbm>>
      %dma_start3A_60 = arith.constant 0 : i32
      %dma_start3A_61 = arith.constant 0 : i32
      %dma_start3A_62 = tpu.memref_slice %arg4[%add3A, %dma_start3A_60, %dma_start3A_61] : memref<32x100x100xi32, #tpu.memory_space<hbm>> -> memref<1x100x100xi32, #tpu.memory_space<hbm>>
      %dma_start3A_63 = tpu.memref_squeeze %dma_start3A_62 : memref<1x100x100xi32, #tpu.memory_space<hbm>> -> memref<100x100xi32, #tpu.memory_space<hbm>>
      tpu.enqueue_dma source(%dma_start3A_63 : memref<100x100xi32, #tpu.memory_space<hbm>>) target(%arg8 : memref<100x100xi32, #tpu.memory_space<vmem>>) target_semaphore(%run_scoped3A : memref<!tpu.dma_semaphore, #tpu.memory_space<semaphore_mem>>)
      %dma_wait3A_64 = arith.constant 0 : i32
      %dma_wait3A_65 = arith.constant 0 : i32
      %dma_wait3A_66 = tpu.memref_slice %arg4[%add3A, %dma_wait3A_64, %dma_wait3A_65] : memref<32x100x100xi32, #tpu.memory_space<hbm>> -> memref<1x100x100xi32, #tpu.memory_space<hbm>>
      %dma_wait3A_67 = tpu.memref_squeeze %dma_wait3A_66 : memref<1x100x100xi32, #tpu.memory_space<hbm>> -> memref<100x100xi32, #tpu.memory_space<hbm>>
      %dma_wait3A_68 = arith.constant 0 : i32
      %dma_wait3A_69 = arith.constant 0 : i32
      %dma_wait3A_70 = tpu.memref_slice %arg4[%add3A, %dma_wait3A_68, %dma_wait3A_69] : memref<32x100x100xi32, #tpu.memory_space<hbm>> -> memref<1x100x100xi32, #tpu.memory_space<hbm>>
      %dma_wait3A_71 = tpu.memref_squeeze %dma_wait3A_70 : memref<1x100x100xi32, #tpu.memory_space<hbm>> -> memref<100x100xi32, #tpu.memory_space<hbm>>
      tpu.wait_dma2 semaphore(%run_scoped3A : memref<!tpu.dma_semaphore, #tpu.memory_space<semaphore_mem>>) src(%dma_wait3A_71 : memref<100x100xi32, #tpu.memory_space<hbm>>) dst(%arg8 : memref<100x100xi32, #tpu.memory_space<vmem>>)
      tpu.yield
    }) : () -> ()
    %mul3A_1 = arith.constant 625 : i32
    %mul3A_2 = arith.muli %arg1, %mul3A_1 : i32
    "tpu.region"() ({
      %run_scoped3A = tpu.sem_alloc : memref<!tpu.dma_semaphore, #tpu.memory_space<semaphore_mem>>
      tpu.enqueue_dma source(%arg5 : memref<100x64xf32, #tpu.memory_space<hbm>>) target(%arg9 : memref<100x64xf32, #tpu.memory_space<vmem>>) target_semaphore(%run_scoped3A : memref<!tpu.dma_semaphore, #tpu.memory_space<semaphore_mem>>)
      tpu.wait_dma2 semaphore(%run_scoped3A : memref<!tpu.dma_semaphore, #tpu.memory_space<semaphore_mem>>) src(%arg5 : memref<100x64xf32, #tpu.memory_space<hbm>>) dst(%arg9 : memref<100x64xf32, #tpu.memory_space<vmem>>)
      tpu.yield
    }) : () -> ()
    %add3A_3 = arith.constant 0 : i32
    %add3A_4 = arith.addi %mul3A_2, %add3A_3 : i32
    "tpu.region"() ({
      %run_scoped3A = tpu.sem_alloc : memref<!tpu.dma_semaphore, #tpu.memory_space<semaphore_mem>>
      %dma_start3A = arith.constant 0 : i32
      %dma_start3A_57 = tpu.memref_slice %arg14[%add3A_4, %dma_start3A] : memref<10000x64xf32, #tpu.memory_space<vmem_shared>> -> memref<100x64xf32, #tpu.memory_space<vmem_shared>>
      %dma_start3A_58 = arith.constant 0 : i32
      %dma_start3A_59 = tpu.memref_slice %arg14[%add3A_4, %dma_start3A_58] : memref<10000x64xf32, #tpu.memory_space<vmem_shared>> -> memref<100x64xf32, #tpu.memory_space<vmem_shared>>
      tpu.enqueue_dma source(%arg9 : memref<100x64xf32, #tpu.memory_space<vmem>>) target(%dma_start3A_59 : memref<100x64xf32, #tpu.memory_space<vmem_shared>>) target_semaphore(%run_scoped3A : memref<!tpu.dma_semaphore, #tpu.memory_space<semaphore_mem>>)
      %dma_wait3A_60 = arith.constant 0 : i32
      %dma_wait3A_61 = tpu.memref_slice %arg14[%add3A_4, %dma_wait3A_60] : memref<10000x64xf32, #tpu.memory_space<vmem_shared>> -> memref<100x64xf32, #tpu.memory_space<vmem_shared>>
      %dma_wait3A_62 = arith.constant 0 : i32
      %dma_wait3A_63 = tpu.memref_slice %arg14[%add3A_4, %dma_wait3A_62] : memref<10000x64xf32, #tpu.memory_space<vmem_shared>> -> memref<100x64xf32, #tpu.memory_space<vmem_shared>>
      tpu.wait_dma2 semaphore(%run_scoped3A : memref<!tpu.dma_semaphore, #tpu.memory_space<semaphore_mem>>) src(%arg9 : memref<100x64xf32, #tpu.memory_space<vmem>>) dst(%dma_wait3A_63 : memref<100x64xf32, #tpu.memory_space<vmem_shared>>)
      tpu.yield
    }) : () -> ()
    %add3A_5 = arith.constant 100 : i32
    %add3A_6 = arith.addi %mul3A_2, %add3A_5 : i32
    "tpu.region"() ({
      %run_scoped3A = tpu.sem_alloc : memref<!tpu.dma_semaphore, #tpu.memory_space<semaphore_mem>>
      %dma_start3A = arith.constant 0 : i32
      %dma_start3A_57 = tpu.memref_slice %arg14[%add3A_6, %dma_start3A] : memref<10000x64xf32, #tpu.memory_space<vmem_shared>> -> memref<100x64xf32, #tpu.memory_space<vmem_shared>>
      %dma_start3A_58 = arith.constant 0 : i32
      %dma_start3A_59 = tpu.memref_slice %arg14[%add3A_6, %dma_start3A_58] : memref<10000x64xf32, #tpu.memory_space<vmem_shared>> -> memref<100x64xf32, #tpu.memory_space<vmem_shared>>
      tpu.enqueue_dma source(%arg9 : memref<100x64xf32, #tpu.memory_space<vmem>>) target(%dma_start3A_59 : memref<100x64xf32, #tpu.memory_space<vmem_shared>>) target_semaphore(%run_scoped3A : memref<!tpu.dma_semaphore, #tpu.memory_space<semaphore_mem>>)
      %dma_wait3A_60 = arith.constant 0 : i32
      %dma_wait3A_61 = tpu.memref_slice %arg14[%add3A_6, %dma_wait3A_60] : memref<10000x64xf32, #tpu.memory_space<vmem_shared>> -> memref<100x64xf32, #tpu.memory_space<vmem_shared>>
      %dma_wait3A_62 = arith.constant 0 : i32
      %dma_wait3A_63 = tpu.memref_slice %arg14[%add3A_6, %dma_wait3A_62] : memref<10000x64xf32, #tpu.memory_space<vmem_shared>> -> memref<100x64xf32, #tpu.memory_space<vmem_shared>>
      tpu.wait_dma2 semaphore(%run_scoped3A : memref<!tpu.dma_semaphore, #tpu.memory_space<semaphore_mem>>) src(%arg9 : memref<100x64xf32, #tpu.memory_space<vmem>>) dst(%dma_wait3A_63 : memref<100x64xf32, #tpu.memory_space<vmem_shared>>)
      tpu.yield
    }) : () -> ()
    %add3A_7 = arith.constant 200 : i32
    %add3A_8 = arith.addi %mul3A_2, %add3A_7 : i32
    "tpu.region"() ({
      %run_scoped3A = tpu.sem_alloc : memref<!tpu.dma_semaphore, #tpu.memory_space<semaphore_mem>>
      %dma_start3A = arith.constant 0 : i32
      %dma_start3A_57 = tpu.memref_slice %arg14[%add3A_8, %dma_start3A] : memref<10000x64xf32, #tpu.memory_space<vmem_shared>> -> memref<100x64xf32, #tpu.memory_space<vmem_shared>>
      %dma_start3A_58 = arith.constant 0 : i32
      %dma_start3A_59 = tpu.memref_slice %arg14[%add3A_8, %dma_start3A_58] : memref<10000x64xf32, #tpu.memory_space<vmem_shared>> -> memref<100x64xf32, #tpu.memory_space<vmem_shared>>
      tpu.enqueue_dma source(%arg9 : memref<100x64xf32, #tpu.memory_space<vmem>>) target(%dma_start3A_59 : memref<100x64xf32, #tpu.memory_space<vmem_shared>>) target_semaphore(%run_scoped3A : memref<!tpu.dma_semaphore, #tpu.memory_space<semaphore_mem>>)
      %dma_wait3A_60 = arith.constant 0 : i32
      %dma_wait3A_61 = tpu.memref_slice %arg14[%add3A_8, %dma_wait3A_60] : memref<10000x64xf32, #tpu.memory_space<vmem_shared>> -> memref<100x64xf32, #tpu.memory_space<vmem_shared>>
      %dma_wait3A_62 = arith.constant 0 : i32
      %dma_wait3A_63 = tpu.memref_slice %arg14[%add3A_8, %dma_wait3A_62] : memref<10000x64xf32, #tpu.memory_space<vmem_shared>> -> memref<100x64xf32, #tpu.memory_space<vmem_shared>>
      tpu.wait_dma2 semaphore(%run_scoped3A : memref<!tpu.dma_semaphore, #tpu.memory_space<semaphore_mem>>) src(%arg9 : memref<100x64xf32, #tpu.memory_space<vmem>>) dst(%dma_wait3A_63 : memref<100x64xf32, #tpu.memory_space<vmem_shared>>)
      tpu.yield
    }) : () -> ()
    %add3A_9 = arith.constant 300 : i32
    %add3A_10 = arith.addi %mul3A_2, %add3A_9 : i32
    "tpu.region"() ({
      %run_scoped3A = tpu.sem_alloc : memref<!tpu.dma_semaphore, #tpu.memory_space<semaphore_mem>>
      %dma_start3A = arith.constant 0 : i32
      %dma_start3A_57 = tpu.memref_slice %arg14[%add3A_10, %dma_start3A] : memref<10000x64xf32, #tpu.memory_space<vmem_shared>> -> memref<100x64xf32, #tpu.memory_space<vmem_shared>>
      %dma_start3A_58 = arith.constant 0 : i32
      %dma_start3A_59 = tpu.memref_slice %arg14[%add3A_10, %dma_start3A_58] : memref<10000x64xf32, #tpu.memory_space<vmem_shared>> -> memref<100x64xf32, #tpu.memory_space<vmem_shared>>
      tpu.enqueue_dma source(%arg9 : memref<100x64xf32, #tpu.memory_space<vmem>>) target(%dma_start3A_59 : memref<100x64xf32, #tpu.memory_space<vmem_shared>>) target_semaphore(%run_scoped3A : memref<!tpu.dma_semaphore, #tpu.memory_space<semaphore_mem>>)
      %dma_wait3A_60 = arith.constant 0 : i32
      %dma_wait3A_61 = tpu.memref_slice %arg14[%add3A_10, %dma_wait3A_60] : memref<10000x64xf32, #tpu.memory_space<vmem_shared>> -> memref<100x64xf32, #tpu.memory_space<vmem_shared>>
      %dma_wait3A_62 = arith.constant 0 : i32
      %dma_wait3A_63 = tpu.memref_slice %arg14[%add3A_10, %dma_wait3A_62] : memref<10000x64xf32, #tpu.memory_space<vmem_shared>> -> memref<100x64xf32, #tpu.memory_space<vmem_shared>>
      tpu.wait_dma2 semaphore(%run_scoped3A : memref<!tpu.dma_semaphore, #tpu.memory_space<semaphore_mem>>) src(%arg9 : memref<100x64xf32, #tpu.memory_space<vmem>>) dst(%dma_wait3A_63 : memref<100x64xf32, #tpu.memory_space<vmem_shared>>)
      tpu.yield
    }) : () -> ()
    %add3A_11 = arith.constant 400 : i32
    %add3A_12 = arith.addi %mul3A_2, %add3A_11 : i32
    "tpu.region"() ({
      %run_scoped3A = tpu.sem_alloc : memref<!tpu.dma_semaphore, #tpu.memory_space<semaphore_mem>>
      %dma_start3A = arith.constant 0 : i32
      %dma_start3A_57 = tpu.memref_slice %arg14[%add3A_12, %dma_start3A] : memref<10000x64xf32, #tpu.memory_space<vmem_shared>> -> memref<100x64xf32, #tpu.memory_space<vmem_shared>>
      %dma_start3A_58 = arith.constant 0 : i32
      %dma_start3A_59 = tpu.memref_slice %arg14[%add3A_12, %dma_start3A_58] : memref<10000x64xf32, #tpu.memory_space<vmem_shared>> -> memref<100x64xf32, #tpu.memory_space<vmem_shared>>
      tpu.enqueue_dma source(%arg9 : memref<100x64xf32, #tpu.memory_space<vmem>>) target(%dma_start3A_59 : memref<100x64xf32, #tpu.memory_space<vmem_shared>>) target_semaphore(%run_scoped3A : memref<!tpu.dma_semaphore, #tpu.memory_space<semaphore_mem>>)
      %dma_wait3A_60 = arith.constant 0 : i32
      %dma_wait3A_61 = tpu.memref_slice %arg14[%add3A_12, %dma_wait3A_60] : memref<10000x64xf32, #tpu.memory_space<vmem_shared>> -> memref<100x64xf32, #tpu.memory_space<vmem_shared>>
      %dma_wait3A_62 = arith.constant 0 : i32
      %dma_wait3A_63 = tpu.memref_slice %arg14[%add3A_12, %dma_wait3A_62] : memref<10000x64xf32, #tpu.memory_space<vmem_shared>> -> memref<100x64xf32, #tpu.memory_space<vmem_shared>>
      tpu.wait_dma2 semaphore(%run_scoped3A : memref<!tpu.dma_semaphore, #tpu.memory_space<semaphore_mem>>) src(%arg9 : memref<100x64xf32, #tpu.memory_space<vmem>>) dst(%dma_wait3A_63 : memref<100x64xf32, #tpu.memory_space<vmem_shared>>)
      tpu.yield
    }) : () -> ()
    %add3A_13 = arith.constant 500 : i32
    %add3A_14 = arith.addi %mul3A_2, %add3A_13 : i32
    "tpu.region"() ({
      %run_scoped3A = tpu.sem_alloc : memref<!tpu.dma_semaphore, #tpu.memory_space<semaphore_mem>>
      %dma_start3A = arith.constant 0 : i32
      %dma_start3A_57 = tpu.memref_slice %arg14[%add3A_14, %dma_start3A] : memref<10000x64xf32, #tpu.memory_space<vmem_shared>> -> memref<100x64xf32, #tpu.memory_space<vmem_shared>>
      %dma_start3A_58 = arith.constant 0 : i32
      %dma_start3A_59 = tpu.memref_slice %arg14[%add3A_14, %dma_start3A_58] : memref<10000x64xf32, #tpu.memory_space<vmem_shared>> -> memref<100x64xf32, #tpu.memory_space<vmem_shared>>
      tpu.enqueue_dma source(%arg9 : memref<100x64xf32, #tpu.memory_space<vmem>>) target(%dma_start3A_59 : memref<100x64xf32, #tpu.memory_space<vmem_shared>>) target_semaphore(%run_scoped3A : memref<!tpu.dma_semaphore, #tpu.memory_space<semaphore_mem>>)
      %dma_wait3A_60 = arith.constant 0 : i32
      %dma_wait3A_61 = tpu.memref_slice %arg14[%add3A_14, %dma_wait3A_60] : memref<10000x64xf32, #tpu.memory_space<vmem_shared>> -> memref<100x64xf32, #tpu.memory_space<vmem_shared>>
      %dma_wait3A_62 = arith.constant 0 : i32
      %dma_wait3A_63 = tpu.memref_slice %arg14[%add3A_14, %dma_wait3A_62] : memref<10000x64xf32, #tpu.memory_space<vmem_shared>> -> memref<100x64xf32, #tpu.memory_space<vmem_shared>>
      tpu.wait_dma2 semaphore(%run_scoped3A : memref<!tpu.dma_semaphore, #tpu.memory_space<semaphore_mem>>) src(%arg9 : memref<100x64xf32, #tpu.memory_space<vmem>>) dst(%dma_wait3A_63 : memref<100x64xf32, #tpu.memory_space<vmem_shared>>)
      tpu.yield
    }) : () -> ()
    %add3A_15 = arith.constant 600 : i32
    %add3A_16 = arith.addi %mul3A_2, %add3A_15 : i32
    "tpu.region"() ({
      %run_scoped3A = tpu.sem_alloc : memref<!tpu.dma_semaphore, #tpu.memory_space<semaphore_mem>>
      %dma_start3A = arith.constant 0 : i32
      %dma_start3A_57 = arith.constant 0 : i32
      %dma_start3A_58 = tpu.memref_slice %arg9[%dma_start3A, %dma_start3A_57] : memref<100x64xf32, #tpu.memory_space<vmem>> -> memref<25x64xf32, #tpu.memory_space<vmem>>
      %dma_start3A_59 = arith.constant 0 : i32
      %dma_start3A_60 = tpu.memref_slice %arg14[%add3A_16, %dma_start3A_59] : memref<10000x64xf32, #tpu.memory_space<vmem_shared>> -> memref<25x64xf32, #tpu.memory_space<vmem_shared>>
      %dma_start3A_61 = arith.constant 0 : i32
      %dma_start3A_62 = tpu.memref_slice %arg14[%add3A_16, %dma_start3A_61] : memref<10000x64xf32, #tpu.memory_space<vmem_shared>> -> memref<25x64xf32, #tpu.memory_space<vmem_shared>>
      %dma_start3A_63 = arith.constant 0 : i32
      %dma_start3A_64 = arith.constant 0 : i32
      %dma_start3A_65 = tpu.memref_slice %arg9[%dma_start3A_63, %dma_start3A_64] : memref<100x64xf32, #tpu.memory_space<vmem>> -> memref<25x64xf32, #tpu.memory_space<vmem>>
      tpu.enqueue_dma source(%dma_start3A_65 : memref<25x64xf32, #tpu.memory_space<vmem>>) target(%dma_start3A_62 : memref<25x64xf32, #tpu.memory_space<vmem_shared>>) target_semaphore(%run_scoped3A : memref<!tpu.dma_semaphore, #tpu.memory_space<semaphore_mem>>)
      %dma_wait3A_66 = arith.constant 0 : i32
      %dma_wait3A_67 = arith.constant 0 : i32
      %dma_wait3A_68 = tpu.memref_slice %arg9[%dma_wait3A_66, %dma_wait3A_67] : memref<100x64xf32, #tpu.memory_space<vmem>> -> memref<25x64xf32, #tpu.memory_space<vmem>>
      %dma_wait3A_69 = arith.constant 0 : i32
      %dma_wait3A_70 = tpu.memref_slice %arg14[%add3A_16, %dma_wait3A_69] : memref<10000x64xf32, #tpu.memory_space<vmem_shared>> -> memref<25x64xf32, #tpu.memory_space<vmem_shared>>
      %dma_wait3A_71 = arith.constant 0 : i32
      %dma_wait3A_72 = tpu.memref_slice %arg14[%add3A_16, %dma_wait3A_71] : memref<10000x64xf32, #tpu.memory_space<vmem_shared>> -> memref<25x64xf32, #tpu.memory_space<vmem_shared>>
      %dma_wait3A_73 = arith.constant 0 : i32
      %dma_wait3A_74 = arith.constant 0 : i32
      %dma_wait3A_75 = tpu.memref_slice %arg9[%dma_wait3A_73, %dma_wait3A_74] : memref<100x64xf32, #tpu.memory_space<vmem>> -> memref<25x64xf32, #tpu.memory_space<vmem>>
      tpu.wait_dma2 semaphore(%run_scoped3A : memref<!tpu.dma_semaphore, #tpu.memory_space<semaphore_mem>>) src(%dma_wait3A_75 : memref<25x64xf32, #tpu.memory_space<vmem>>) dst(%dma_wait3A_72 : memref<25x64xf32, #tpu.memory_space<vmem_shared>>)
      tpu.yield
    }) : () -> ()
    %barrier3A = arith.constant 0 : index
    tpu.barrier barrier_id(%barrier3A)
    %scan3A = arith.constant 0 : i32
    %scan3A_17 = arith.constant 0 : i32
    %scan3A_18 = arith.constant 20 : i32
    %scan3A_19 = arith.addi %scan3A_17, %scan3A_18 : i32
    %scan3A_20 = arith.constant 1 : i32
    scf.for %scan3A_57 = %scan3A_17 to %scan3A_19 step %scan3A_20  : i32 {
      %mul3A_58 = arith.constant 5 : i32
      %mul3A_59 = arith.muli %scan3A_57, %mul3A_58 : i32
      %gt3A = arith.constant 0 : i32
      %gt3A_60 = arith.cmpi sgt, %scan3A_57, %gt3A : i32
      %convert_element_type3A = arith.extui %gt3A_60 : i1 to i32
      %cond3A = arith.constant 0 : i32
      %cond3A_61 = arith.cmpi ne, %convert_element_type3A, %cond3A : i32
      scf.if %cond3A_61 {
        %add3A_201 = arith.constant 0 : i32
        %add3A_202 = arith.addi %mul3A_59, %add3A_201 : i32
        %dma_wait3A_203 = arith.constant 0 : i32
        %dma_wait3A_204 = tpu.memref_slice %arg8[%add3A_202, %dma_wait3A_203] : memref<100x100xi32, #tpu.memory_space<vmem>> -> memref<1x100xi32, #tpu.memory_space<vmem>>
        %dma_wait3A_205 = tpu.memref_squeeze %dma_wait3A_204 : memref<1x100xi32, #tpu.memory_space<vmem>> -> memref<100xi32, #tpu.memory_space<vmem>>
        %dma_wait3A_206 = arith.constant 0 : i32
        %dma_wait3A_207 = arith.constant 0 : i32
        %dma_wait3A_208 = tpu.memref_slice %arg14[%dma_wait3A_206, %dma_wait3A_207] : memref<10000x64xf32, #tpu.memory_space<vmem_shared>> -> memref<10000x64xf32, #tpu.memory_space<vmem_shared>>
        tpu.wait_indirect_dma semaphore(%arg20 : memref<!tpu.dma_semaphore, #tpu.memory_space<semaphore_mem>>) src(%arg9 : memref<100x64xf32, #tpu.memory_space<vmem>>) dst(%dma_wait3A_208 : memref<10000x64xf32, #tpu.memory_space<vmem_shared>>)
      } else {
      }
      %add3A_62 = arith.constant 0 : i32
      %add3A_63 = arith.addi %mul3A_59, %add3A_62 : i32
      %dma_start3A = arith.constant 0 : i32
      %dma_start3A_64 = tpu.memref_slice %arg7[%add3A_63, %dma_start3A] : memref<100x100xi32, #tpu.memory_space<vmem>> -> memref<1x100xi32, #tpu.memory_space<vmem>>
      %dma_start3A_65 = tpu.memref_squeeze %dma_start3A_64 : memref<1x100xi32, #tpu.memory_space<vmem>> -> memref<100xi32, #tpu.memory_space<vmem>>
      %dma_start3A_66 = arith.constant 0 : i32
      %dma_start3A_67 = arith.constant 0 : i32
      %dma_start3A_68 = tpu.memref_slice %arg2[%dma_start3A_66, %dma_start3A_67] : memref<10000x64xf32, #tpu.memory_space<hbm>> -> memref<10000x64xf32, #tpu.memory_space<hbm>>
      tpu.enqueue_indirect_dma source(%dma_start3A_68 : memref<10000x64xf32, #tpu.memory_space<hbm>>) target(%arg9 : memref<100x64xf32, #tpu.memory_space<vmem>>) offsets(%dma_start3A_65 : memref<100xi32, #tpu.memory_space<vmem>>) semaphore(%arg15 : memref<!tpu.dma_semaphore, #tpu.memory_space<semaphore_mem>>)
      %gt3A_69 = arith.constant 0 : i32
      %gt3A_70 = arith.cmpi sgt, %scan3A_57, %gt3A_69 : i32
      %convert_element_type3A_71 = arith.extui %gt3A_70 : i1 to i32
      %cond3A_72 = arith.constant 0 : i32
      %cond3A_73 = arith.cmpi ne, %convert_element_type3A_71, %cond3A_72 : i32
      scf.if %cond3A_73 {
        %add3A_201 = arith.constant 1 : i32
        %add3A_202 = arith.addi %mul3A_59, %add3A_201 : i32
        %dma_wait3A_203 = arith.constant 0 : i32
        %dma_wait3A_204 = tpu.memref_slice %arg8[%add3A_202, %dma_wait3A_203] : memref<100x100xi32, #tpu.memory_space<vmem>> -> memref<1x100xi32, #tpu.memory_space<vmem>>
        %dma_wait3A_205 = tpu.memref_squeeze %dma_wait3A_204 : memref<1x100xi32, #tpu.memory_space<vmem>> -> memref<100xi32, #tpu.memory_space<vmem>>
        %dma_wait3A_206 = arith.constant 0 : i32
        %dma_wait3A_207 = arith.constant 0 : i32
        %dma_wait3A_208 = tpu.memref_slice %arg14[%dma_wait3A_206, %dma_wait3A_207] : memref<10000x64xf32, #tpu.memory_space<vmem_shared>> -> memref<10000x64xf32, #tpu.memory_space<vmem_shared>>
        tpu.wait_indirect_dma semaphore(%arg21 : memref<!tpu.dma_semaphore, #tpu.memory_space<semaphore_mem>>) src(%arg10 : memref<100x64xf32, #tpu.memory_space<vmem>>) dst(%dma_wait3A_208 : memref<10000x64xf32, #tpu.memory_space<vmem_shared>>)
      } else {
      }
      %add3A_74 = arith.constant 1 : i32
      %add3A_75 = arith.addi %mul3A_59, %add3A_74 : i32
      %dma_start3A_76 = arith.constant 0 : i32
      %dma_start3A_77 = tpu.memref_slice %arg7[%add3A_75, %dma_start3A_76] : memref<100x100xi32, #tpu.memory_space<vmem>> -> memref<1x100xi32, #tpu.memory_space<vmem>>
      %dma_start3A_78 = tpu.memref_squeeze %dma_start3A_77 : memref<1x100xi32, #tpu.memory_space<vmem>> -> memref<100xi32, #tpu.memory_space<vmem>>
      %dma_start3A_79 = arith.constant 0 : i32
      %dma_start3A_80 = arith.constant 0 : i32
      %dma_start3A_81 = tpu.memref_slice %arg2[%dma_start3A_79, %dma_start3A_80] : memref<10000x64xf32, #tpu.memory_space<hbm>> -> memref<10000x64xf32, #tpu.memory_space<hbm>>
      tpu.enqueue_indirect_dma source(%dma_start3A_81 : memref<10000x64xf32, #tpu.memory_space<hbm>>) target(%arg10 : memref<100x64xf32, #tpu.memory_space<vmem>>) offsets(%dma_start3A_78 : memref<100xi32, #tpu.memory_space<vmem>>) semaphore(%arg16 : memref<!tpu.dma_semaphore, #tpu.memory_space<semaphore_mem>>)
      %gt3A_82 = arith.constant 0 : i32
      %gt3A_83 = arith.cmpi sgt, %scan3A_57, %gt3A_82 : i32
      %convert_element_type3A_84 = arith.extui %gt3A_83 : i1 to i32
      %cond3A_85 = arith.constant 0 : i32
      %cond3A_86 = arith.cmpi ne, %convert_element_type3A_84, %cond3A_85 : i32
      scf.if %cond3A_86 {
        %add3A_201 = arith.constant 2 : i32
        %add3A_202 = arith.addi %mul3A_59, %add3A_201 : i32
        %dma_wait3A_203 = arith.constant 0 : i32
        %dma_wait3A_204 = tpu.memref_slice %arg8[%add3A_202, %dma_wait3A_203] : memref<100x100xi32, #tpu.memory_space<vmem>> -> memref<1x100xi32, #tpu.memory_space<vmem>>
        %dma_wait3A_205 = tpu.memref_squeeze %dma_wait3A_204 : memref<1x100xi32, #tpu.memory_space<vmem>> -> memref<100xi32, #tpu.memory_space<vmem>>
        %dma_wait3A_206 = arith.constant 0 : i32
        %dma_wait3A_207 = arith.constant 0 : i32
        %dma_wait3A_208 = tpu.memref_slice %arg14[%dma_wait3A_206, %dma_wait3A_207] : memref<10000x64xf32, #tpu.memory_space<vmem_shared>> -> memref<10000x64xf32, #tpu.memory_space<vmem_shared>>
        tpu.wait_indirect_dma semaphore(%arg22 : memref<!tpu.dma_semaphore, #tpu.memory_space<semaphore_mem>>) src(%arg11 : memref<100x64xf32, #tpu.memory_space<vmem>>) dst(%dma_wait3A_208 : memref<10000x64xf32, #tpu.memory_space<vmem_shared>>)
      } else {
      }
      %add3A_87 = arith.constant 2 : i32
      %add3A_88 = arith.addi %mul3A_59, %add3A_87 : i32
      %dma_start3A_89 = arith.constant 0 : i32
      %dma_start3A_90 = tpu.memref_slice %arg7[%add3A_88, %dma_start3A_89] : memref<100x100xi32, #tpu.memory_space<vmem>> -> memref<1x100xi32, #tpu.memory_space<vmem>>
      %dma_start3A_91 = tpu.memref_squeeze %dma_start3A_90 : memref<1x100xi32, #tpu.memory_space<vmem>> -> memref<100xi32, #tpu.memory_space<vmem>>
      %dma_start3A_92 = arith.constant 0 : i32
      %dma_start3A_93 = arith.constant 0 : i32
      %dma_start3A_94 = tpu.memref_slice %arg2[%dma_start3A_92, %dma_start3A_93] : memref<10000x64xf32, #tpu.memory_space<hbm>> -> memref<10000x64xf32, #tpu.memory_space<hbm>>
      tpu.enqueue_indirect_dma source(%dma_start3A_94 : memref<10000x64xf32, #tpu.memory_space<hbm>>) target(%arg11 : memref<100x64xf32, #tpu.memory_space<vmem>>) offsets(%dma_start3A_91 : memref<100xi32, #tpu.memory_space<vmem>>) semaphore(%arg17 : memref<!tpu.dma_semaphore, #tpu.memory_space<semaphore_mem>>)
      %gt3A_95 = arith.constant 0 : i32
      %gt3A_96 = arith.cmpi sgt, %scan3A_57, %gt3A_95 : i32
      %convert_element_type3A_97 = arith.extui %gt3A_96 : i1 to i32
      %cond3A_98 = arith.constant 0 : i32
      %cond3A_99 = arith.cmpi ne, %convert_element_type3A_97, %cond3A_98 : i32
      scf.if %cond3A_99 {
        %add3A_201 = arith.constant 3 : i32
        %add3A_202 = arith.addi %mul3A_59, %add3A_201 : i32
        %dma_wait3A_203 = arith.constant 0 : i32
        %dma_wait3A_204 = tpu.memref_slice %arg8[%add3A_202, %dma_wait3A_203] : memref<100x100xi32, #tpu.memory_space<vmem>> -> memref<1x100xi32, #tpu.memory_space<vmem>>
        %dma_wait3A_205 = tpu.memref_squeeze %dma_wait3A_204 : memref<1x100xi32, #tpu.memory_space<vmem>> -> memref<100xi32, #tpu.memory_space<vmem>>
        %dma_wait3A_206 = arith.constant 0 : i32
        %dma_wait3A_207 = arith.constant 0 : i32
        %dma_wait3A_208 = tpu.memref_slice %arg14[%dma_wait3A_206, %dma_wait3A_207] : memref<10000x64xf32, #tpu.memory_space<vmem_shared>> -> memref<10000x64xf32, #tpu.memory_space<vmem_shared>>
        tpu.wait_indirect_dma semaphore(%arg23 : memref<!tpu.dma_semaphore, #tpu.memory_space<semaphore_mem>>) src(%arg12 : memref<100x64xf32, #tpu.memory_space<vmem>>) dst(%dma_wait3A_208 : memref<10000x64xf32, #tpu.memory_space<vmem_shared>>)
      } else {
      }
      %add3A_100 = arith.constant 3 : i32
      %add3A_101 = arith.addi %mul3A_59, %add3A_100 : i32
      %dma_start3A_102 = arith.constant 0 : i32
      %dma_start3A_103 = tpu.memref_slice %arg7[%add3A_101, %dma_start3A_102] : memref<100x100xi32, #tpu.memory_space<vmem>> -> memref<1x100xi32, #tpu.memory_space<vmem>>
      %dma_start3A_104 = tpu.memref_squeeze %dma_start3A_103 : memref<1x100xi32, #tpu.memory_space<vmem>> -> memref<100xi32, #tpu.memory_space<vmem>>
      %dma_start3A_105 = arith.constant 0 : i32
      %dma_start3A_106 = arith.constant 0 : i32
      %dma_start3A_107 = tpu.memref_slice %arg2[%dma_start3A_105, %dma_start3A_106] : memref<10000x64xf32, #tpu.memory_space<hbm>> -> memref<10000x64xf32, #tpu.memory_space<hbm>>
      tpu.enqueue_indirect_dma source(%dma_start3A_107 : memref<10000x64xf32, #tpu.memory_space<hbm>>) target(%arg12 : memref<100x64xf32, #tpu.memory_space<vmem>>) offsets(%dma_start3A_104 : memref<100xi32, #tpu.memory_space<vmem>>) semaphore(%arg18 : memref<!tpu.dma_semaphore, #tpu.memory_space<semaphore_mem>>)
      %gt3A_108 = arith.constant 0 : i32
      %gt3A_109 = arith.cmpi sgt, %scan3A_57, %gt3A_108 : i32
      %convert_element_type3A_110 = arith.extui %gt3A_109 : i1 to i32
      %cond3A_111 = arith.constant 0 : i32
      %cond3A_112 = arith.cmpi ne, %convert_element_type3A_110, %cond3A_111 : i32
      scf.if %cond3A_112 {
        %add3A_201 = arith.constant 4 : i32
        %add3A_202 = arith.addi %mul3A_59, %add3A_201 : i32
        %dma_wait3A_203 = arith.constant 0 : i32
        %dma_wait3A_204 = tpu.memref_slice %arg8[%add3A_202, %dma_wait3A_203] : memref<100x100xi32, #tpu.memory_space<vmem>> -> memref<1x100xi32, #tpu.memory_space<vmem>>
        %dma_wait3A_205 = tpu.memref_squeeze %dma_wait3A_204 : memref<1x100xi32, #tpu.memory_space<vmem>> -> memref<100xi32, #tpu.memory_space<vmem>>
        %dma_wait3A_206 = arith.constant 0 : i32
        %dma_wait3A_207 = arith.constant 0 : i32
        %dma_wait3A_208 = tpu.memref_slice %arg14[%dma_wait3A_206, %dma_wait3A_207] : memref<10000x64xf32, #tpu.memory_space<vmem_shared>> -> memref<10000x64xf32, #tpu.memory_space<vmem_shared>>
        tpu.wait_indirect_dma semaphore(%arg24 : memref<!tpu.dma_semaphore, #tpu.memory_space<semaphore_mem>>) src(%arg13 : memref<100x64xf32, #tpu.memory_space<vmem>>) dst(%dma_wait3A_208 : memref<10000x64xf32, #tpu.memory_space<vmem_shared>>)
      } else {
      }
      %add3A_113 = arith.constant 4 : i32
      %add3A_114 = arith.addi %mul3A_59, %add3A_113 : i32
      %dma_start3A_115 = arith.constant 0 : i32
      %dma_start3A_116 = tpu.memref_slice %arg7[%add3A_114, %dma_start3A_115] : memref<100x100xi32, #tpu.memory_space<vmem>> -> memref<1x100xi32, #tpu.memory_space<vmem>>
      %dma_start3A_117 = tpu.memref_squeeze %dma_start3A_116 : memref<1x100xi32, #tpu.memory_space<vmem>> -> memref<100xi32, #tpu.memory_space<vmem>>
      %dma_start3A_118 = arith.constant 0 : i32
      %dma_start3A_119 = arith.constant 0 : i32
      %dma_start3A_120 = tpu.memref_slice %arg2[%dma_start3A_118, %dma_start3A_119] : memref<10000x64xf32, #tpu.memory_space<hbm>> -> memref<10000x64xf32, #tpu.memory_space<hbm>>
      tpu.enqueue_indirect_dma source(%dma_start3A_120 : memref<10000x64xf32, #tpu.memory_space<hbm>>) target(%arg13 : memref<100x64xf32, #tpu.memory_space<vmem>>) offsets(%dma_start3A_117 : memref<100xi32, #tpu.memory_space<vmem>>) semaphore(%arg19 : memref<!tpu.dma_semaphore, #tpu.memory_space<semaphore_mem>>)
      %add3A_121 = arith.constant 0 : i32
      %add3A_122 = arith.addi %mul3A_59, %add3A_121 : i32
      %dma_wait3A_123 = arith.constant 0 : i32
      %dma_wait3A_124 = tpu.memref_slice %arg7[%add3A_122, %dma_wait3A_123] : memref<100x100xi32, #tpu.memory_space<vmem>> -> memref<1x100xi32, #tpu.memory_space<vmem>>
      %dma_wait3A_125 = tpu.memref_squeeze %dma_wait3A_124 : memref<1x100xi32, #tpu.memory_space<vmem>> -> memref<100xi32, #tpu.memory_space<vmem>>
      %dma_wait3A_126 = arith.constant 0 : i32
      %dma_wait3A_127 = arith.constant 0 : i32
      %dma_wait3A_128 = tpu.memref_slice %arg2[%dma_wait3A_126, %dma_wait3A_127] : memref<10000x64xf32, #tpu.memory_space<hbm>> -> memref<10000x64xf32, #tpu.memory_space<hbm>>
      tpu.wait_indirect_dma semaphore(%arg15 : memref<!tpu.dma_semaphore, #tpu.memory_space<semaphore_mem>>) src(%dma_wait3A_128 : memref<10000x64xf32, #tpu.memory_space<hbm>>) dst(%arg9 : memref<100x64xf32, #tpu.memory_space<vmem>>)
      %add3A_129 = arith.constant 0 : i32
      %add3A_130 = arith.addi %mul3A_59, %add3A_129 : i32
      %dma_start3A_131 = arith.constant 0 : i32
      %dma_start3A_132 = tpu.memref_slice %arg8[%add3A_130, %dma_start3A_131] : memref<100x100xi32, #tpu.memory_space<vmem>> -> memref<1x100xi32, #tpu.memory_space<vmem>>
      %dma_start3A_133 = tpu.memref_squeeze %dma_start3A_132 : memref<1x100xi32, #tpu.memory_space<vmem>> -> memref<100xi32, #tpu.memory_space<vmem>>
      %dma_start3A_134 = arith.constant 0 : i32
      %dma_start3A_135 = arith.constant 0 : i32
      %dma_start3A_136 = tpu.memref_slice %arg14[%dma_start3A_134, %dma_start3A_135] : memref<10000x64xf32, #tpu.memory_space<vmem_shared>> -> memref<10000x64xf32, #tpu.memory_space<vmem_shared>>
      tpu.enqueue_indirect_dma source(%arg9 : memref<100x64xf32, #tpu.memory_space<vmem>>) target(%dma_start3A_136 : memref<10000x64xf32, #tpu.memory_space<vmem_shared>>) offsets(%dma_start3A_133 : memref<100xi32, #tpu.memory_space<vmem>>) semaphore(%arg20 : memref<!tpu.dma_semaphore, #tpu.memory_space<semaphore_mem>>) {add = true}
      %add3A_137 = arith.constant 1 : i32
      %add3A_138 = arith.addi %mul3A_59, %add3A_137 : i32
      %dma_wait3A_139 = arith.constant 0 : i32
      %dma_wait3A_140 = tpu.memref_slice %arg7[%add3A_138, %dma_wait3A_139] : memref<100x100xi32, #tpu.memory_space<vmem>> -> memref<1x100xi32, #tpu.memory_space<vmem>>
      %dma_wait3A_141 = tpu.memref_squeeze %dma_wait3A_140 : memref<1x100xi32, #tpu.memory_space<vmem>> -> memref<100xi32, #tpu.memory_space<vmem>>
      %dma_wait3A_142 = arith.constant 0 : i32
      %dma_wait3A_143 = arith.constant 0 : i32
      %dma_wait3A_144 = tpu.memref_slice %arg2[%dma_wait3A_142, %dma_wait3A_143] : memref<10000x64xf32, #tpu.memory_space<hbm>> -> memref<10000x64xf32, #tpu.memory_space<hbm>>
      tpu.wait_indirect_dma semaphore(%arg16 : memref<!tpu.dma_semaphore, #tpu.memory_space<semaphore_mem>>) src(%dma_wait3A_144 : memref<10000x64xf32, #tpu.memory_space<hbm>>) dst(%arg10 : memref<100x64xf32, #tpu.memory_space<vmem>>)
      %add3A_145 = arith.constant 1 : i32
      %add3A_146 = arith.addi %mul3A_59, %add3A_145 : i32
      %dma_start3A_147 = arith.constant 0 : i32
      %dma_start3A_148 = tpu.memref_slice %arg8[%add3A_146, %dma_start3A_147] : memref<100x100xi32, #tpu.memory_space<vmem>> -> memref<1x100xi32, #tpu.memory_space<vmem>>
      %dma_start3A_149 = tpu.memref_squeeze %dma_start3A_148 : memref<1x100xi32, #tpu.memory_space<vmem>> -> memref<100xi32, #tpu.memory_space<vmem>>
      %dma_start3A_150 = arith.constant 0 : i32
      %dma_start3A_151 = arith.constant 0 : i32
      %dma_start3A_152 = tpu.memref_slice %arg14[%dma_start3A_150, %dma_start3A_151] : memref<10000x64xf32, #tpu.memory_space<vmem_shared>> -> memref<10000x64xf32, #tpu.memory_space<vmem_shared>>
      tpu.enqueue_indirect_dma source(%arg10 : memref<100x64xf32, #tpu.memory_space<vmem>>) target(%dma_start3A_152 : memref<10000x64xf32, #tpu.memory_space<vmem_shared>>) offsets(%dma_start3A_149 : memref<100xi32, #tpu.memory_space<vmem>>) semaphore(%arg21 : memref<!tpu.dma_semaphore, #tpu.memory_space<semaphore_mem>>) {add = true}
      %add3A_153 = arith.constant 2 : i32
      %add3A_154 = arith.addi %mul3A_59, %add3A_153 : i32
      %dma_wait3A_155 = arith.constant 0 : i32
      %dma_wait3A_156 = tpu.memref_slice %arg7[%add3A_154, %dma_wait3A_155] : memref<100x100xi32, #tpu.memory_space<vmem>> -> memref<1x100xi32, #tpu.memory_space<vmem>>
      %dma_wait3A_157 = tpu.memref_squeeze %dma_wait3A_156 : memref<1x100xi32, #tpu.memory_space<vmem>> -> memref<100xi32, #tpu.memory_space<vmem>>
      %dma_wait3A_158 = arith.constant 0 : i32
      %dma_wait3A_159 = arith.constant 0 : i32
      %dma_wait3A_160 = tpu.memref_slice %arg2[%dma_wait3A_158, %dma_wait3A_159] : memref<10000x64xf32, #tpu.memory_space<hbm>> -> memref<10000x64xf32, #tpu.memory_space<hbm>>
      tpu.wait_indirect_dma semaphore(%arg17 : memref<!tpu.dma_semaphore, #tpu.memory_space<semaphore_mem>>) src(%dma_wait3A_160 : memref<10000x64xf32, #tpu.memory_space<hbm>>) dst(%arg11 : memref<100x64xf32, #tpu.memory_space<vmem>>)
      %add3A_161 = arith.constant 2 : i32
      %add3A_162 = arith.addi %mul3A_59, %add3A_161 : i32
      %dma_start3A_163 = arith.constant 0 : i32
      %dma_start3A_164 = tpu.memref_slice %arg8[%add3A_162, %dma_start3A_163] : memref<100x100xi32, #tpu.memory_space<vmem>> -> memref<1x100xi32, #tpu.memory_space<vmem>>
      %dma_start3A_165 = tpu.memref_squeeze %dma_start3A_164 : memref<1x100xi32, #tpu.memory_space<vmem>> -> memref<100xi32, #tpu.memory_space<vmem>>
      %dma_start3A_166 = arith.constant 0 : i32
      %dma_start3A_167 = arith.constant 0 : i32
      %dma_start3A_168 = tpu.memref_slice %arg14[%dma_start3A_166, %dma_start3A_167] : memref<10000x64xf32, #tpu.memory_space<vmem_shared>> -> memref<10000x64xf32, #tpu.memory_space<vmem_shared>>
      tpu.enqueue_indirect_dma source(%arg11 : memref<100x64xf32, #tpu.memory_space<vmem>>) target(%dma_start3A_168 : memref<10000x64xf32, #tpu.memory_space<vmem_shared>>) offsets(%dma_start3A_165 : memref<100xi32, #tpu.memory_space<vmem>>) semaphore(%arg22 : memref<!tpu.dma_semaphore, #tpu.memory_space<semaphore_mem>>) {add = true}
      %add3A_169 = arith.constant 3 : i32
      %add3A_170 = arith.addi %mul3A_59, %add3A_169 : i32
      %dma_wait3A_171 = arith.constant 0 : i32
      %dma_wait3A_172 = tpu.memref_slice %arg7[%add3A_170, %dma_wait3A_171] : memref<100x100xi32, #tpu.memory_space<vmem>> -> memref<1x100xi32, #tpu.memory_space<vmem>>
      %dma_wait3A_173 = tpu.memref_squeeze %dma_wait3A_172 : memref<1x100xi32, #tpu.memory_space<vmem>> -> memref<100xi32, #tpu.memory_space<vmem>>
      %dma_wait3A_174 = arith.constant 0 : i32
      %dma_wait3A_175 = arith.constant 0 : i32
      %dma_wait3A_176 = tpu.memref_slice %arg2[%dma_wait3A_174, %dma_wait3A_175] : memref<10000x64xf32, #tpu.memory_space<hbm>> -> memref<10000x64xf32, #tpu.memory_space<hbm>>
      tpu.wait_indirect_dma semaphore(%arg18 : memref<!tpu.dma_semaphore, #tpu.memory_space<semaphore_mem>>) src(%dma_wait3A_176 : memref<10000x64xf32, #tpu.memory_space<hbm>>) dst(%arg12 : memref<100x64xf32, #tpu.memory_space<vmem>>)
      %add3A_177 = arith.constant 3 : i32
      %add3A_178 = arith.addi %mul3A_59, %add3A_177 : i32
      %dma_start3A_179 = arith.constant 0 : i32
      %dma_start3A_180 = tpu.memref_slice %arg8[%add3A_178, %dma_start3A_179] : memref<100x100xi32, #tpu.memory_space<vmem>> -> memref<1x100xi32, #tpu.memory_space<vmem>>
      %dma_start3A_181 = tpu.memref_squeeze %dma_start3A_180 : memref<1x100xi32, #tpu.memory_space<vmem>> -> memref<100xi32, #tpu.memory_space<vmem>>
      %dma_start3A_182 = arith.constant 0 : i32
      %dma_start3A_183 = arith.constant 0 : i32
      %dma_start3A_184 = tpu.memref_slice %arg14[%dma_start3A_182, %dma_start3A_183] : memref<10000x64xf32, #tpu.memory_space<vmem_shared>> -> memref<10000x64xf32, #tpu.memory_space<vmem_shared>>
      tpu.enqueue_indirect_dma source(%arg12 : memref<100x64xf32, #tpu.memory_space<vmem>>) target(%dma_start3A_184 : memref<10000x64xf32, #tpu.memory_space<vmem_shared>>) offsets(%dma_start3A_181 : memref<100xi32, #tpu.memory_space<vmem>>) semaphore(%arg23 : memref<!tpu.dma_semaphore, #tpu.memory_space<semaphore_mem>>) {add = true}
      %add3A_185 = arith.constant 4 : i32
      %add3A_186 = arith.addi %mul3A_59, %add3A_185 : i32
      %dma_wait3A_187 = arith.constant 0 : i32
      %dma_wait3A_188 = tpu.memref_slice %arg7[%add3A_186, %dma_wait3A_187] : memref<100x100xi32, #tpu.memory_space<vmem>> -> memref<1x100xi32, #tpu.memory_space<vmem>>
      %dma_wait3A_189 = tpu.memref_squeeze %dma_wait3A_188 : memref<1x100xi32, #tpu.memory_space<vmem>> -> memref<100xi32, #tpu.memory_space<vmem>>
      %dma_wait3A_190 = arith.constant 0 : i32
      %dma_wait3A_191 = arith.constant 0 : i32
      %dma_wait3A_192 = tpu.memref_slice %arg2[%dma_wait3A_190, %dma_wait3A_191] : memref<10000x64xf32, #tpu.memory_space<hbm>> -> memref<10000x64xf32, #tpu.memory_space<hbm>>
      tpu.wait_indirect_dma semaphore(%arg19 : memref<!tpu.dma_semaphore, #tpu.memory_space<semaphore_mem>>) src(%dma_wait3A_192 : memref<10000x64xf32, #tpu.memory_space<hbm>>) dst(%arg13 : memref<100x64xf32, #tpu.memory_space<vmem>>)
      %add3A_193 = arith.constant 4 : i32
      %add3A_194 = arith.addi %mul3A_59, %add3A_193 : i32
      %dma_start3A_195 = arith.constant 0 : i32
      %dma_start3A_196 = tpu.memref_slice %arg8[%add3A_194, %dma_start3A_195] : memref<100x100xi32, #tpu.memory_space<vmem>> -> memref<1x100xi32, #tpu.memory_space<vmem>>
      %dma_start3A_197 = tpu.memref_squeeze %dma_start3A_196 : memref<1x100xi32, #tpu.memory_space<vmem>> -> memref<100xi32, #tpu.memory_space<vmem>>
      %dma_start3A_198 = arith.constant 0 : i32
      %dma_start3A_199 = arith.constant 0 : i32
      %dma_start3A_200 = tpu.memref_slice %arg14[%dma_start3A_198, %dma_start3A_199] : memref<10000x64xf32, #tpu.memory_space<vmem_shared>> -> memref<10000x64xf32, #tpu.memory_space<vmem_shared>>
      tpu.enqueue_indirect_dma source(%arg13 : memref<100x64xf32, #tpu.memory_space<vmem>>) target(%dma_start3A_200 : memref<10000x64xf32, #tpu.memory_space<vmem_shared>>) offsets(%dma_start3A_197 : memref<100xi32, #tpu.memory_space<vmem>>) semaphore(%arg24 : memref<!tpu.dma_semaphore, #tpu.memory_space<semaphore_mem>>) {add = true}
    }
    %scan3A_21 = arith.constant 20 : i32
    %dma_wait3A = arith.constant 95 : i32
    %dma_wait3A_22 = arith.constant 0 : i32
    %dma_wait3A_23 = tpu.memref_slice %arg8[%dma_wait3A, %dma_wait3A_22] : memref<100x100xi32, #tpu.memory_space<vmem>> -> memref<1x100xi32, #tpu.memory_space<vmem>>
    %dma_wait3A_24 = tpu.memref_squeeze %dma_wait3A_23 : memref<1x100xi32, #tpu.memory_space<vmem>> -> memref<100xi32, #tpu.memory_space<vmem>>
    %dma_wait3A_25 = arith.constant 0 : i32
    %dma_wait3A_26 = arith.constant 0 : i32
    %dma_wait3A_27 = tpu.memref_slice %arg14[%dma_wait3A_25, %dma_wait3A_26] : memref<10000x64xf32, #tpu.memory_space<vmem_shared>> -> memref<10000x64xf32, #tpu.memory_space<vmem_shared>>
    tpu.wait_indirect_dma semaphore(%arg20 : memref<!tpu.dma_semaphore, #tpu.memory_space<semaphore_mem>>) src(%arg9 : memref<100x64xf32, #tpu.memory_space<vmem>>) dst(%dma_wait3A_27 : memref<10000x64xf32, #tpu.memory_space<vmem_shared>>)
    %dma_wait3A_28 = arith.constant 96 : i32
    %dma_wait3A_29 = arith.constant 0 : i32
    %dma_wait3A_30 = tpu.memref_slice %arg8[%dma_wait3A_28, %dma_wait3A_29] : memref<100x100xi32, #tpu.memory_space<vmem>> -> memref<1x100xi32, #tpu.memory_space<vmem>>
    %dma_wait3A_31 = tpu.memref_squeeze %dma_wait3A_30 : memref<1x100xi32, #tpu.memory_space<vmem>> -> memref<100xi32, #tpu.memory_space<vmem>>
    %dma_wait3A_32 = arith.constant 0 : i32
    %dma_wait3A_33 = arith.constant 0 : i32
    %dma_wait3A_34 = tpu.memref_slice %arg14[%dma_wait3A_32, %dma_wait3A_33] : memref<10000x64xf32, #tpu.memory_space<vmem_shared>> -> memref<10000x64xf32, #tpu.memory_space<vmem_shared>>
    tpu.wait_indirect_dma semaphore(%arg21 : memref<!tpu.dma_semaphore, #tpu.memory_space<semaphore_mem>>) src(%arg10 : memref<100x64xf32, #tpu.memory_space<vmem>>) dst(%dma_wait3A_34 : memref<10000x64xf32, #tpu.memory_space<vmem_shared>>)
    %dma_wait3A_35 = arith.constant 97 : i32
    %dma_wait3A_36 = arith.constant 0 : i32
    %dma_wait3A_37 = tpu.memref_slice %arg8[%dma_wait3A_35, %dma_wait3A_36] : memref<100x100xi32, #tpu.memory_space<vmem>> -> memref<1x100xi32, #tpu.memory_space<vmem>>
    %dma_wait3A_38 = tpu.memref_squeeze %dma_wait3A_37 : memref<1x100xi32, #tpu.memory_space<vmem>> -> memref<100xi32, #tpu.memory_space<vmem>>
    %dma_wait3A_39 = arith.constant 0 : i32
    %dma_wait3A_40 = arith.constant 0 : i32
    %dma_wait3A_41 = tpu.memref_slice %arg14[%dma_wait3A_39, %dma_wait3A_40] : memref<10000x64xf32, #tpu.memory_space<vmem_shared>> -> memref<10000x64xf32, #tpu.memory_space<vmem_shared>>
    tpu.wait_indirect_dma semaphore(%arg22 : memref<!tpu.dma_semaphore, #tpu.memory_space<semaphore_mem>>) src(%arg11 : memref<100x64xf32, #tpu.memory_space<vmem>>) dst(%dma_wait3A_41 : memref<10000x64xf32, #tpu.memory_space<vmem_shared>>)
    %dma_wait3A_42 = arith.constant 98 : i32
    %dma_wait3A_43 = arith.constant 0 : i32
    %dma_wait3A_44 = tpu.memref_slice %arg8[%dma_wait3A_42, %dma_wait3A_43] : memref<100x100xi32, #tpu.memory_space<vmem>> -> memref<1x100xi32, #tpu.memory_space<vmem>>
    %dma_wait3A_45 = tpu.memref_squeeze %dma_wait3A_44 : memref<1x100xi32, #tpu.memory_space<vmem>> -> memref<100xi32, #tpu.memory_space<vmem>>
    %dma_wait3A_46 = arith.constant 0 : i32
    %dma_wait3A_47 = arith.constant 0 : i32
    %dma_wait3A_48 = tpu.memref_slice %arg14[%dma_wait3A_46, %dma_wait3A_47] : memref<10000x64xf32, #tpu.memory_space<vmem_shared>> -> memref<10000x64xf32, #tpu.memory_space<vmem_shared>>
    tpu.wait_indirect_dma semaphore(%arg23 : memref<!tpu.dma_semaphore, #tpu.memory_space<semaphore_mem>>) src(%arg12 : memref<100x64xf32, #tpu.memory_space<vmem>>) dst(%dma_wait3A_48 : memref<10000x64xf32, #tpu.memory_space<vmem_shared>>)
    %dma_wait3A_49 = arith.constant 99 : i32
    %dma_wait3A_50 = arith.constant 0 : i32
    %dma_wait3A_51 = tpu.memref_slice %arg8[%dma_wait3A_49, %dma_wait3A_50] : memref<100x100xi32, #tpu.memory_space<vmem>> -> memref<1x100xi32, #tpu.memory_space<vmem>>
    %dma_wait3A_52 = tpu.memref_squeeze %dma_wait3A_51 : memref<1x100xi32, #tpu.memory_space<vmem>> -> memref<100xi32, #tpu.memory_space<vmem>>
    %dma_wait3A_53 = arith.constant 0 : i32
    %dma_wait3A_54 = arith.constant 0 : i32
    %dma_wait3A_55 = tpu.memref_slice %arg14[%dma_wait3A_53, %dma_wait3A_54] : memref<10000x64xf32, #tpu.memory_space<vmem_shared>> -> memref<10000x64xf32, #tpu.memory_space<vmem_shared>>
    tpu.wait_indirect_dma semaphore(%arg24 : memref<!tpu.dma_semaphore, #tpu.memory_space<semaphore_mem>>) src(%arg13 : memref<100x64xf32, #tpu.memory_space<vmem>>) dst(%dma_wait3A_55 : memref<10000x64xf32, #tpu.memory_space<vmem_shared>>)
    %barrier3A_56 = arith.constant 0 : index
    tpu.barrier barrier_id(%barrier3A_56)
    "tpu.region"() ({
      %run_scoped3A = tpu.sem_alloc : memref<!tpu.dma_semaphore, #tpu.memory_space<semaphore_mem>>
      %dma_start3A = arith.constant 0 : i32
      %dma_start3A_57 = tpu.memref_slice %arg6[%arg0, %mul3A_2, %dma_start3A] : memref<2x10000x64xf32, #tpu.memory_space<hbm>> -> memref<1x625x64xf32, #tpu.memory_space<hbm>>
      %dma_start3A_58 = tpu.memref_squeeze %dma_start3A_57 : memref<1x625x64xf32, #tpu.memory_space<hbm>> -> memref<625x64xf32, #tpu.memory_space<hbm>>
      %dma_start3A_59 = arith.constant 0 : i32
      %dma_start3A_60 = tpu.memref_slice %arg14[%mul3A_2, %dma_start3A_59] : memref<10000x64xf32, #tpu.memory_space<vmem_shared>> -> memref<625x64xf32, #tpu.memory_space<vmem_shared>>
      tpu.enqueue_dma source(%dma_start3A_60 : memref<625x64xf32, #tpu.memory_space<vmem_shared>>) target(%dma_start3A_58 : memref<625x64xf32, #tpu.memory_space<hbm>>) target_semaphore(%run_scoped3A : memref<!tpu.dma_semaphore, #tpu.memory_space<semaphore_mem>>)
      %dma_wait3A_61 = arith.constant 0 : i32
      %dma_wait3A_62 = tpu.memref_slice %arg6[%arg0, %mul3A_2, %dma_wait3A_61] : memref<2x10000x64xf32, #tpu.memory_space<hbm>> -> memref<1x625x64xf32, #tpu.memory_space<hbm>>
      %dma_wait3A_63 = tpu.memref_squeeze %dma_wait3A_62 : memref<1x625x64xf32, #tpu.memory_space<hbm>> -> memref<625x64xf32, #tpu.memory_space<hbm>>
      %dma_wait3A_64 = arith.constant 0 : i32
      %dma_wait3A_65 = tpu.memref_slice %arg14[%mul3A_2, %dma_wait3A_64] : memref<10000x64xf32, #tpu.memory_space<vmem_shared>> -> memref<625x64xf32, #tpu.memory_space<vmem_shared>>
      tpu.wait_dma2 semaphore(%run_scoped3A : memref<!tpu.dma_semaphore, #tpu.memory_space<semaphore_mem>>) src(%dma_wait3A_65 : memref<625x64xf32, #tpu.memory_space<vmem_shared>>) dst(%dma_wait3A_63 : memref<625x64xf32, #tpu.memory_space<hbm>>)
      tpu.yield
    }) : () -> ()
    return
  }
}

#map = affine_map<(d0, d1) -> (0, 0)>
#map1 = affine_map<(d0, d1) -> (0, 0, 0)>
module attributes {stable_mosaic.version = 14 : i64} {
  func.func @_sc_prop64(%arg0: i32, %arg1: i32, %arg2: memref<10000x64xf32, #tpu.memory_space<hbm>>, %arg3: memref<32x100x100xi32, #tpu.memory_space<hbm>>, %arg4: memref<32x100x100xi32, #tpu.memory_space<hbm>>, %arg5: memref<100x64xf32, #tpu.memory_space<hbm>>, %arg6: memref<2x10000x64xf32, #tpu.memory_space<hbm>>, %arg7: memref<100x100xi32, #tpu.memory_space<vmem>>, %arg8: memref<100x100xi32, #tpu.memory_space<vmem>>, %arg9: memref<100x64xf32, #tpu.memory_space<vmem>>, %arg10: memref<100x64xf32, #tpu.memory_space<vmem>>, %arg11: memref<100x64xf32, #tpu.memory_space<vmem>>, %arg12: memref<100x64xf32, #tpu.memory_space<vmem>>, %arg13: memref<100x64xf32, #tpu.memory_space<vmem>>, %arg14: memref<10000x64xf32, #tpu.memory_space<vmem_shared>>, %arg15: memref<!tpu.dma_semaphore, #tpu.memory_space<semaphore_mem>>, %arg16: memref<!tpu.dma_semaphore, #tpu.memory_space<semaphore_mem>>, %arg17: memref<!tpu.dma_semaphore, #tpu.memory_space<semaphore_mem>>, %arg18: memref<!tpu.dma_semaphore, #tpu.memory_space<semaphore_mem>>, %arg19: memref<!tpu.dma_semaphore, #tpu.memory_space<semaphore_mem>>, %arg20: memref<!tpu.dma_semaphore, #tpu.memory_space<semaphore_mem>>, %arg21: memref<!tpu.dma_semaphore, #tpu.memory_space<semaphore_mem>>, %arg22: memref<!tpu.dma_semaphore, #tpu.memory_space<semaphore_mem>>, %arg23: memref<!tpu.dma_semaphore, #tpu.memory_space<semaphore_mem>>, %arg24: memref<!tpu.dma_semaphore, #tpu.memory_space<semaphore_mem>>) attributes {dimension_semantics = [#tpu.dimension_semantics<core_parallel>, #tpu.dimension_semantics<subcore_parallel>], iteration_bounds = array<i64: 2, 16>, scalar_prefetch = 0 : i64, scratch_operands = 18 : i64, tpu.core_type = #tpu.core_type<sc_vector_subcore>, window_params = [{transform_indices = #map}, {transform_indices = #map1}, {transform_indices = #map1}, {transform_indices = #map}, {transform_indices = #map1}]} {
    %mul3A = arith.constant 2 : i32
    %mul3A_0 = arith.muli %arg1, %mul3A : i32
    %add3A = arith.addi %mul3A_0, %arg0 : i32
    "tpu.region"() ({
      %run_scoped3A = tpu.sem_alloc : memref<!tpu.dma_semaphore, #tpu.memory_space<semaphore_mem>>
      %dma_start3A = arith.constant 0 : i32
      %dma_start3A_57 = arith.constant 0 : i32
      %dma_start3A_58 = tpu.memref_slice %arg3[%add3A, %dma_start3A, %dma_start3A_57] : memref<32x100x100xi32, #tpu.memory_space<hbm>> -> memref<1x100x100xi32, #tpu.memory_space<hbm>>
      %dma_start3A_59 = tpu.memref_squeeze %dma_start3A_58 : memref<1x100x100xi32, #tpu.memory_space<hbm>> -> memref<100x100xi32, #tpu.memory_space<hbm>>
      %dma_start3A_60 = arith.constant 0 : i32
      %dma_start3A_61 = arith.constant 0 : i32
      %dma_start3A_62 = tpu.memref_slice %arg3[%add3A, %dma_start3A_60, %dma_start3A_61] : memref<32x100x100xi32, #tpu.memory_space<hbm>> -> memref<1x100x100xi32, #tpu.memory_space<hbm>>
      %dma_start3A_63 = tpu.memref_squeeze %dma_start3A_62 : memref<1x100x100xi32, #tpu.memory_space<hbm>> -> memref<100x100xi32, #tpu.memory_space<hbm>>
      tpu.enqueue_dma source(%dma_start3A_63 : memref<100x100xi32, #tpu.memory_space<hbm>>) target(%arg7 : memref<100x100xi32, #tpu.memory_space<vmem>>) target_semaphore(%run_scoped3A : memref<!tpu.dma_semaphore, #tpu.memory_space<semaphore_mem>>)
      %dma_wait3A_64 = arith.constant 0 : i32
      %dma_wait3A_65 = arith.constant 0 : i32
      %dma_wait3A_66 = tpu.memref_slice %arg3[%add3A, %dma_wait3A_64, %dma_wait3A_65] : memref<32x100x100xi32, #tpu.memory_space<hbm>> -> memref<1x100x100xi32, #tpu.memory_space<hbm>>
      %dma_wait3A_67 = tpu.memref_squeeze %dma_wait3A_66 : memref<1x100x100xi32, #tpu.memory_space<hbm>> -> memref<100x100xi32, #tpu.memory_space<hbm>>
      %dma_wait3A_68 = arith.constant 0 : i32
      %dma_wait3A_69 = arith.constant 0 : i32
      %dma_wait3A_70 = tpu.memref_slice %arg3[%add3A, %dma_wait3A_68, %dma_wait3A_69] : memref<32x100x100xi32, #tpu.memory_space<hbm>> -> memref<1x100x100xi32, #tpu.memory_space<hbm>>
      %dma_wait3A_71 = tpu.memref_squeeze %dma_wait3A_70 : memref<1x100x100xi32, #tpu.memory_space<hbm>> -> memref<100x100xi32, #tpu.memory_space<hbm>>
      tpu.wait_dma2 semaphore(%run_scoped3A : memref<!tpu.dma_semaphore, #tpu.memory_space<semaphore_mem>>) src(%dma_wait3A_71 : memref<100x100xi32, #tpu.memory_space<hbm>>) dst(%arg7 : memref<100x100xi32, #tpu.memory_space<vmem>>)
      tpu.yield
    }) : () -> ()
    "tpu.region"() ({
      %run_scoped3A = tpu.sem_alloc : memref<!tpu.dma_semaphore, #tpu.memory_space<semaphore_mem>>
      %dma_start3A = arith.constant 0 : i32
      %dma_start3A_57 = arith.constant 0 : i32
      %dma_start3A_58 = tpu.memref_slice %arg4[%add3A, %dma_start3A, %dma_start3A_57] : memref<32x100x100xi32, #tpu.memory_space<hbm>> -> memref<1x100x100xi32, #tpu.memory_space<hbm>>
      %dma_start3A_59 = tpu.memref_squeeze %dma_start3A_58 : memref<1x100x100xi32, #tpu.memory_space<hbm>> -> memref<100x100xi32, #tpu.memory_space<hbm>>
      %dma_start3A_60 = arith.constant 0 : i32
      %dma_start3A_61 = arith.constant 0 : i32
      %dma_start3A_62 = tpu.memref_slice %arg4[%add3A, %dma_start3A_60, %dma_start3A_61] : memref<32x100x100xi32, #tpu.memory_space<hbm>> -> memref<1x100x100xi32, #tpu.memory_space<hbm>>
      %dma_start3A_63 = tpu.memref_squeeze %dma_start3A_62 : memref<1x100x100xi32, #tpu.memory_space<hbm>> -> memref<100x100xi32, #tpu.memory_space<hbm>>
      tpu.enqueue_dma source(%dma_start3A_63 : memref<100x100xi32, #tpu.memory_space<hbm>>) target(%arg8 : memref<100x100xi32, #tpu.memory_space<vmem>>) target_semaphore(%run_scoped3A : memref<!tpu.dma_semaphore, #tpu.memory_space<semaphore_mem>>)
      %dma_wait3A_64 = arith.constant 0 : i32
      %dma_wait3A_65 = arith.constant 0 : i32
      %dma_wait3A_66 = tpu.memref_slice %arg4[%add3A, %dma_wait3A_64, %dma_wait3A_65] : memref<32x100x100xi32, #tpu.memory_space<hbm>> -> memref<1x100x100xi32, #tpu.memory_space<hbm>>
      %dma_wait3A_67 = tpu.memref_squeeze %dma_wait3A_66 : memref<1x100x100xi32, #tpu.memory_space<hbm>> -> memref<100x100xi32, #tpu.memory_space<hbm>>
      %dma_wait3A_68 = arith.constant 0 : i32
      %dma_wait3A_69 = arith.constant 0 : i32
      %dma_wait3A_70 = tpu.memref_slice %arg4[%add3A, %dma_wait3A_68, %dma_wait3A_69] : memref<32x100x100xi32, #tpu.memory_space<hbm>> -> memref<1x100x100xi32, #tpu.memory_space<hbm>>
      %dma_wait3A_71 = tpu.memref_squeeze %dma_wait3A_70 : memref<1x100x100xi32, #tpu.memory_space<hbm>> -> memref<100x100xi32, #tpu.memory_space<hbm>>
      tpu.wait_dma2 semaphore(%run_scoped3A : memref<!tpu.dma_semaphore, #tpu.memory_space<semaphore_mem>>) src(%dma_wait3A_71 : memref<100x100xi32, #tpu.memory_space<hbm>>) dst(%arg8 : memref<100x100xi32, #tpu.memory_space<vmem>>)
      tpu.yield
    }) : () -> ()
    %mul3A_1 = arith.constant 625 : i32
    %mul3A_2 = arith.muli %arg1, %mul3A_1 : i32
    "tpu.region"() ({
      %run_scoped3A = tpu.sem_alloc : memref<!tpu.dma_semaphore, #tpu.memory_space<semaphore_mem>>
      tpu.enqueue_dma source(%arg5 : memref<100x64xf32, #tpu.memory_space<hbm>>) target(%arg9 : memref<100x64xf32, #tpu.memory_space<vmem>>) target_semaphore(%run_scoped3A : memref<!tpu.dma_semaphore, #tpu.memory_space<semaphore_mem>>)
      tpu.wait_dma2 semaphore(%run_scoped3A : memref<!tpu.dma_semaphore, #tpu.memory_space<semaphore_mem>>) src(%arg5 : memref<100x64xf32, #tpu.memory_space<hbm>>) dst(%arg9 : memref<100x64xf32, #tpu.memory_space<vmem>>)
      tpu.yield
    }) : () -> ()
    %add3A_3 = arith.constant 0 : i32
    %add3A_4 = arith.addi %mul3A_2, %add3A_3 : i32
    "tpu.region"() ({
      %run_scoped3A = tpu.sem_alloc : memref<!tpu.dma_semaphore, #tpu.memory_space<semaphore_mem>>
      %dma_start3A = arith.constant 0 : i32
      %dma_start3A_57 = tpu.memref_slice %arg14[%add3A_4, %dma_start3A] : memref<10000x64xf32, #tpu.memory_space<vmem_shared>> -> memref<100x64xf32, #tpu.memory_space<vmem_shared>>
      %dma_start3A_58 = arith.constant 0 : i32
      %dma_start3A_59 = tpu.memref_slice %arg14[%add3A_4, %dma_start3A_58] : memref<10000x64xf32, #tpu.memory_space<vmem_shared>> -> memref<100x64xf32, #tpu.memory_space<vmem_shared>>
      tpu.enqueue_dma source(%arg9 : memref<100x64xf32, #tpu.memory_space<vmem>>) target(%dma_start3A_59 : memref<100x64xf32, #tpu.memory_space<vmem_shared>>) target_semaphore(%run_scoped3A : memref<!tpu.dma_semaphore, #tpu.memory_space<semaphore_mem>>)
      %dma_wait3A_60 = arith.constant 0 : i32
      %dma_wait3A_61 = tpu.memref_slice %arg14[%add3A_4, %dma_wait3A_60] : memref<10000x64xf32, #tpu.memory_space<vmem_shared>> -> memref<100x64xf32, #tpu.memory_space<vmem_shared>>
      %dma_wait3A_62 = arith.constant 0 : i32
      %dma_wait3A_63 = tpu.memref_slice %arg14[%add3A_4, %dma_wait3A_62] : memref<10000x64xf32, #tpu.memory_space<vmem_shared>> -> memref<100x64xf32, #tpu.memory_space<vmem_shared>>
      tpu.wait_dma2 semaphore(%run_scoped3A : memref<!tpu.dma_semaphore, #tpu.memory_space<semaphore_mem>>) src(%arg9 : memref<100x64xf32, #tpu.memory_space<vmem>>) dst(%dma_wait3A_63 : memref<100x64xf32, #tpu.memory_space<vmem_shared>>)
      tpu.yield
    }) : () -> ()
    %add3A_5 = arith.constant 100 : i32
    %add3A_6 = arith.addi %mul3A_2, %add3A_5 : i32
    "tpu.region"() ({
      %run_scoped3A = tpu.sem_alloc : memref<!tpu.dma_semaphore, #tpu.memory_space<semaphore_mem>>
      %dma_start3A = arith.constant 0 : i32
      %dma_start3A_57 = tpu.memref_slice %arg14[%add3A_6, %dma_start3A] : memref<10000x64xf32, #tpu.memory_space<vmem_shared>> -> memref<100x64xf32, #tpu.memory_space<vmem_shared>>
      %dma_start3A_58 = arith.constant 0 : i32
      %dma_start3A_59 = tpu.memref_slice %arg14[%add3A_6, %dma_start3A_58] : memref<10000x64xf32, #tpu.memory_space<vmem_shared>> -> memref<100x64xf32, #tpu.memory_space<vmem_shared>>
      tpu.enqueue_dma source(%arg9 : memref<100x64xf32, #tpu.memory_space<vmem>>) target(%dma_start3A_59 : memref<100x64xf32, #tpu.memory_space<vmem_shared>>) target_semaphore(%run_scoped3A : memref<!tpu.dma_semaphore, #tpu.memory_space<semaphore_mem>>)
      %dma_wait3A_60 = arith.constant 0 : i32
      %dma_wait3A_61 = tpu.memref_slice %arg14[%add3A_6, %dma_wait3A_60] : memref<10000x64xf32, #tpu.memory_space<vmem_shared>> -> memref<100x64xf32, #tpu.memory_space<vmem_shared>>
      %dma_wait3A_62 = arith.constant 0 : i32
      %dma_wait3A_63 = tpu.memref_slice %arg14[%add3A_6, %dma_wait3A_62] : memref<10000x64xf32, #tpu.memory_space<vmem_shared>> -> memref<100x64xf32, #tpu.memory_space<vmem_shared>>
      tpu.wait_dma2 semaphore(%run_scoped3A : memref<!tpu.dma_semaphore, #tpu.memory_space<semaphore_mem>>) src(%arg9 : memref<100x64xf32, #tpu.memory_space<vmem>>) dst(%dma_wait3A_63 : memref<100x64xf32, #tpu.memory_space<vmem_shared>>)
      tpu.yield
    }) : () -> ()
    %add3A_7 = arith.constant 200 : i32
    %add3A_8 = arith.addi %mul3A_2, %add3A_7 : i32
    "tpu.region"() ({
      %run_scoped3A = tpu.sem_alloc : memref<!tpu.dma_semaphore, #tpu.memory_space<semaphore_mem>>
      %dma_start3A = arith.constant 0 : i32
      %dma_start3A_57 = tpu.memref_slice %arg14[%add3A_8, %dma_start3A] : memref<10000x64xf32, #tpu.memory_space<vmem_shared>> -> memref<100x64xf32, #tpu.memory_space<vmem_shared>>
      %dma_start3A_58 = arith.constant 0 : i32
      %dma_start3A_59 = tpu.memref_slice %arg14[%add3A_8, %dma_start3A_58] : memref<10000x64xf32, #tpu.memory_space<vmem_shared>> -> memref<100x64xf32, #tpu.memory_space<vmem_shared>>
      tpu.enqueue_dma source(%arg9 : memref<100x64xf32, #tpu.memory_space<vmem>>) target(%dma_start3A_59 : memref<100x64xf32, #tpu.memory_space<vmem_shared>>) target_semaphore(%run_scoped3A : memref<!tpu.dma_semaphore, #tpu.memory_space<semaphore_mem>>)
      %dma_wait3A_60 = arith.constant 0 : i32
      %dma_wait3A_61 = tpu.memref_slice %arg14[%add3A_8, %dma_wait3A_60] : memref<10000x64xf32, #tpu.memory_space<vmem_shared>> -> memref<100x64xf32, #tpu.memory_space<vmem_shared>>
      %dma_wait3A_62 = arith.constant 0 : i32
      %dma_wait3A_63 = tpu.memref_slice %arg14[%add3A_8, %dma_wait3A_62] : memref<10000x64xf32, #tpu.memory_space<vmem_shared>> -> memref<100x64xf32, #tpu.memory_space<vmem_shared>>
      tpu.wait_dma2 semaphore(%run_scoped3A : memref<!tpu.dma_semaphore, #tpu.memory_space<semaphore_mem>>) src(%arg9 : memref<100x64xf32, #tpu.memory_space<vmem>>) dst(%dma_wait3A_63 : memref<100x64xf32, #tpu.memory_space<vmem_shared>>)
      tpu.yield
    }) : () -> ()
    %add3A_9 = arith.constant 300 : i32
    %add3A_10 = arith.addi %mul3A_2, %add3A_9 : i32
    "tpu.region"() ({
      %run_scoped3A = tpu.sem_alloc : memref<!tpu.dma_semaphore, #tpu.memory_space<semaphore_mem>>
      %dma_start3A = arith.constant 0 : i32
      %dma_start3A_57 = tpu.memref_slice %arg14[%add3A_10, %dma_start3A] : memref<10000x64xf32, #tpu.memory_space<vmem_shared>> -> memref<100x64xf32, #tpu.memory_space<vmem_shared>>
      %dma_start3A_58 = arith.constant 0 : i32
      %dma_start3A_59 = tpu.memref_slice %arg14[%add3A_10, %dma_start3A_58] : memref<10000x64xf32, #tpu.memory_space<vmem_shared>> -> memref<100x64xf32, #tpu.memory_space<vmem_shared>>
      tpu.enqueue_dma source(%arg9 : memref<100x64xf32, #tpu.memory_space<vmem>>) target(%dma_start3A_59 : memref<100x64xf32, #tpu.memory_space<vmem_shared>>) target_semaphore(%run_scoped3A : memref<!tpu.dma_semaphore, #tpu.memory_space<semaphore_mem>>)
      %dma_wait3A_60 = arith.constant 0 : i32
      %dma_wait3A_61 = tpu.memref_slice %arg14[%add3A_10, %dma_wait3A_60] : memref<10000x64xf32, #tpu.memory_space<vmem_shared>> -> memref<100x64xf32, #tpu.memory_space<vmem_shared>>
      %dma_wait3A_62 = arith.constant 0 : i32
      %dma_wait3A_63 = tpu.memref_slice %arg14[%add3A_10, %dma_wait3A_62] : memref<10000x64xf32, #tpu.memory_space<vmem_shared>> -> memref<100x64xf32, #tpu.memory_space<vmem_shared>>
      tpu.wait_dma2 semaphore(%run_scoped3A : memref<!tpu.dma_semaphore, #tpu.memory_space<semaphore_mem>>) src(%arg9 : memref<100x64xf32, #tpu.memory_space<vmem>>) dst(%dma_wait3A_63 : memref<100x64xf32, #tpu.memory_space<vmem_shared>>)
      tpu.yield
    }) : () -> ()
    %add3A_11 = arith.constant 400 : i32
    %add3A_12 = arith.addi %mul3A_2, %add3A_11 : i32
    "tpu.region"() ({
      %run_scoped3A = tpu.sem_alloc : memref<!tpu.dma_semaphore, #tpu.memory_space<semaphore_mem>>
      %dma_start3A = arith.constant 0 : i32
      %dma_start3A_57 = tpu.memref_slice %arg14[%add3A_12, %dma_start3A] : memref<10000x64xf32, #tpu.memory_space<vmem_shared>> -> memref<100x64xf32, #tpu.memory_space<vmem_shared>>
      %dma_start3A_58 = arith.constant 0 : i32
      %dma_start3A_59 = tpu.memref_slice %arg14[%add3A_12, %dma_start3A_58] : memref<10000x64xf32, #tpu.memory_space<vmem_shared>> -> memref<100x64xf32, #tpu.memory_space<vmem_shared>>
      tpu.enqueue_dma source(%arg9 : memref<100x64xf32, #tpu.memory_space<vmem>>) target(%dma_start3A_59 : memref<100x64xf32, #tpu.memory_space<vmem_shared>>) target_semaphore(%run_scoped3A : memref<!tpu.dma_semaphore, #tpu.memory_space<semaphore_mem>>)
      %dma_wait3A_60 = arith.constant 0 : i32
      %dma_wait3A_61 = tpu.memref_slice %arg14[%add3A_12, %dma_wait3A_60] : memref<10000x64xf32, #tpu.memory_space<vmem_shared>> -> memref<100x64xf32, #tpu.memory_space<vmem_shared>>
      %dma_wait3A_62 = arith.constant 0 : i32
      %dma_wait3A_63 = tpu.memref_slice %arg14[%add3A_12, %dma_wait3A_62] : memref<10000x64xf32, #tpu.memory_space<vmem_shared>> -> memref<100x64xf32, #tpu.memory_space<vmem_shared>>
      tpu.wait_dma2 semaphore(%run_scoped3A : memref<!tpu.dma_semaphore, #tpu.memory_space<semaphore_mem>>) src(%arg9 : memref<100x64xf32, #tpu.memory_space<vmem>>) dst(%dma_wait3A_63 : memref<100x64xf32, #tpu.memory_space<vmem_shared>>)
      tpu.yield
    }) : () -> ()
    %add3A_13 = arith.constant 500 : i32
    %add3A_14 = arith.addi %mul3A_2, %add3A_13 : i32
    "tpu.region"() ({
      %run_scoped3A = tpu.sem_alloc : memref<!tpu.dma_semaphore, #tpu.memory_space<semaphore_mem>>
      %dma_start3A = arith.constant 0 : i32
      %dma_start3A_57 = tpu.memref_slice %arg14[%add3A_14, %dma_start3A] : memref<10000x64xf32, #tpu.memory_space<vmem_shared>> -> memref<100x64xf32, #tpu.memory_space<vmem_shared>>
      %dma_start3A_58 = arith.constant 0 : i32
      %dma_start3A_59 = tpu.memref_slice %arg14[%add3A_14, %dma_start3A_58] : memref<10000x64xf32, #tpu.memory_space<vmem_shared>> -> memref<100x64xf32, #tpu.memory_space<vmem_shared>>
      tpu.enqueue_dma source(%arg9 : memref<100x64xf32, #tpu.memory_space<vmem>>) target(%dma_start3A_59 : memref<100x64xf32, #tpu.memory_space<vmem_shared>>) target_semaphore(%run_scoped3A : memref<!tpu.dma_semaphore, #tpu.memory_space<semaphore_mem>>)
      %dma_wait3A_60 = arith.constant 0 : i32
      %dma_wait3A_61 = tpu.memref_slice %arg14[%add3A_14, %dma_wait3A_60] : memref<10000x64xf32, #tpu.memory_space<vmem_shared>> -> memref<100x64xf32, #tpu.memory_space<vmem_shared>>
      %dma_wait3A_62 = arith.constant 0 : i32
      %dma_wait3A_63 = tpu.memref_slice %arg14[%add3A_14, %dma_wait3A_62] : memref<10000x64xf32, #tpu.memory_space<vmem_shared>> -> memref<100x64xf32, #tpu.memory_space<vmem_shared>>
      tpu.wait_dma2 semaphore(%run_scoped3A : memref<!tpu.dma_semaphore, #tpu.memory_space<semaphore_mem>>) src(%arg9 : memref<100x64xf32, #tpu.memory_space<vmem>>) dst(%dma_wait3A_63 : memref<100x64xf32, #tpu.memory_space<vmem_shared>>)
      tpu.yield
    }) : () -> ()
    %add3A_15 = arith.constant 600 : i32
    %add3A_16 = arith.addi %mul3A_2, %add3A_15 : i32
    "tpu.region"() ({
      %run_scoped3A = tpu.sem_alloc : memref<!tpu.dma_semaphore, #tpu.memory_space<semaphore_mem>>
      %dma_start3A = arith.constant 0 : i32
      %dma_start3A_57 = arith.constant 0 : i32
      %dma_start3A_58 = tpu.memref_slice %arg9[%dma_start3A, %dma_start3A_57] : memref<100x64xf32, #tpu.memory_space<vmem>> -> memref<25x64xf32, #tpu.memory_space<vmem>>
      %dma_start3A_59 = arith.constant 0 : i32
      %dma_start3A_60 = tpu.memref_slice %arg14[%add3A_16, %dma_start3A_59] : memref<10000x64xf32, #tpu.memory_space<vmem_shared>> -> memref<25x64xf32, #tpu.memory_space<vmem_shared>>
      %dma_start3A_61 = arith.constant 0 : i32
      %dma_start3A_62 = tpu.memref_slice %arg14[%add3A_16, %dma_start3A_61] : memref<10000x64xf32, #tpu.memory_space<vmem_shared>> -> memref<25x64xf32, #tpu.memory_space<vmem_shared>>
      %dma_start3A_63 = arith.constant 0 : i32
      %dma_start3A_64 = arith.constant 0 : i32
      %dma_start3A_65 = tpu.memref_slice %arg9[%dma_start3A_63, %dma_start3A_64] : memref<100x64xf32, #tpu.memory_space<vmem>> -> memref<25x64xf32, #tpu.memory_space<vmem>>
      tpu.enqueue_dma source(%dma_start3A_65 : memref<25x64xf32, #tpu.memory_space<vmem>>) target(%dma_start3A_62 : memref<25x64xf32, #tpu.memory_space<vmem_shared>>) target_semaphore(%run_scoped3A : memref<!tpu.dma_semaphore, #tpu.memory_space<semaphore_mem>>)
      %dma_wait3A_66 = arith.constant 0 : i32
      %dma_wait3A_67 = arith.constant 0 : i32
      %dma_wait3A_68 = tpu.memref_slice %arg9[%dma_wait3A_66, %dma_wait3A_67] : memref<100x64xf32, #tpu.memory_space<vmem>> -> memref<25x64xf32, #tpu.memory_space<vmem>>
      %dma_wait3A_69 = arith.constant 0 : i32
      %dma_wait3A_70 = tpu.memref_slice %arg14[%add3A_16, %dma_wait3A_69] : memref<10000x64xf32, #tpu.memory_space<vmem_shared>> -> memref<25x64xf32, #tpu.memory_space<vmem_shared>>
      %dma_wait3A_71 = arith.constant 0 : i32
      %dma_wait3A_72 = tpu.memref_slice %arg14[%add3A_16, %dma_wait3A_71] : memref<10000x64xf32, #tpu.memory_space<vmem_shared>> -> memref<25x64xf32, #tpu.memory_space<vmem_shared>>
      %dma_wait3A_73 = arith.constant 0 : i32
      %dma_wait3A_74 = arith.constant 0 : i32
      %dma_wait3A_75 = tpu.memref_slice %arg9[%dma_wait3A_73, %dma_wait3A_74] : memref<100x64xf32, #tpu.memory_space<vmem>> -> memref<25x64xf32, #tpu.memory_space<vmem>>
      tpu.wait_dma2 semaphore(%run_scoped3A : memref<!tpu.dma_semaphore, #tpu.memory_space<semaphore_mem>>) src(%dma_wait3A_75 : memref<25x64xf32, #tpu.memory_space<vmem>>) dst(%dma_wait3A_72 : memref<25x64xf32, #tpu.memory_space<vmem_shared>>)
      tpu.yield
    }) : () -> ()
    %barrier3A = arith.constant 0 : index
    tpu.barrier barrier_id(%barrier3A)
    %scan3A = arith.constant 0 : i32
    %scan3A_17 = arith.constant 0 : i32
    %scan3A_18 = arith.constant 20 : i32
    %scan3A_19 = arith.addi %scan3A_17, %scan3A_18 : i32
    %scan3A_20 = arith.constant 1 : i32
    scf.for %scan3A_57 = %scan3A_17 to %scan3A_19 step %scan3A_20  : i32 {
      %mul3A_58 = arith.constant 5 : i32
      %mul3A_59 = arith.muli %scan3A_57, %mul3A_58 : i32
      %gt3A = arith.constant 0 : i32
      %gt3A_60 = arith.cmpi sgt, %scan3A_57, %gt3A : i32
      %convert_element_type3A = arith.extui %gt3A_60 : i1 to i32
      %cond3A = arith.constant 0 : i32
      %cond3A_61 = arith.cmpi ne, %convert_element_type3A, %cond3A : i32
      scf.if %cond3A_61 {
        %add3A_201 = arith.constant 0 : i32
        %add3A_202 = arith.addi %mul3A_59, %add3A_201 : i32
        %dma_wait3A_203 = arith.constant 0 : i32
        %dma_wait3A_204 = tpu.memref_slice %arg8[%add3A_202, %dma_wait3A_203] : memref<100x100xi32, #tpu.memory_space<vmem>> -> memref<1x100xi32, #tpu.memory_space<vmem>>
        %dma_wait3A_205 = tpu.memref_squeeze %dma_wait3A_204 : memref<1x100xi32, #tpu.memory_space<vmem>> -> memref<100xi32, #tpu.memory_space<vmem>>
        %dma_wait3A_206 = arith.constant 0 : i32
        %dma_wait3A_207 = arith.constant 0 : i32
        %dma_wait3A_208 = tpu.memref_slice %arg14[%dma_wait3A_206, %dma_wait3A_207] : memref<10000x64xf32, #tpu.memory_space<vmem_shared>> -> memref<10000x64xf32, #tpu.memory_space<vmem_shared>>
        tpu.wait_indirect_dma semaphore(%arg20 : memref<!tpu.dma_semaphore, #tpu.memory_space<semaphore_mem>>) src(%arg9 : memref<100x64xf32, #tpu.memory_space<vmem>>) dst(%dma_wait3A_208 : memref<10000x64xf32, #tpu.memory_space<vmem_shared>>)
      } else {
      }
      %add3A_62 = arith.constant 0 : i32
      %add3A_63 = arith.addi %mul3A_59, %add3A_62 : i32
      %dma_start3A = arith.constant 0 : i32
      %dma_start3A_64 = tpu.memref_slice %arg7[%add3A_63, %dma_start3A] : memref<100x100xi32, #tpu.memory_space<vmem>> -> memref<1x100xi32, #tpu.memory_space<vmem>>
      %dma_start3A_65 = tpu.memref_squeeze %dma_start3A_64 : memref<1x100xi32, #tpu.memory_space<vmem>> -> memref<100xi32, #tpu.memory_space<vmem>>
      %dma_start3A_66 = arith.constant 0 : i32
      %dma_start3A_67 = arith.constant 0 : i32
      %dma_start3A_68 = tpu.memref_slice %arg2[%dma_start3A_66, %dma_start3A_67] : memref<10000x64xf32, #tpu.memory_space<hbm>> -> memref<10000x64xf32, #tpu.memory_space<hbm>>
      tpu.enqueue_indirect_dma source(%dma_start3A_68 : memref<10000x64xf32, #tpu.memory_space<hbm>>) target(%arg9 : memref<100x64xf32, #tpu.memory_space<vmem>>) offsets(%dma_start3A_65 : memref<100xi32, #tpu.memory_space<vmem>>) semaphore(%arg15 : memref<!tpu.dma_semaphore, #tpu.memory_space<semaphore_mem>>)
      %gt3A_69 = arith.constant 0 : i32
      %gt3A_70 = arith.cmpi sgt, %scan3A_57, %gt3A_69 : i32
      %convert_element_type3A_71 = arith.extui %gt3A_70 : i1 to i32
      %cond3A_72 = arith.constant 0 : i32
      %cond3A_73 = arith.cmpi ne, %convert_element_type3A_71, %cond3A_72 : i32
      scf.if %cond3A_73 {
        %add3A_201 = arith.constant 1 : i32
        %add3A_202 = arith.addi %mul3A_59, %add3A_201 : i32
        %dma_wait3A_203 = arith.constant 0 : i32
        %dma_wait3A_204 = tpu.memref_slice %arg8[%add3A_202, %dma_wait3A_203] : memref<100x100xi32, #tpu.memory_space<vmem>> -> memref<1x100xi32, #tpu.memory_space<vmem>>
        %dma_wait3A_205 = tpu.memref_squeeze %dma_wait3A_204 : memref<1x100xi32, #tpu.memory_space<vmem>> -> memref<100xi32, #tpu.memory_space<vmem>>
        %dma_wait3A_206 = arith.constant 0 : i32
        %dma_wait3A_207 = arith.constant 0 : i32
        %dma_wait3A_208 = tpu.memref_slice %arg14[%dma_wait3A_206, %dma_wait3A_207] : memref<10000x64xf32, #tpu.memory_space<vmem_shared>> -> memref<10000x64xf32, #tpu.memory_space<vmem_shared>>
        tpu.wait_indirect_dma semaphore(%arg21 : memref<!tpu.dma_semaphore, #tpu.memory_space<semaphore_mem>>) src(%arg10 : memref<100x64xf32, #tpu.memory_space<vmem>>) dst(%dma_wait3A_208 : memref<10000x64xf32, #tpu.memory_space<vmem_shared>>)
      } else {
      }
      %add3A_74 = arith.constant 1 : i32
      %add3A_75 = arith.addi %mul3A_59, %add3A_74 : i32
      %dma_start3A_76 = arith.constant 0 : i32
      %dma_start3A_77 = tpu.memref_slice %arg7[%add3A_75, %dma_start3A_76] : memref<100x100xi32, #tpu.memory_space<vmem>> -> memref<1x100xi32, #tpu.memory_space<vmem>>
      %dma_start3A_78 = tpu.memref_squeeze %dma_start3A_77 : memref<1x100xi32, #tpu.memory_space<vmem>> -> memref<100xi32, #tpu.memory_space<vmem>>
      %dma_start3A_79 = arith.constant 0 : i32
      %dma_start3A_80 = arith.constant 0 : i32
      %dma_start3A_81 = tpu.memref_slice %arg2[%dma_start3A_79, %dma_start3A_80] : memref<10000x64xf32, #tpu.memory_space<hbm>> -> memref<10000x64xf32, #tpu.memory_space<hbm>>
      tpu.enqueue_indirect_dma source(%dma_start3A_81 : memref<10000x64xf32, #tpu.memory_space<hbm>>) target(%arg10 : memref<100x64xf32, #tpu.memory_space<vmem>>) offsets(%dma_start3A_78 : memref<100xi32, #tpu.memory_space<vmem>>) semaphore(%arg16 : memref<!tpu.dma_semaphore, #tpu.memory_space<semaphore_mem>>)
      %gt3A_82 = arith.constant 0 : i32
      %gt3A_83 = arith.cmpi sgt, %scan3A_57, %gt3A_82 : i32
      %convert_element_type3A_84 = arith.extui %gt3A_83 : i1 to i32
      %cond3A_85 = arith.constant 0 : i32
      %cond3A_86 = arith.cmpi ne, %convert_element_type3A_84, %cond3A_85 : i32
      scf.if %cond3A_86 {
        %add3A_201 = arith.constant 2 : i32
        %add3A_202 = arith.addi %mul3A_59, %add3A_201 : i32
        %dma_wait3A_203 = arith.constant 0 : i32
        %dma_wait3A_204 = tpu.memref_slice %arg8[%add3A_202, %dma_wait3A_203] : memref<100x100xi32, #tpu.memory_space<vmem>> -> memref<1x100xi32, #tpu.memory_space<vmem>>
        %dma_wait3A_205 = tpu.memref_squeeze %dma_wait3A_204 : memref<1x100xi32, #tpu.memory_space<vmem>> -> memref<100xi32, #tpu.memory_space<vmem>>
        %dma_wait3A_206 = arith.constant 0 : i32
        %dma_wait3A_207 = arith.constant 0 : i32
        %dma_wait3A_208 = tpu.memref_slice %arg14[%dma_wait3A_206, %dma_wait3A_207] : memref<10000x64xf32, #tpu.memory_space<vmem_shared>> -> memref<10000x64xf32, #tpu.memory_space<vmem_shared>>
        tpu.wait_indirect_dma semaphore(%arg22 : memref<!tpu.dma_semaphore, #tpu.memory_space<semaphore_mem>>) src(%arg11 : memref<100x64xf32, #tpu.memory_space<vmem>>) dst(%dma_wait3A_208 : memref<10000x64xf32, #tpu.memory_space<vmem_shared>>)
      } else {
      }
      %add3A_87 = arith.constant 2 : i32
      %add3A_88 = arith.addi %mul3A_59, %add3A_87 : i32
      %dma_start3A_89 = arith.constant 0 : i32
      %dma_start3A_90 = tpu.memref_slice %arg7[%add3A_88, %dma_start3A_89] : memref<100x100xi32, #tpu.memory_space<vmem>> -> memref<1x100xi32, #tpu.memory_space<vmem>>
      %dma_start3A_91 = tpu.memref_squeeze %dma_start3A_90 : memref<1x100xi32, #tpu.memory_space<vmem>> -> memref<100xi32, #tpu.memory_space<vmem>>
      %dma_start3A_92 = arith.constant 0 : i32
      %dma_start3A_93 = arith.constant 0 : i32
      %dma_start3A_94 = tpu.memref_slice %arg2[%dma_start3A_92, %dma_start3A_93] : memref<10000x64xf32, #tpu.memory_space<hbm>> -> memref<10000x64xf32, #tpu.memory_space<hbm>>
      tpu.enqueue_indirect_dma source(%dma_start3A_94 : memref<10000x64xf32, #tpu.memory_space<hbm>>) target(%arg11 : memref<100x64xf32, #tpu.memory_space<vmem>>) offsets(%dma_start3A_91 : memref<100xi32, #tpu.memory_space<vmem>>) semaphore(%arg17 : memref<!tpu.dma_semaphore, #tpu.memory_space<semaphore_mem>>)
      %gt3A_95 = arith.constant 0 : i32
      %gt3A_96 = arith.cmpi sgt, %scan3A_57, %gt3A_95 : i32
      %convert_element_type3A_97 = arith.extui %gt3A_96 : i1 to i32
      %cond3A_98 = arith.constant 0 : i32
      %cond3A_99 = arith.cmpi ne, %convert_element_type3A_97, %cond3A_98 : i32
      scf.if %cond3A_99 {
        %add3A_201 = arith.constant 3 : i32
        %add3A_202 = arith.addi %mul3A_59, %add3A_201 : i32
        %dma_wait3A_203 = arith.constant 0 : i32
        %dma_wait3A_204 = tpu.memref_slice %arg8[%add3A_202, %dma_wait3A_203] : memref<100x100xi32, #tpu.memory_space<vmem>> -> memref<1x100xi32, #tpu.memory_space<vmem>>
        %dma_wait3A_205 = tpu.memref_squeeze %dma_wait3A_204 : memref<1x100xi32, #tpu.memory_space<vmem>> -> memref<100xi32, #tpu.memory_space<vmem>>
        %dma_wait3A_206 = arith.constant 0 : i32
        %dma_wait3A_207 = arith.constant 0 : i32
        %dma_wait3A_208 = tpu.memref_slice %arg14[%dma_wait3A_206, %dma_wait3A_207] : memref<10000x64xf32, #tpu.memory_space<vmem_shared>> -> memref<10000x64xf32, #tpu.memory_space<vmem_shared>>
        tpu.wait_indirect_dma semaphore(%arg23 : memref<!tpu.dma_semaphore, #tpu.memory_space<semaphore_mem>>) src(%arg12 : memref<100x64xf32, #tpu.memory_space<vmem>>) dst(%dma_wait3A_208 : memref<10000x64xf32, #tpu.memory_space<vmem_shared>>)
      } else {
      }
      %add3A_100 = arith.constant 3 : i32
      %add3A_101 = arith.addi %mul3A_59, %add3A_100 : i32
      %dma_start3A_102 = arith.constant 0 : i32
      %dma_start3A_103 = tpu.memref_slice %arg7[%add3A_101, %dma_start3A_102] : memref<100x100xi32, #tpu.memory_space<vmem>> -> memref<1x100xi32, #tpu.memory_space<vmem>>
      %dma_start3A_104 = tpu.memref_squeeze %dma_start3A_103 : memref<1x100xi32, #tpu.memory_space<vmem>> -> memref<100xi32, #tpu.memory_space<vmem>>
      %dma_start3A_105 = arith.constant 0 : i32
      %dma_start3A_106 = arith.constant 0 : i32
      %dma_start3A_107 = tpu.memref_slice %arg2[%dma_start3A_105, %dma_start3A_106] : memref<10000x64xf32, #tpu.memory_space<hbm>> -> memref<10000x64xf32, #tpu.memory_space<hbm>>
      tpu.enqueue_indirect_dma source(%dma_start3A_107 : memref<10000x64xf32, #tpu.memory_space<hbm>>) target(%arg12 : memref<100x64xf32, #tpu.memory_space<vmem>>) offsets(%dma_start3A_104 : memref<100xi32, #tpu.memory_space<vmem>>) semaphore(%arg18 : memref<!tpu.dma_semaphore, #tpu.memory_space<semaphore_mem>>)
      %gt3A_108 = arith.constant 0 : i32
      %gt3A_109 = arith.cmpi sgt, %scan3A_57, %gt3A_108 : i32
      %convert_element_type3A_110 = arith.extui %gt3A_109 : i1 to i32
      %cond3A_111 = arith.constant 0 : i32
      %cond3A_112 = arith.cmpi ne, %convert_element_type3A_110, %cond3A_111 : i32
      scf.if %cond3A_112 {
        %add3A_201 = arith.constant 4 : i32
        %add3A_202 = arith.addi %mul3A_59, %add3A_201 : i32
        %dma_wait3A_203 = arith.constant 0 : i32
        %dma_wait3A_204 = tpu.memref_slice %arg8[%add3A_202, %dma_wait3A_203] : memref<100x100xi32, #tpu.memory_space<vmem>> -> memref<1x100xi32, #tpu.memory_space<vmem>>
        %dma_wait3A_205 = tpu.memref_squeeze %dma_wait3A_204 : memref<1x100xi32, #tpu.memory_space<vmem>> -> memref<100xi32, #tpu.memory_space<vmem>>
        %dma_wait3A_206 = arith.constant 0 : i32
        %dma_wait3A_207 = arith.constant 0 : i32
        %dma_wait3A_208 = tpu.memref_slice %arg14[%dma_wait3A_206, %dma_wait3A_207] : memref<10000x64xf32, #tpu.memory_space<vmem_shared>> -> memref<10000x64xf32, #tpu.memory_space<vmem_shared>>
        tpu.wait_indirect_dma semaphore(%arg24 : memref<!tpu.dma_semaphore, #tpu.memory_space<semaphore_mem>>) src(%arg13 : memref<100x64xf32, #tpu.memory_space<vmem>>) dst(%dma_wait3A_208 : memref<10000x64xf32, #tpu.memory_space<vmem_shared>>)
      } else {
      }
      %add3A_113 = arith.constant 4 : i32
      %add3A_114 = arith.addi %mul3A_59, %add3A_113 : i32
      %dma_start3A_115 = arith.constant 0 : i32
      %dma_start3A_116 = tpu.memref_slice %arg7[%add3A_114, %dma_start3A_115] : memref<100x100xi32, #tpu.memory_space<vmem>> -> memref<1x100xi32, #tpu.memory_space<vmem>>
      %dma_start3A_117 = tpu.memref_squeeze %dma_start3A_116 : memref<1x100xi32, #tpu.memory_space<vmem>> -> memref<100xi32, #tpu.memory_space<vmem>>
      %dma_start3A_118 = arith.constant 0 : i32
      %dma_start3A_119 = arith.constant 0 : i32
      %dma_start3A_120 = tpu.memref_slice %arg2[%dma_start3A_118, %dma_start3A_119] : memref<10000x64xf32, #tpu.memory_space<hbm>> -> memref<10000x64xf32, #tpu.memory_space<hbm>>
      tpu.enqueue_indirect_dma source(%dma_start3A_120 : memref<10000x64xf32, #tpu.memory_space<hbm>>) target(%arg13 : memref<100x64xf32, #tpu.memory_space<vmem>>) offsets(%dma_start3A_117 : memref<100xi32, #tpu.memory_space<vmem>>) semaphore(%arg19 : memref<!tpu.dma_semaphore, #tpu.memory_space<semaphore_mem>>)
      %add3A_121 = arith.constant 0 : i32
      %add3A_122 = arith.addi %mul3A_59, %add3A_121 : i32
      %dma_wait3A_123 = arith.constant 0 : i32
      %dma_wait3A_124 = tpu.memref_slice %arg7[%add3A_122, %dma_wait3A_123] : memref<100x100xi32, #tpu.memory_space<vmem>> -> memref<1x100xi32, #tpu.memory_space<vmem>>
      %dma_wait3A_125 = tpu.memref_squeeze %dma_wait3A_124 : memref<1x100xi32, #tpu.memory_space<vmem>> -> memref<100xi32, #tpu.memory_space<vmem>>
      %dma_wait3A_126 = arith.constant 0 : i32
      %dma_wait3A_127 = arith.constant 0 : i32
      %dma_wait3A_128 = tpu.memref_slice %arg2[%dma_wait3A_126, %dma_wait3A_127] : memref<10000x64xf32, #tpu.memory_space<hbm>> -> memref<10000x64xf32, #tpu.memory_space<hbm>>
      tpu.wait_indirect_dma semaphore(%arg15 : memref<!tpu.dma_semaphore, #tpu.memory_space<semaphore_mem>>) src(%dma_wait3A_128 : memref<10000x64xf32, #tpu.memory_space<hbm>>) dst(%arg9 : memref<100x64xf32, #tpu.memory_space<vmem>>)
      %add3A_129 = arith.constant 0 : i32
      %add3A_130 = arith.addi %mul3A_59, %add3A_129 : i32
      %dma_start3A_131 = arith.constant 0 : i32
      %dma_start3A_132 = tpu.memref_slice %arg8[%add3A_130, %dma_start3A_131] : memref<100x100xi32, #tpu.memory_space<vmem>> -> memref<1x100xi32, #tpu.memory_space<vmem>>
      %dma_start3A_133 = tpu.memref_squeeze %dma_start3A_132 : memref<1x100xi32, #tpu.memory_space<vmem>> -> memref<100xi32, #tpu.memory_space<vmem>>
      %dma_start3A_134 = arith.constant 0 : i32
      %dma_start3A_135 = arith.constant 0 : i32
      %dma_start3A_136 = tpu.memref_slice %arg14[%dma_start3A_134, %dma_start3A_135] : memref<10000x64xf32, #tpu.memory_space<vmem_shared>> -> memref<10000x64xf32, #tpu.memory_space<vmem_shared>>
      tpu.enqueue_indirect_dma source(%arg9 : memref<100x64xf32, #tpu.memory_space<vmem>>) target(%dma_start3A_136 : memref<10000x64xf32, #tpu.memory_space<vmem_shared>>) offsets(%dma_start3A_133 : memref<100xi32, #tpu.memory_space<vmem>>) semaphore(%arg20 : memref<!tpu.dma_semaphore, #tpu.memory_space<semaphore_mem>>) {add = true}
      %add3A_137 = arith.constant 1 : i32
      %add3A_138 = arith.addi %mul3A_59, %add3A_137 : i32
      %dma_wait3A_139 = arith.constant 0 : i32
      %dma_wait3A_140 = tpu.memref_slice %arg7[%add3A_138, %dma_wait3A_139] : memref<100x100xi32, #tpu.memory_space<vmem>> -> memref<1x100xi32, #tpu.memory_space<vmem>>
      %dma_wait3A_141 = tpu.memref_squeeze %dma_wait3A_140 : memref<1x100xi32, #tpu.memory_space<vmem>> -> memref<100xi32, #tpu.memory_space<vmem>>
      %dma_wait3A_142 = arith.constant 0 : i32
      %dma_wait3A_143 = arith.constant 0 : i32
      %dma_wait3A_144 = tpu.memref_slice %arg2[%dma_wait3A_142, %dma_wait3A_143] : memref<10000x64xf32, #tpu.memory_space<hbm>> -> memref<10000x64xf32, #tpu.memory_space<hbm>>
      tpu.wait_indirect_dma semaphore(%arg16 : memref<!tpu.dma_semaphore, #tpu.memory_space<semaphore_mem>>) src(%dma_wait3A_144 : memref<10000x64xf32, #tpu.memory_space<hbm>>) dst(%arg10 : memref<100x64xf32, #tpu.memory_space<vmem>>)
      %add3A_145 = arith.constant 1 : i32
      %add3A_146 = arith.addi %mul3A_59, %add3A_145 : i32
      %dma_start3A_147 = arith.constant 0 : i32
      %dma_start3A_148 = tpu.memref_slice %arg8[%add3A_146, %dma_start3A_147] : memref<100x100xi32, #tpu.memory_space<vmem>> -> memref<1x100xi32, #tpu.memory_space<vmem>>
      %dma_start3A_149 = tpu.memref_squeeze %dma_start3A_148 : memref<1x100xi32, #tpu.memory_space<vmem>> -> memref<100xi32, #tpu.memory_space<vmem>>
      %dma_start3A_150 = arith.constant 0 : i32
      %dma_start3A_151 = arith.constant 0 : i32
      %dma_start3A_152 = tpu.memref_slice %arg14[%dma_start3A_150, %dma_start3A_151] : memref<10000x64xf32, #tpu.memory_space<vmem_shared>> -> memref<10000x64xf32, #tpu.memory_space<vmem_shared>>
      tpu.enqueue_indirect_dma source(%arg10 : memref<100x64xf32, #tpu.memory_space<vmem>>) target(%dma_start3A_152 : memref<10000x64xf32, #tpu.memory_space<vmem_shared>>) offsets(%dma_start3A_149 : memref<100xi32, #tpu.memory_space<vmem>>) semaphore(%arg21 : memref<!tpu.dma_semaphore, #tpu.memory_space<semaphore_mem>>) {add = true}
      %add3A_153 = arith.constant 2 : i32
      %add3A_154 = arith.addi %mul3A_59, %add3A_153 : i32
      %dma_wait3A_155 = arith.constant 0 : i32
      %dma_wait3A_156 = tpu.memref_slice %arg7[%add3A_154, %dma_wait3A_155] : memref<100x100xi32, #tpu.memory_space<vmem>> -> memref<1x100xi32, #tpu.memory_space<vmem>>
      %dma_wait3A_157 = tpu.memref_squeeze %dma_wait3A_156 : memref<1x100xi32, #tpu.memory_space<vmem>> -> memref<100xi32, #tpu.memory_space<vmem>>
      %dma_wait3A_158 = arith.constant 0 : i32
      %dma_wait3A_159 = arith.constant 0 : i32
      %dma_wait3A_160 = tpu.memref_slice %arg2[%dma_wait3A_158, %dma_wait3A_159] : memref<10000x64xf32, #tpu.memory_space<hbm>> -> memref<10000x64xf32, #tpu.memory_space<hbm>>
      tpu.wait_indirect_dma semaphore(%arg17 : memref<!tpu.dma_semaphore, #tpu.memory_space<semaphore_mem>>) src(%dma_wait3A_160 : memref<10000x64xf32, #tpu.memory_space<hbm>>) dst(%arg11 : memref<100x64xf32, #tpu.memory_space<vmem>>)
      %add3A_161 = arith.constant 2 : i32
      %add3A_162 = arith.addi %mul3A_59, %add3A_161 : i32
      %dma_start3A_163 = arith.constant 0 : i32
      %dma_start3A_164 = tpu.memref_slice %arg8[%add3A_162, %dma_start3A_163] : memref<100x100xi32, #tpu.memory_space<vmem>> -> memref<1x100xi32, #tpu.memory_space<vmem>>
      %dma_start3A_165 = tpu.memref_squeeze %dma_start3A_164 : memref<1x100xi32, #tpu.memory_space<vmem>> -> memref<100xi32, #tpu.memory_space<vmem>>
      %dma_start3A_166 = arith.constant 0 : i32
      %dma_start3A_167 = arith.constant 0 : i32
      %dma_start3A_168 = tpu.memref_slice %arg14[%dma_start3A_166, %dma_start3A_167] : memref<10000x64xf32, #tpu.memory_space<vmem_shared>> -> memref<10000x64xf32, #tpu.memory_space<vmem_shared>>
      tpu.enqueue_indirect_dma source(%arg11 : memref<100x64xf32, #tpu.memory_space<vmem>>) target(%dma_start3A_168 : memref<10000x64xf32, #tpu.memory_space<vmem_shared>>) offsets(%dma_start3A_165 : memref<100xi32, #tpu.memory_space<vmem>>) semaphore(%arg22 : memref<!tpu.dma_semaphore, #tpu.memory_space<semaphore_mem>>) {add = true}
      %add3A_169 = arith.constant 3 : i32
      %add3A_170 = arith.addi %mul3A_59, %add3A_169 : i32
      %dma_wait3A_171 = arith.constant 0 : i32
      %dma_wait3A_172 = tpu.memref_slice %arg7[%add3A_170, %dma_wait3A_171] : memref<100x100xi32, #tpu.memory_space<vmem>> -> memref<1x100xi32, #tpu.memory_space<vmem>>
      %dma_wait3A_173 = tpu.memref_squeeze %dma_wait3A_172 : memref<1x100xi32, #tpu.memory_space<vmem>> -> memref<100xi32, #tpu.memory_space<vmem>>
      %dma_wait3A_174 = arith.constant 0 : i32
      %dma_wait3A_175 = arith.constant 0 : i32
      %dma_wait3A_176 = tpu.memref_slice %arg2[%dma_wait3A_174, %dma_wait3A_175] : memref<10000x64xf32, #tpu.memory_space<hbm>> -> memref<10000x64xf32, #tpu.memory_space<hbm>>
      tpu.wait_indirect_dma semaphore(%arg18 : memref<!tpu.dma_semaphore, #tpu.memory_space<semaphore_mem>>) src(%dma_wait3A_176 : memref<10000x64xf32, #tpu.memory_space<hbm>>) dst(%arg12 : memref<100x64xf32, #tpu.memory_space<vmem>>)
      %add3A_177 = arith.constant 3 : i32
      %add3A_178 = arith.addi %mul3A_59, %add3A_177 : i32
      %dma_start3A_179 = arith.constant 0 : i32
      %dma_start3A_180 = tpu.memref_slice %arg8[%add3A_178, %dma_start3A_179] : memref<100x100xi32, #tpu.memory_space<vmem>> -> memref<1x100xi32, #tpu.memory_space<vmem>>
      %dma_start3A_181 = tpu.memref_squeeze %dma_start3A_180 : memref<1x100xi32, #tpu.memory_space<vmem>> -> memref<100xi32, #tpu.memory_space<vmem>>
      %dma_start3A_182 = arith.constant 0 : i32
      %dma_start3A_183 = arith.constant 0 : i32
      %dma_start3A_184 = tpu.memref_slice %arg14[%dma_start3A_182, %dma_start3A_183] : memref<10000x64xf32, #tpu.memory_space<vmem_shared>> -> memref<10000x64xf32, #tpu.memory_space<vmem_shared>>
      tpu.enqueue_indirect_dma source(%arg12 : memref<100x64xf32, #tpu.memory_space<vmem>>) target(%dma_start3A_184 : memref<10000x64xf32, #tpu.memory_space<vmem_shared>>) offsets(%dma_start3A_181 : memref<100xi32, #tpu.memory_space<vmem>>) semaphore(%arg23 : memref<!tpu.dma_semaphore, #tpu.memory_space<semaphore_mem>>) {add = true}
      %add3A_185 = arith.constant 4 : i32
      %add3A_186 = arith.addi %mul3A_59, %add3A_185 : i32
      %dma_wait3A_187 = arith.constant 0 : i32
      %dma_wait3A_188 = tpu.memref_slice %arg7[%add3A_186, %dma_wait3A_187] : memref<100x100xi32, #tpu.memory_space<vmem>> -> memref<1x100xi32, #tpu.memory_space<vmem>>
      %dma_wait3A_189 = tpu.memref_squeeze %dma_wait3A_188 : memref<1x100xi32, #tpu.memory_space<vmem>> -> memref<100xi32, #tpu.memory_space<vmem>>
      %dma_wait3A_190 = arith.constant 0 : i32
      %dma_wait3A_191 = arith.constant 0 : i32
      %dma_wait3A_192 = tpu.memref_slice %arg2[%dma_wait3A_190, %dma_wait3A_191] : memref<10000x64xf32, #tpu.memory_space<hbm>> -> memref<10000x64xf32, #tpu.memory_space<hbm>>
      tpu.wait_indirect_dma semaphore(%arg19 : memref<!tpu.dma_semaphore, #tpu.memory_space<semaphore_mem>>) src(%dma_wait3A_192 : memref<10000x64xf32, #tpu.memory_space<hbm>>) dst(%arg13 : memref<100x64xf32, #tpu.memory_space<vmem>>)
      %add3A_193 = arith.constant 4 : i32
      %add3A_194 = arith.addi %mul3A_59, %add3A_193 : i32
      %dma_start3A_195 = arith.constant 0 : i32
      %dma_start3A_196 = tpu.memref_slice %arg8[%add3A_194, %dma_start3A_195] : memref<100x100xi32, #tpu.memory_space<vmem>> -> memref<1x100xi32, #tpu.memory_space<vmem>>
      %dma_start3A_197 = tpu.memref_squeeze %dma_start3A_196 : memref<1x100xi32, #tpu.memory_space<vmem>> -> memref<100xi32, #tpu.memory_space<vmem>>
      %dma_start3A_198 = arith.constant 0 : i32
      %dma_start3A_199 = arith.constant 0 : i32
      %dma_start3A_200 = tpu.memref_slice %arg14[%dma_start3A_198, %dma_start3A_199] : memref<10000x64xf32, #tpu.memory_space<vmem_shared>> -> memref<10000x64xf32, #tpu.memory_space<vmem_shared>>
      tpu.enqueue_indirect_dma source(%arg13 : memref<100x64xf32, #tpu.memory_space<vmem>>) target(%dma_start3A_200 : memref<10000x64xf32, #tpu.memory_space<vmem_shared>>) offsets(%dma_start3A_197 : memref<100xi32, #tpu.memory_space<vmem>>) semaphore(%arg24 : memref<!tpu.dma_semaphore, #tpu.memory_space<semaphore_mem>>) {add = true}
    }
    %scan3A_21 = arith.constant 20 : i32
    %dma_wait3A = arith.constant 95 : i32
    %dma_wait3A_22 = arith.constant 0 : i32
    %dma_wait3A_23 = tpu.memref_slice %arg8[%dma_wait3A, %dma_wait3A_22] : memref<100x100xi32, #tpu.memory_space<vmem>> -> memref<1x100xi32, #tpu.memory_space<vmem>>
    %dma_wait3A_24 = tpu.memref_squeeze %dma_wait3A_23 : memref<1x100xi32, #tpu.memory_space<vmem>> -> memref<100xi32, #tpu.memory_space<vmem>>
    %dma_wait3A_25 = arith.constant 0 : i32
    %dma_wait3A_26 = arith.constant 0 : i32
    %dma_wait3A_27 = tpu.memref_slice %arg14[%dma_wait3A_25, %dma_wait3A_26] : memref<10000x64xf32, #tpu.memory_space<vmem_shared>> -> memref<10000x64xf32, #tpu.memory_space<vmem_shared>>
    tpu.wait_indirect_dma semaphore(%arg20 : memref<!tpu.dma_semaphore, #tpu.memory_space<semaphore_mem>>) src(%arg9 : memref<100x64xf32, #tpu.memory_space<vmem>>) dst(%dma_wait3A_27 : memref<10000x64xf32, #tpu.memory_space<vmem_shared>>)
    %dma_wait3A_28 = arith.constant 96 : i32
    %dma_wait3A_29 = arith.constant 0 : i32
    %dma_wait3A_30 = tpu.memref_slice %arg8[%dma_wait3A_28, %dma_wait3A_29] : memref<100x100xi32, #tpu.memory_space<vmem>> -> memref<1x100xi32, #tpu.memory_space<vmem>>
    %dma_wait3A_31 = tpu.memref_squeeze %dma_wait3A_30 : memref<1x100xi32, #tpu.memory_space<vmem>> -> memref<100xi32, #tpu.memory_space<vmem>>
    %dma_wait3A_32 = arith.constant 0 : i32
    %dma_wait3A_33 = arith.constant 0 : i32
    %dma_wait3A_34 = tpu.memref_slice %arg14[%dma_wait3A_32, %dma_wait3A_33] : memref<10000x64xf32, #tpu.memory_space<vmem_shared>> -> memref<10000x64xf32, #tpu.memory_space<vmem_shared>>
    tpu.wait_indirect_dma semaphore(%arg21 : memref<!tpu.dma_semaphore, #tpu.memory_space<semaphore_mem>>) src(%arg10 : memref<100x64xf32, #tpu.memory_space<vmem>>) dst(%dma_wait3A_34 : memref<10000x64xf32, #tpu.memory_space<vmem_shared>>)
    %dma_wait3A_35 = arith.constant 97 : i32
    %dma_wait3A_36 = arith.constant 0 : i32
    %dma_wait3A_37 = tpu.memref_slice %arg8[%dma_wait3A_35, %dma_wait3A_36] : memref<100x100xi32, #tpu.memory_space<vmem>> -> memref<1x100xi32, #tpu.memory_space<vmem>>
    %dma_wait3A_38 = tpu.memref_squeeze %dma_wait3A_37 : memref<1x100xi32, #tpu.memory_space<vmem>> -> memref<100xi32, #tpu.memory_space<vmem>>
    %dma_wait3A_39 = arith.constant 0 : i32
    %dma_wait3A_40 = arith.constant 0 : i32
    %dma_wait3A_41 = tpu.memref_slice %arg14[%dma_wait3A_39, %dma_wait3A_40] : memref<10000x64xf32, #tpu.memory_space<vmem_shared>> -> memref<10000x64xf32, #tpu.memory_space<vmem_shared>>
    tpu.wait_indirect_dma semaphore(%arg22 : memref<!tpu.dma_semaphore, #tpu.memory_space<semaphore_mem>>) src(%arg11 : memref<100x64xf32, #tpu.memory_space<vmem>>) dst(%dma_wait3A_41 : memref<10000x64xf32, #tpu.memory_space<vmem_shared>>)
    %dma_wait3A_42 = arith.constant 98 : i32
    %dma_wait3A_43 = arith.constant 0 : i32
    %dma_wait3A_44 = tpu.memref_slice %arg8[%dma_wait3A_42, %dma_wait3A_43] : memref<100x100xi32, #tpu.memory_space<vmem>> -> memref<1x100xi32, #tpu.memory_space<vmem>>
    %dma_wait3A_45 = tpu.memref_squeeze %dma_wait3A_44 : memref<1x100xi32, #tpu.memory_space<vmem>> -> memref<100xi32, #tpu.memory_space<vmem>>
    %dma_wait3A_46 = arith.constant 0 : i32
    %dma_wait3A_47 = arith.constant 0 : i32
    %dma_wait3A_48 = tpu.memref_slice %arg14[%dma_wait3A_46, %dma_wait3A_47] : memref<10000x64xf32, #tpu.memory_space<vmem_shared>> -> memref<10000x64xf32, #tpu.memory_space<vmem_shared>>
    tpu.wait_indirect_dma semaphore(%arg23 : memref<!tpu.dma_semaphore, #tpu.memory_space<semaphore_mem>>) src(%arg12 : memref<100x64xf32, #tpu.memory_space<vmem>>) dst(%dma_wait3A_48 : memref<10000x64xf32, #tpu.memory_space<vmem_shared>>)
    %dma_wait3A_49 = arith.constant 99 : i32
    %dma_wait3A_50 = arith.constant 0 : i32
    %dma_wait3A_51 = tpu.memref_slice %arg8[%dma_wait3A_49, %dma_wait3A_50] : memref<100x100xi32, #tpu.memory_space<vmem>> -> memref<1x100xi32, #tpu.memory_space<vmem>>
    %dma_wait3A_52 = tpu.memref_squeeze %dma_wait3A_51 : memref<1x100xi32, #tpu.memory_space<vmem>> -> memref<100xi32, #tpu.memory_space<vmem>>
    %dma_wait3A_53 = arith.constant 0 : i32
    %dma_wait3A_54 = arith.constant 0 : i32
    %dma_wait3A_55 = tpu.memref_slice %arg14[%dma_wait3A_53, %dma_wait3A_54] : memref<10000x64xf32, #tpu.memory_space<vmem_shared>> -> memref<10000x64xf32, #tpu.memory_space<vmem_shared>>
    tpu.wait_indirect_dma semaphore(%arg24 : memref<!tpu.dma_semaphore, #tpu.memory_space<semaphore_mem>>) src(%arg13 : memref<100x64xf32, #tpu.memory_space<vmem>>) dst(%dma_wait3A_55 : memref<10000x64xf32, #tpu.memory_space<vmem_shared>>)
    %barrier3A_56 = arith.constant 0 : index
    tpu.barrier barrier_id(%barrier3A_56)
    "tpu.region"() ({
      %run_scoped3A = tpu.sem_alloc : memref<!tpu.dma_semaphore, #tpu.memory_space<semaphore_mem>>
      %dma_start3A = arith.constant 0 : i32
      %dma_start3A_57 = tpu.memref_slice %arg6[%arg0, %mul3A_2, %dma_start3A] : memref<2x10000x64xf32, #tpu.memory_space<hbm>> -> memref<1x625x64xf32, #tpu.memory_space<hbm>>
      %dma_start3A_58 = tpu.memref_squeeze %dma_start3A_57 : memref<1x625x64xf32, #tpu.memory_space<hbm>> -> memref<625x64xf32, #tpu.memory_space<hbm>>
      %dma_start3A_59 = arith.constant 0 : i32
      %dma_start3A_60 = tpu.memref_slice %arg14[%mul3A_2, %dma_start3A_59] : memref<10000x64xf32, #tpu.memory_space<vmem_shared>> -> memref<625x64xf32, #tpu.memory_space<vmem_shared>>
      tpu.enqueue_dma source(%dma_start3A_60 : memref<625x64xf32, #tpu.memory_space<vmem_shared>>) target(%dma_start3A_58 : memref<625x64xf32, #tpu.memory_space<hbm>>) target_semaphore(%run_scoped3A : memref<!tpu.dma_semaphore, #tpu.memory_space<semaphore_mem>>)
      %dma_wait3A_61 = arith.constant 0 : i32
      %dma_wait3A_62 = tpu.memref_slice %arg6[%arg0, %mul3A_2, %dma_wait3A_61] : memref<2x10000x64xf32, #tpu.memory_space<hbm>> -> memref<1x625x64xf32, #tpu.memory_space<hbm>>
      %dma_wait3A_63 = tpu.memref_squeeze %dma_wait3A_62 : memref<1x625x64xf32, #tpu.memory_space<hbm>> -> memref<625x64xf32, #tpu.memory_space<hbm>>
      %dma_wait3A_64 = arith.constant 0 : i32
      %dma_wait3A_65 = tpu.memref_slice %arg14[%mul3A_2, %dma_wait3A_64] : memref<10000x64xf32, #tpu.memory_space<vmem_shared>> -> memref<625x64xf32, #tpu.memory_space<vmem_shared>>
      tpu.wait_dma2 semaphore(%run_scoped3A : memref<!tpu.dma_semaphore, #tpu.memory_space<semaphore_mem>>) src(%dma_wait3A_65 : memref<625x64xf32, #tpu.memory_space<vmem_shared>>) dst(%dma_wait3A_63 : memref<625x64xf32, #tpu.memory_space<hbm>>)
      tpu.yield
    }) : () -> ()
    return
  }
}

module attributes {stable_mosaic.version = 14 : i64} {
  func.func @_tc_build_body(%arg0: memref<32x10000xf32, #tpu.memory_space<vmem>>, %arg1: memref<32x10000xf32, #tpu.memory_space<vmem>>, %arg2: memref<10000x1xi32, #tpu.memory_space<vmem>>, %arg3: memref<32x1xf32, #tpu.memory_space<vmem>>, %arg4: memref<10000x64xf32, #tpu.memory_space<vmem>>, %arg5: memref<10000x1xf32, #tpu.memory_space<vmem>>, %arg6: memref<10000x1xf32, #tpu.memory_space<vmem>>, %arg7: memref<1x64xf32, #tpu.memory_space<vmem>>) attributes {dimension_semantics = [], scalar_prefetch = 0 : i64, scratch_operands = 0 : i64, tpu.core_type = #tpu.core_type<tc>} {
    %get3A = arith.constant 0 : index
    %get3A_0 = arith.constant 0 : index
    %get3A_1 = vector.load %arg3[%get3A, %get3A_0] : memref<32x1xf32, #tpu.memory_space<vmem>>, vector<32x1xf32>
    %get3A_2 = arith.constant 0 : index
    %get3A_3 = arith.constant 0 : index
    %get3A_4 = vector.load %arg0[%get3A_2, %get3A_3] : memref<32x10000xf32, #tpu.memory_space<vmem>>, vector<32x10000xf32>
    %dot_general3A = arith.constant dense<0.000000e+00> : vector<10000x1xf32>
    %dot_general3A_5 = tpu.matmul %get3A_4, %get3A_1, %dot_general3A {dimension_numbers = #tpu.dot_dimension_numbers<[0], [0], [1], [1], [0, 1, 1, 1], [], []>, transpose_lhs_hint = false} : vector<32x10000xf32>, vector<32x1xf32>, vector<10000x1xf32> -> vector<10000x1xf32>
    %get3A_6 = arith.constant 0 : index
    %get3A_7 = arith.constant 0 : index
    %get3A_8 = vector.load %arg1[%get3A_6, %get3A_7] : memref<32x10000xf32, #tpu.memory_space<vmem>>, vector<32x10000xf32>
    %dot_general3A_9 = arith.constant dense<0.000000e+00> : vector<10000x1xf32>
    %dot_general3A_10 = tpu.matmul %get3A_8, %get3A_1, %dot_general3A_9 {dimension_numbers = #tpu.dot_dimension_numbers<[0], [0], [1], [1], [0, 1, 1, 1], [], []>, transpose_lhs_hint = false} : vector<32x10000xf32>, vector<32x1xf32>, vector<10000x1xf32> -> vector<10000x1xf32>
    %max3A = arith.constant 1.000000e+00 : f32
    %max3A_11 = vector.broadcast %max3A : f32 to vector<10000x1xf32>
    %max3A_12 = arith.maximumf %dot_general3A_5, %max3A_11 : vector<10000x1xf32>
    %rsqrt3A = math.rsqrt %max3A_12 : vector<10000x1xf32>
    %max3A_13 = arith.constant 1.000000e+00 : f32
    %max3A_14 = vector.broadcast %max3A_13 : f32 to vector<10000x1xf32>
    %max3A_15 = arith.maximumf %dot_general3A_10, %max3A_14 : vector<10000x1xf32>
    %rsqrt3A_16 = math.rsqrt %max3A_15 : vector<10000x1xf32>
    %iota3A = tpu.iota {dimensions = array<i32: 1>} : vector<10000x64xi32>
    %get3A_17 = arith.constant 0 : index
    %get3A_18 = arith.constant 0 : index
    %get3A_19 = vector.load %arg2[%get3A_17, %get3A_18] : memref<10000x1xi32, #tpu.memory_space<vmem>>, vector<10000x1xi32>
    %eq3A = vector.broadcast %get3A_19 : vector<10000x1xi32> to vector<10000x64xi32>
    %eq3A_20 = arith.cmpi eq, %iota3A, %eq3A : vector<10000x64xi32>
    %convert_element_type3A = arith.extui %eq3A_20 : vector<10000x64xi1> to vector<10000x64xi32>
    %convert_element_type3A_21 = arith.sitofp %convert_element_type3A : vector<10000x64xi32> to vector<10000x64xf32>
    %reduce_sum3A = arith.constant dense<0.000000e+00> : vector<64xf32>
    %reduce_sum3A_22 = vector.multi_reduction <add>, %convert_element_type3A_21, %reduce_sum3A [0] : vector<10000x64xf32> to vector<64xf32>
    %broadcast_in_dim3A = vector.shape_cast %reduce_sum3A_22 : vector<64xf32> to vector<1x64xf32>
    %mul3A = vector.broadcast %rsqrt3A_16 : vector<10000x1xf32> to vector<10000x64xf32>
    %mul3A_23 = arith.mulf %mul3A, %convert_element_type3A_21 : vector<10000x64xf32>
    %max3A_24 = arith.constant 1.000000e+00 : f32
    %max3A_25 = vector.broadcast %max3A_24 : f32 to vector<1x64xf32>
    %max3A_26 = arith.maximumf %broadcast_in_dim3A, %max3A_25 : vector<1x64xf32>
    %div3A = vector.broadcast %max3A_26 : vector<1x64xf32> to vector<10000x64xf32>
    %div3A_27 = arith.divf %mul3A_23, %div3A : vector<10000x64xf32>
    %swap3A = arith.constant 0 : index
    %swap3A_28 = arith.constant 0 : index
    %swap3A_29 = vector.load %arg4[%swap3A, %swap3A_28] : memref<10000x64xf32, #tpu.memory_space<vmem>>, vector<10000x64xf32>
    tpu.vector_store %arg4[%swap3A, %swap3A_28], %div3A_27 {strides = array<i32>} : memref<10000x64xf32, #tpu.memory_space<vmem>>, vector<10000x64xf32>,
    %swap3A_30 = arith.constant 0 : index
    %swap3A_31 = arith.constant 0 : index
    %swap3A_32 = vector.load %arg5[%swap3A_30, %swap3A_31] : memref<10000x1xf32, #tpu.memory_space<vmem>>, vector<10000x1xf32>
    tpu.vector_store %arg5[%swap3A_30, %swap3A_31], %rsqrt3A_16 {strides = array<i32>} : memref<10000x1xf32, #tpu.memory_space<vmem>>, vector<10000x1xf32>,
    %swap3A_33 = arith.constant 0 : index
    %swap3A_34 = arith.constant 0 : index
    %swap3A_35 = vector.load %arg6[%swap3A_33, %swap3A_34] : memref<10000x1xf32, #tpu.memory_space<vmem>>, vector<10000x1xf32>
    tpu.vector_store %arg6[%swap3A_33, %swap3A_34], %rsqrt3A {strides = array<i32>} : memref<10000x1xf32, #tpu.memory_space<vmem>>, vector<10000x1xf32>,
    %ge3A = arith.constant 1.000000e+00 : f32
    %ge3A_36 = vector.broadcast %ge3A : f32 to vector<1x64xf32>
    %ge3A_37 = arith.cmpf oge, %broadcast_in_dim3A, %ge3A_36 : vector<1x64xf32>
    %convert_element_type3A_38 = arith.extui %ge3A_37 : vector<1x64xi1> to vector<1x64xi32>
    %convert_element_type3A_39 = arith.sitofp %convert_element_type3A_38 : vector<1x64xi32> to vector<1x64xf32>
    %swap3A_40 = arith.constant 0 : index
    %swap3A_41 = arith.constant 0 : index
    %swap3A_42 = vector.load %arg7[%swap3A_40, %swap3A_41] : memref<1x64xf32, #tpu.memory_space<vmem>>, vector<1x64xf32>
    tpu.vector_store %arg7[%swap3A_40, %swap3A_41], %convert_element_type3A_39 {strides = array<i32>} : memref<1x64xf32, #tpu.memory_space<vmem>>, vector<1x64xf32>,
    return
  }
}

module attributes {stable_mosaic.version = 14 : i64} {
  func.func @_tc_mid_body(%arg0: memref<2x10000x64xf32, #tpu.memory_space<vmem>>, %arg1: memref<10000x1xf32, #tpu.memory_space<vmem>>, %arg2: memref<10000x1xf32, #tpu.memory_space<vmem>>, %arg3: memref<10000x64xf32, #tpu.memory_space<vmem>>, %arg4: memref<1x64xf32, #tpu.memory_space<vmem>>) attributes {dimension_semantics = [], scalar_prefetch = 0 : i64, scratch_operands = 0 : i64, tpu.core_type = #tpu.core_type<tc>} {
    %get3A = arith.constant 0 : index
    %get3A_0 = arith.constant 0 : index
    %get3A_1 = arith.constant 0 : index
    %get3A_2 = vector.load %arg0[%get3A, %get3A_0, %get3A_1] : memref<2x10000x64xf32, #tpu.memory_space<vmem>>, vector<1x10000x64xf32>
    %get3A_3 = vector.shape_cast %get3A_2 : vector<1x10000x64xf32> to vector<10000x64xf32>
    %get3A_4 = arith.constant 1 : index
    %get3A_5 = arith.constant 0 : index
    %get3A_6 = arith.constant 0 : index
    %get3A_7 = vector.load %arg0[%get3A_4, %get3A_5, %get3A_6] : memref<2x10000x64xf32, #tpu.memory_space<vmem>>, vector<1x10000x64xf32>
    %get3A_8 = vector.shape_cast %get3A_7 : vector<1x10000x64xf32> to vector<10000x64xf32>
    %add3A = arith.addf %get3A_3, %get3A_8 : vector<10000x64xf32>
    %get3A_9 = arith.constant 0 : index
    %get3A_10 = arith.constant 0 : index
    %get3A_11 = vector.load %arg2[%get3A_9, %get3A_10] : memref<10000x1xf32, #tpu.memory_space<vmem>>, vector<10000x1xf32>
    %mul3A = vector.broadcast %get3A_11 : vector<10000x1xf32> to vector<10000x64xf32>
    %mul3A_12 = arith.mulf %add3A, %mul3A : vector<10000x64xf32>
    %reduce_sum3A = arith.constant dense<0.000000e+00> : vector<64xf32>
    %reduce_sum3A_13 = vector.multi_reduction <add>, %mul3A_12, %reduce_sum3A [0] : vector<10000x64xf32> to vector<64xf32>
    %broadcast_in_dim3A = vector.shape_cast %reduce_sum3A_13 : vector<64xf32> to vector<1x64xf32>
    %swap3A = arith.constant 0 : index
    %swap3A_14 = arith.constant 0 : index
    %swap3A_15 = vector.load %arg4[%swap3A, %swap3A_14] : memref<1x64xf32, #tpu.memory_space<vmem>>, vector<1x64xf32>
    tpu.vector_store %arg4[%swap3A, %swap3A_14], %broadcast_in_dim3A {strides = array<i32>} : memref<1x64xf32, #tpu.memory_space<vmem>>, vector<1x64xf32>,
    %get3A_16 = arith.constant 0 : index
    %get3A_17 = arith.constant 0 : index
    %get3A_18 = vector.load %arg1[%get3A_16, %get3A_17] : memref<10000x1xf32, #tpu.memory_space<vmem>>, vector<10000x1xf32>
    %mul3A_19 = vector.broadcast %get3A_18 : vector<10000x1xf32> to vector<10000x64xf32>
    %mul3A_20 = arith.mulf %mul3A_12, %mul3A_19 : vector<10000x64xf32>
    %swap3A_21 = arith.constant 0 : index
    %swap3A_22 = arith.constant 0 : index
    %swap3A_23 = vector.load %arg3[%swap3A_21, %swap3A_22] : memref<10000x64xf32, #tpu.memory_space<vmem>>, vector<10000x64xf32>
    tpu.vector_store %arg3[%swap3A_21, %swap3A_22], %mul3A_20 {strides = array<i32>} : memref<10000x64xf32, #tpu.memory_space<vmem>>, vector<10000x64xf32>,
    return
  }
}

module attributes {stable_mosaic.version = 14 : i64} {
  func.func @_tc_extract_body(%arg0: memref<10000x64xf32, #tpu.memory_space<vmem>>, %arg1: memref<10000x64xf32, #tpu.memory_space<vmem>>, %arg2: memref<64x100xf32, #tpu.memory_space<vmem>>, %arg3: memref<1x100xf32, #tpu.memory_space<vmem>>, %arg4: memref<64x100xf32, #tpu.memory_space<vmem>>, %arg5: memref<1x100xf32, #tpu.memory_space<vmem>>, %arg6: memref<10000x100xf32, #tpu.memory_space<vmem>>, %arg7: memref<10000x100xf32, #tpu.memory_space<vmem>>) attributes {dimension_semantics = [], scalar_prefetch = 0 : i64, scratch_operands = 0 : i64, tpu.core_type = #tpu.core_type<tc>} {
    %get3A = arith.constant 0 : index
    %get3A_0 = arith.constant 0 : index
    %get3A_1 = vector.load %arg0[%get3A, %get3A_0] : memref<10000x64xf32, #tpu.memory_space<vmem>>, vector<10000x64xf32>
    %get3A_2 = arith.constant 0 : index
    %get3A_3 = arith.constant 0 : index
    %get3A_4 = vector.load %arg2[%get3A_2, %get3A_3] : memref<64x100xf32, #tpu.memory_space<vmem>>, vector<64x100xf32>
    %dot_general3A = arith.constant dense<0.000000e+00> : vector<10000x100xf32>
    %dot_general3A_5 = tpu.matmul %get3A_1, %get3A_4, %dot_general3A {dimension_numbers = #tpu.dot_dimension_numbers<[1], [0], [0], [1], [0, 0, 1, 1], [], []>, transpose_lhs_hint = false} : vector<10000x64xf32>, vector<64x100xf32>, vector<10000x100xf32> -> vector<10000x100xf32>
    %get3A_6 = arith.constant 0 : index
    %get3A_7 = arith.constant 0 : index
    %get3A_8 = vector.load %arg3[%get3A_6, %get3A_7] : memref<1x100xf32, #tpu.memory_space<vmem>>, vector<1x100xf32>
    %add3A = vector.broadcast %get3A_8 : vector<1x100xf32> to vector<10000x100xf32>
    %add3A_9 = arith.addf %dot_general3A_5, %add3A : vector<10000x100xf32>
    %max3A = arith.constant 0.000000e+00 : f32
    %max3A_10 = vector.broadcast %max3A : f32 to vector<10000x100xf32>
    %max3A_11 = arith.maximumf %add3A_9, %max3A_10 : vector<10000x100xf32>
    %swap3A = arith.constant 0 : index
    %swap3A_12 = arith.constant 0 : index
    %swap3A_13 = vector.load %arg6[%swap3A, %swap3A_12] : memref<10000x100xf32, #tpu.memory_space<vmem>>, vector<10000x100xf32>
    tpu.vector_store %arg6[%swap3A, %swap3A_12], %max3A_11 {strides = array<i32>} : memref<10000x100xf32, #tpu.memory_space<vmem>>, vector<10000x100xf32>,
    %get3A_14 = arith.constant 0 : index
    %get3A_15 = arith.constant 0 : index
    %get3A_16 = vector.load %arg1[%get3A_14, %get3A_15] : memref<10000x64xf32, #tpu.memory_space<vmem>>, vector<10000x64xf32>
    %get3A_17 = arith.constant 0 : index
    %get3A_18 = arith.constant 0 : index
    %get3A_19 = vector.load %arg4[%get3A_17, %get3A_18] : memref<64x100xf32, #tpu.memory_space<vmem>>, vector<64x100xf32>
    %dot_general3A_20 = arith.constant dense<0.000000e+00> : vector<10000x100xf32>
    %dot_general3A_21 = tpu.matmul %get3A_16, %get3A_19, %dot_general3A_20 {dimension_numbers = #tpu.dot_dimension_numbers<[1], [0], [0], [1], [0, 0, 1, 1], [], []>, transpose_lhs_hint = false} : vector<10000x64xf32>, vector<64x100xf32>, vector<10000x100xf32> -> vector<10000x100xf32>
    %get3A_22 = arith.constant 0 : index
    %get3A_23 = arith.constant 0 : index
    %get3A_24 = vector.load %arg5[%get3A_22, %get3A_23] : memref<1x100xf32, #tpu.memory_space<vmem>>, vector<1x100xf32>
    %add3A_25 = vector.broadcast %get3A_24 : vector<1x100xf32> to vector<10000x100xf32>
    %add3A_26 = arith.addf %dot_general3A_21, %add3A_25 : vector<10000x100xf32>
    %max3A_27 = arith.constant 0.000000e+00 : f32
    %max3A_28 = vector.broadcast %max3A_27 : f32 to vector<10000x100xf32>
    %max3A_29 = arith.maximumf %add3A_26, %max3A_28 : vector<10000x100xf32>
    %swap3A_30 = arith.constant 0 : index
    %swap3A_31 = arith.constant 0 : index
    %swap3A_32 = vector.load %arg7[%swap3A_30, %swap3A_31] : memref<10000x100xf32, #tpu.memory_space<vmem>>, vector<10000x100xf32>
    tpu.vector_store %arg7[%swap3A_30, %swap3A_31], %max3A_29 {strides = array<i32>} : memref<10000x100xf32, #tpu.memory_space<vmem>>, vector<10000x100xf32>,
    return
  }
}

module attributes {stable_mosaic.version = 14 : i64} {
  func.func @_tc_final_body(%arg0: memref<2x10000x64xf32, #tpu.memory_space<vmem>>, %arg1: memref<10000x1xf32, #tpu.memory_space<vmem>>, %arg2: memref<10000x100xf32, #tpu.memory_space<vmem>>, %arg3: memref<10000x100xf32, #tpu.memory_space<vmem>>, %arg4: memref<100x100xf32, #tpu.memory_space<vmem>>, %arg5: memref<100x200xf32, #tpu.memory_space<vmem>>, %arg6: memref<400x55xf32, #tpu.memory_space<vmem>>, %arg7: memref<1x100xf32, #tpu.memory_space<vmem>>, %arg8: memref<1x200xf32, #tpu.memory_space<vmem>>, %arg9: memref<1x55xf32, #tpu.memory_space<vmem>>, %arg10: memref<1x64xf32, #tpu.memory_space<vmem>>, %arg11: memref<1x64xf32, #tpu.memory_space<vmem>>, %arg12: memref<64x55xf32, #tpu.memory_space<vmem>>) attributes {dimension_semantics = [], scalar_prefetch = 0 : i64, scratch_operands = 0 : i64, tpu.core_type = #tpu.core_type<tc>} {
    %get3A = arith.constant 0 : index
    %get3A_0 = arith.constant 0 : index
    %get3A_1 = arith.constant 0 : index
    %get3A_2 = vector.load %arg0[%get3A, %get3A_0, %get3A_1] : memref<2x10000x64xf32, #tpu.memory_space<vmem>>, vector<1x10000x64xf32>
    %get3A_3 = vector.shape_cast %get3A_2 : vector<1x10000x64xf32> to vector<10000x64xf32>
    %get3A_4 = arith.constant 1 : index
    %get3A_5 = arith.constant 0 : index
    %get3A_6 = arith.constant 0 : index
    %get3A_7 = vector.load %arg0[%get3A_4, %get3A_5, %get3A_6] : memref<2x10000x64xf32, #tpu.memory_space<vmem>>, vector<1x10000x64xf32>
    %get3A_8 = vector.shape_cast %get3A_7 : vector<1x10000x64xf32> to vector<10000x64xf32>
    %add3A = arith.addf %get3A_3, %get3A_8 : vector<10000x64xf32>
    %get3A_9 = arith.constant 0 : index
    %get3A_10 = arith.constant 0 : index
    %get3A_11 = vector.load %arg1[%get3A_9, %get3A_10] : memref<10000x1xf32, #tpu.memory_space<vmem>>, vector<10000x1xf32>
    %mul3A = vector.broadcast %get3A_11 : vector<10000x1xf32> to vector<10000x64xf32>
    %mul3A_12 = arith.mulf %add3A, %mul3A : vector<10000x64xf32>
    %get3A_13 = arith.constant 0 : index
    %get3A_14 = arith.constant 0 : index
    %get3A_15 = vector.load %arg2[%get3A_13, %get3A_14] : memref<10000x100xf32, #tpu.memory_space<vmem>>, vector<10000x100xf32>
    %dot_general3A = arith.constant dense<0.000000e+00> : vector<64x100xf32>
    %dot_general3A_16 = tpu.matmul %mul3A_12, %get3A_15, %dot_general3A {dimension_numbers = #tpu.dot_dimension_numbers<[0], [0], [1], [1], [0, 1, 1, 1], [], []>, transpose_lhs_hint = false} : vector<10000x64xf32>, vector<10000x100xf32>, vector<64x100xf32> -> vector<64x100xf32>
    %get3A_17 = arith.constant 0 : index
    %get3A_18 = arith.constant 0 : index
    %get3A_19 = vector.load %arg3[%get3A_17, %get3A_18] : memref<10000x100xf32, #tpu.memory_space<vmem>>, vector<10000x100xf32>
    %dot_general3A_20 = arith.constant dense<0.000000e+00> : vector<64x100xf32>
    %dot_general3A_21 = tpu.matmul %mul3A_12, %get3A_19, %dot_general3A_20 {dimension_numbers = #tpu.dot_dimension_numbers<[0], [0], [1], [1], [0, 1, 1, 1], [], []>, transpose_lhs_hint = false} : vector<10000x64xf32>, vector<10000x100xf32>, vector<64x100xf32> -> vector<64x100xf32>
    %get3A_22 = arith.constant 0 : index
    %get3A_23 = arith.constant 0 : index
    %get3A_24 = vector.load %arg6[%get3A_22, %get3A_23] : memref<400x55xf32, #tpu.memory_space<vmem>>, vector<200x55xf32>
    %get3A_25 = arith.constant 200 : index
    %get3A_26 = arith.constant 0 : index
    %get3A_27 = vector.load %arg6[%get3A_25, %get3A_26] : memref<400x55xf32, #tpu.memory_space<vmem>>, vector<200x55xf32>
    %get3A_28 = arith.constant 0 : index
    %get3A_29 = arith.constant 0 : index
    %get3A_30 = vector.load %arg5[%get3A_28, %get3A_29] : memref<100x200xf32, #tpu.memory_space<vmem>>, vector<100x200xf32>
    %dot_general3A_31 = arith.constant dense<0.000000e+00> : vector<100x55xf32>
    %dot_general3A_32 = tpu.matmul %get3A_30, %get3A_24, %dot_general3A_31 {dimension_numbers = #tpu.dot_dimension_numbers<[1], [0], [0], [1], [0, 0, 1, 1], [], []>, transpose_lhs_hint = false} : vector<100x200xf32>, vector<200x55xf32>, vector<100x55xf32> -> vector<100x55xf32>
    %get3A_33 = arith.constant 0 : index
    %get3A_34 = arith.constant 0 : index
    %get3A_35 = vector.load %arg5[%get3A_33, %get3A_34] : memref<100x200xf32, #tpu.memory_space<vmem>>, vector<100x200xf32>
    %dot_general3A_36 = arith.constant dense<0.000000e+00> : vector<100x55xf32>
    %dot_general3A_37 = tpu.matmul %get3A_35, %get3A_27, %dot_general3A_36 {dimension_numbers = #tpu.dot_dimension_numbers<[1], [0], [0], [1], [0, 0, 1, 1], [], []>, transpose_lhs_hint = false} : vector<100x200xf32>, vector<200x55xf32>, vector<100x55xf32> -> vector<100x55xf32>
    %get3A_38 = arith.constant 0 : index
    %get3A_39 = arith.constant 0 : index
    %get3A_40 = vector.load %arg4[%get3A_38, %get3A_39] : memref<100x100xf32, #tpu.memory_space<vmem>>, vector<100x100xf32>
    %dot_general3A_41 = arith.constant dense<0.000000e+00> : vector<100x55xf32>
    %dot_general3A_42 = tpu.matmul %get3A_40, %dot_general3A_32, %dot_general3A_41 {dimension_numbers = #tpu.dot_dimension_numbers<[1], [0], [0], [1], [0, 0, 1, 1], [], []>, transpose_lhs_hint = false} : vector<100x100xf32>, vector<100x55xf32>, vector<100x55xf32> -> vector<100x55xf32>
    %get3A_43 = arith.constant 0 : index
    %get3A_44 = arith.constant 0 : index
    %get3A_45 = vector.load %arg4[%get3A_43, %get3A_44] : memref<100x100xf32, #tpu.memory_space<vmem>>, vector<100x100xf32>
    %dot_general3A_46 = arith.constant dense<0.000000e+00> : vector<100x55xf32>
    %dot_general3A_47 = tpu.matmul %get3A_45, %dot_general3A_37, %dot_general3A_46 {dimension_numbers = #tpu.dot_dimension_numbers<[1], [0], [0], [1], [0, 0, 1, 1], [], []>, transpose_lhs_hint = false} : vector<100x100xf32>, vector<100x55xf32>, vector<100x55xf32> -> vector<100x55xf32>
    %get3A_48 = arith.constant 0 : index
    %get3A_49 = arith.constant 0 : index
    %get3A_50 = vector.load %arg7[%get3A_48, %get3A_49] : memref<1x100xf32, #tpu.memory_space<vmem>>, vector<1x100xf32>
    %add3A_51 = arith.addf %dot_general3A_32, %dot_general3A_37 : vector<100x55xf32>
    %dot_general3A_52 = arith.constant dense<0.000000e+00> : vector<1x55xf32>
    %dot_general3A_53 = tpu.matmul %get3A_50, %add3A_51, %dot_general3A_52 {dimension_numbers = #tpu.dot_dimension_numbers<[1], [0], [0], [1], [0, 0, 1, 1], [], []>, transpose_lhs_hint = false} : vector<1x100xf32>, vector<100x55xf32>, vector<1x55xf32> -> vector<1x55xf32>
    %get3A_54 = arith.constant 0 : index
    %get3A_55 = arith.constant 0 : index
    %get3A_56 = vector.load %arg8[%get3A_54, %get3A_55] : memref<1x200xf32, #tpu.memory_space<vmem>>, vector<1x200xf32>
    %add3A_57 = arith.addf %get3A_24, %get3A_27 : vector<200x55xf32>
    %dot_general3A_58 = arith.constant dense<0.000000e+00> : vector<1x55xf32>
    %dot_general3A_59 = tpu.matmul %get3A_56, %add3A_57, %dot_general3A_58 {dimension_numbers = #tpu.dot_dimension_numbers<[1], [0], [0], [1], [0, 0, 1, 1], [], []>, transpose_lhs_hint = false} : vector<1x200xf32>, vector<200x55xf32>, vector<1x55xf32> -> vector<1x55xf32>
    %dot_general3A_60 = arith.constant dense<0.000000e+00> : vector<64x55xf32>
    %dot_general3A_61 = tpu.matmul %dot_general3A_16, %dot_general3A_42, %dot_general3A_60 {dimension_numbers = #tpu.dot_dimension_numbers<[1], [0], [0], [1], [0, 0, 1, 1], [], []>, transpose_lhs_hint = false} : vector<64x100xf32>, vector<100x55xf32>, vector<64x55xf32> -> vector<64x55xf32>
    %dot_general3A_62 = arith.constant dense<0.000000e+00> : vector<64x55xf32>
    %dot_general3A_63 = tpu.matmul %dot_general3A_21, %dot_general3A_47, %dot_general3A_62 {dimension_numbers = #tpu.dot_dimension_numbers<[1], [0], [0], [1], [0, 0, 1, 1], [], []>, transpose_lhs_hint = false} : vector<64x100xf32>, vector<100x55xf32>, vector<64x55xf32> -> vector<64x55xf32>
    %add3A_64 = arith.addf %dot_general3A_61, %dot_general3A_63 : vector<64x55xf32>
    %get3A_65 = arith.constant 0 : index
    %get3A_66 = arith.constant 0 : index
    %get3A_67 = vector.load %arg10[%get3A_65, %get3A_66] : memref<1x64xf32, #tpu.memory_space<vmem>>, vector<1x64xf32>
    %dot_general3A_68 = arith.constant dense<0.000000e+00> : vector<64x55xf32>
    %dot_general3A_69 = tpu.matmul %get3A_67, %dot_general3A_53, %dot_general3A_68 {dimension_numbers = #tpu.dot_dimension_numbers<[0], [0], [1], [1], [0, 1, 1, 1], [], []>, transpose_lhs_hint = false} : vector<1x64xf32>, vector<1x55xf32>, vector<64x55xf32> -> vector<64x55xf32>
    %add3A_70 = arith.addf %add3A_64, %dot_general3A_69 : vector<64x55xf32>
    %get3A_71 = arith.constant 0 : index
    %get3A_72 = arith.constant 0 : index
    %get3A_73 = vector.load %arg11[%get3A_71, %get3A_72] : memref<1x64xf32, #tpu.memory_space<vmem>>, vector<1x64xf32>
    %dot_general3A_74 = arith.constant dense<0.000000e+00> : vector<64x55xf32>
    %dot_general3A_75 = tpu.matmul %get3A_73, %dot_general3A_59, %dot_general3A_74 {dimension_numbers = #tpu.dot_dimension_numbers<[0], [0], [1], [1], [0, 1, 1, 1], [], []>, transpose_lhs_hint = false} : vector<1x64xf32>, vector<1x55xf32>, vector<64x55xf32> -> vector<64x55xf32>
    %add3A_76 = arith.addf %add3A_70, %dot_general3A_75 : vector<64x55xf32>
    %get3A_77 = arith.constant 0 : index
    %get3A_78 = arith.constant 0 : index
    %get3A_79 = vector.load %arg9[%get3A_77, %get3A_78] : memref<1x55xf32, #tpu.memory_space<vmem>>, vector<1x55xf32>
    %add3A_80 = vector.broadcast %get3A_79 : vector<1x55xf32> to vector<64x55xf32>
    %add3A_81 = arith.addf %add3A_76, %add3A_80 : vector<64x55xf32>
    %swap3A = arith.constant 0 : index
    %swap3A_82 = arith.constant 0 : index
    %swap3A_83 = vector.load %arg12[%swap3A, %swap3A_82] : memref<64x55xf32, #tpu.memory_space<vmem>>, vector<64x55xf32>
    tpu.vector_store %arg12[%swap3A, %swap3A_82], %add3A_81 {strides = array<i32>} : memref<64x55xf32, #tpu.memory_space<vmem>>, vector<64x55xf32>,
    return
  }
}

</mosaic_0001>

<sc_bundles>
// kernel: kernel.12.cloned.1.call-start
scs
__scs_entry_jumppad:
0x0: {  	(pc) =	sbr.rel $0x88, $3  }
0x1: {  	(tag) =	ssettag $0x0;
	lr =	simm.s32 $0x1  }
0x2: {  	[smem:$0x3F93] =	sst lr;
	_ =	strace $0xD0000000  }
0x3: {  	_ = 	snop  }
0x4: {  	_ = 	snop  }
0x5: {  	_ = 	snop  }
0x6: {  	_ = 	snop  }
0x7: {  	_ = 	snop  }
__scs_overlays_trampoline_lowered:
0x8: {  	[smem:$0x3FA2] =	sst s0  }
0x9: {  	[smem:$0x3FA3] =	sst s1  }
0xa: {  	[smem:$0x3FA4] =	sst s2  }
0xb: {  	[smem:$0x3FA5] =	sst s3  }
0xc: {  	[smem:$0x3FA6] =	sst s4  }
0xd: {  	[smem:$0x3FA7] =	sst s5  }
0xe: {  	[smem:$0x3FA8] =	sst s6  }
0xf: {  	[smem:$0x3FA9] =	sst s7  }
0x10: {  	[smem:$0x3FAA] =	sst s8  }
0x11: {  	[smem:$0x3FAB] =	sst s9;
	s0 =	simm.s32 @!p0 $0x0  }
0x12: {  	s1 =	sld [smem:$0x3F91];
	s0 =	simm.s32 @p0 $0x1  }
0x13: {  	[smem:$0x3FAC] =	sst s0;
	s0 =	simm.s32 @!p1 $0x0  }
0x14: {  	s2 =	sld [smem:$0x3F90];
	s0 =	simm.s32 @p1 $0x1  }
0x15: {  	[smem:$0x3FAD] =	sst s0;
	s0 =	simm.s32 @!p2 $0x0  }
0x16: {  	s3 =	sld [smem:$0x3FDB];
	s0 =	simm.s32 @p2 $0x1  }
0x17: {  	s4 =	simm.s32 $0x1BF5;
	[smem:$0x3FAF] =	sst s0  }
0x18: {  	s0 =	sld [smem:$0x3F92];
	_ =	swait.ge [sflag:s4], $0x0  }
0x19: {  	s7 =	sld [smem:$0x3F93]  }
0x1a: {  	s8 =	sadd.s32 $0xFFFFE003, lr  }
0x1b: {  	s9 =	sadd.s32 $0xFFFFFEF7, lr;
	s5 =	simm.s32 $0xFFFFFFFF;
	p2 =	slt.u32 s8, $0xFFFFF086  }
0x1c: {  	p1 =	slt.u32 s9, $0xF7A;
	s5 =	simm.s32 @!p2 $0x0  }
0x1d: {  	s5 =	simm.s32 @p1 $0x1;
	p0 =	seq.s32 s7, s2  }
0x1e: {  	s7 =	smul.u32 @!p0 $0xF7A, s2;
	p2 =	seq.s32 @!p0 s5, $0x0  }
0x1f: {  	s9 =	smul.u32 $0xF7A, s1;
	s8 =	simm.s32 @!p0 $0x1BF5;
	p2 =	por !p2, p0  }
0x20: {  	[sflag:s8] =	ssyncset.s32 @!p0 $0xFFFFF086;
	s6 =	sadd.s32 @!p0 s3, s7;
	s7 =	simm.s32 @!p0 $0x108  }
0x21: {  	s3 =	sadd.s32 s3, s9;
	s6 =	sadd.s32 @!p0 $0x88, s6;
	s7 =	simm.s32 @p2 $0x1082  }
0x22: {  	[simem:s7], [sflag:s8] =	dma.local @!p0 [hbm:s6], $0xF7A  }
0x23: {  	s9 =	sor.u32 $0xD0000000, s2;
	s6 =	simm.s32 $0x108;
	_ =	swait.ge @!p0 [sflag:s8], $0x0  }
0x24: {  	s3 =	sadd.s32 $0x88, s3;
	s6 =	simm.s32 @!p1 $0x1082;
	[sflag:s4] =	ssyncset.s32 $0xFFFFF086  }
0x25: {  	[simem:s6], [sflag:s4] =	dma.local [hbm:s3], $0xF7A  }
0x26: {  	[smem:$0x3F93] =	sst s1;
	(tag) =	ssettag s2;
	_ =	strace s9  }
0x27: {  	s1 =	sld [smem:$0x3FA3]  }
0x28: {  	s2 =	sld [smem:$0x3FA4]  }
0x29: {  	s4 =	sld [smem:$0x3FA6]  }
0x2a: {  	p0 =	seq.s32 s5, $0x0;
	s5 =	sld [smem:$0x3FA7]  }
0x2b: {  	s6 =	sld [smem:$0x3FA8]  }
0x2c: {  	s7 =	sld [smem:$0x3FA9]  }
0x2d: {  	s3 =	simm.s32 $0x108;
	s8 =	sld [smem:$0x3FAA]  }
0x2e: {  	s3 =	simm.s32 @!p0 $0x1082;
	s9 =	sld [smem:$0x3FAB]  }
0x2f: {  	lr =	sadd.s32 s0, s3;
	s0 =	sld [smem:$0x3FA2]  }
0x30: {  	s3 =	sld [smem:$0x3FA5]  }
0x31: {  	[smem:$0x3FAE] =	sst s10  }
0x32: {  	s10 =	sld [smem:$0x3FAC];
	_ =	sdelay $0x3  }
0x33: {  	p0 =	seq.s32 s10, $0x1;
	s10 =	sld [smem:$0x3FAE];
	_ =	sdelay $0x3  }
0x34: {  	[smem:$0x3FAE] =	sst s10  }
0x35: {  	s10 =	sld [smem:$0x3FAD];
	_ =	sdelay $0x3  }
0x36: {  	p1 =	seq.s32 s10, $0x1;
	s10 =	sld [smem:$0x3FAE];
	_ =	sdelay $0x3  }
0x37: {  	[smem:$0x3FAE] =	sst s10  }
0x38: {  	s10 =	sld [smem:$0x3FAF]  }
0x39: {  	_ = 	snop;
	(pc) =	sbr.ind lr, $3  }
0x3a: {  	_ = 	snop  }
0x3b: {  	_ = 	snop  }
0x3c: {  	p2 =	seq.s32 s10, $0x1;
	s10 =	sld [smem:$0x3FAE]  }
0x3d: {  	_ =	shalt  }
0x3e: {  	_ =	shalt  }
0x3f: {  	_ =	shalt  }
0x40: {  	_ =	shalt  }
0x41: {  	_ =	shalt  }
0x42: {  	_ =	shalt  }
0x43: {  	_ =	shalt  }
0x44: {  	_ =	shalt  }
0x45: {  	_ =	shalt  }
0x46: {  	_ =	shalt  }
0x47: {  	_ =	shalt  }
0x48: {  	_ =	shalt  }
0x49: {  	_ =	shalt  }
0x4a: {  	_ =	shalt  }
0x4b: {  	_ =	shalt  }
0x4c: {  	_ =	shalt  }
0x4d: {  	_ =	shalt  }
0x4e: {  	_ =	shalt  }
0x4f: {  	_ =	shalt  }
0x50: {  	_ =	shalt  }
0x51: {  	_ =	shalt  }
0x52: {  	_ =	shalt  }
0x53: {  	_ =	shalt  }
0x54: {  	_ =	shalt  }
0x55: {  	_ =	shalt  }
0x56: {  	_ =	shalt  }
0x57: {  	_ =	shalt  }
0x58: {  	_ =	shalt  }
0x59: {  	_ =	shalt  }
0x5a: {  	_ =	shalt  }
0x5b: {  	_ =	shalt  }
0x5c: {  	_ =	shalt  }
0x5d: {  	_ =	shalt  }
0x5e: {  	_ =	shalt  }
0x5f: {  	_ =	shalt  }
0x60: {  	_ =	shalt  }
0x61: {  	_ =	shalt  }
0x62: {  	_ =	shalt  }
0x63: {  	_ =	shalt  }
0x64: {  	_ =	shalt  }
0x65: {  	_ =	shalt  }
0x66: {  	_ =	shalt  }
0x67: {  	_ =	shalt  }
0x68: {  	_ =	shalt  }
0x69: {  	_ =	shalt  }
0x6a: {  	_ =	shalt  }
0x6b: {  	_ =	shalt  }
0x6c: {  	_ =	shalt  }
0x6d: {  	_ =	shalt  }
0x6e: {  	_ =	shalt  }
0x6f: {  	_ =	shalt  }
0x70: {  	_ =	shalt  }
0x71: {  	_ =	shalt  }
0x72: {  	_ =	shalt  }
0x73: {  	_ =	shalt  }
0x74: {  	_ =	shalt  }
0x75: {  	_ =	shalt  }
0x76: {  	_ =	shalt  }
0x77: {  	_ =	shalt  }
0x78: {  	_ =	shalt  }
0x79: {  	_ =	shalt  }
0x7a: {  	_ =	shalt  }
0x7b: {  	_ =	shalt  }
0x7c: {  	_ =	shalt  }
0x7d: {  	_ =	shalt  }
0x7e: {  	_ =	shalt  }
0x7f: {  	_ =	shalt  }
0x80: {  	_ =	shalt  }
0x81: {  	_ =	shalt  }
0x82: {  	_ =	shalt  }
0x83: {  	_ =	shalt  }
0x84: {  	_ =	shalt  }
0x85: {  	_ =	shalt  }
0x86: {  	_ =	shalt  }
0x87: {  	_ =	shalt  }
.Lfunc_end0:
.L_simem_size_0:
called_computation.1_lowered:
.L_overlay_start_0:
0x88: {  	s2 =	sld [smem:$0x3FD9]  }
0x89: {  	s3 =	sld [smem:$0x3FFE];
	_ =	sdelay $0x1  }
0x8a: {  	s1 =	srdreg.scid  }
0x8b: {  	s0 =	sand.u32 $0x1, s1  }
0x8c: {  	s17 =	sshll.u32 s0, $0xA;
	s2 =	sadd.s32 s3, s2  }
0x8d: {  	s2 =	sadd.s32 s2, s17  }
0x8e: {  	[smem:$0x3FBA] =	sst s2  }
0x8f: {  	_ = 	snop  }
0x90: {  	s2 =	sld [smem:$0x3FD0];
	(tm) =	ssettm $0x1  }
0x91: {  	s18 =	sld [smem:$0x3FFB];
	_ =	sdelay $0x3  }
0x92: {  	_ =	strace s18  }
0x93: {  	s3 =	sld [smem:$0x3FFC];
	_ =	sdelay $0x3  }
0x94: {  	_ =	strace s3  }
0x95: {  	s3 =	sld [smem:$0x3FFD];
	_ =	sdelay $0x3  }
0x96: {  	_ =	strace s3  }
0x97: {  	_ =	strace $0x8FFFFFFF  }
0x98: {  	s19 =	sld [smem:$0x3FDB];
	_ =	sdelay $0x1  }
0x99: {  	s4 =	simm.s32 $_scs_section_size  }
0x9a: {  	s5 =	simm.s32 $_size__tile_overlayer_lowered;
	s6 =	simm.s32 $_tile_overlayer_lowered  }
0x9b: {  	s22 =	simm.s32 $0x1BFF;
	s21 =	sshll.u32 s6, $0x1;
	s3 =	sadd.s32 s4, s19  }
0x9c: {  	s7 =	simm.s32 $0x0;
	s20 =	sshll.u32 s5, $0x1;
	s5 =	sadd.s32 s21, s3  }
0x9d: {  	[timem:s7], [sflag:s22] =	dma.local [hbm:s5], s20  }
0x9e: {  	_ =	swait.ge [sflag:s22], s20  }
0x9f: {  	s4 =	ssub.s32 $0x0, s20;
	[sflag:s22] =	ssyncset.done $0x0  }
0xa0: {  	[sflag:s22] =	ssyncadd.s32 s4;
	_ =	sdelay $0x1  }
0xa1: {  	s23 =	simm.s32 $0x1B8B  }
0xa2: {  	_ =	swait.ge [sflag:s23], $0x1  }
0xa3: {  	[sflag:s23] =	ssyncset.done $0x0  }
0xa4: {  	s25 =	simm.s32 $0x1B8E;
	s24 =	sld [smem:$0x3FFE];
	[sflag:s23] =	ssyncadd.s32 $0xFFFFFFFF  }
0xa5: {  	s26 =	simm.s32 $execute0_lowered;
	[smem:$0x3FD2] =	sst s25  }
0xa6: {  	s5 =	sshll.u32 s26, $0x1;
	_ =	strace $0x80000049;
	[dreg:$0x1] =	wrdreg $0xFFFFFFFF  }
0xa7: {  	s28 =	simm.s32 $_size_execute0_lowered;
	s3 =	sadd.s32 s3, s5;
	[dreg:$0x0] =	wrdreg $0x0  }
0xa8: {  	s5 =	sshll.u32 s28, $0x1;
	[dreg:$0x2] =	wrdreg s3  }
0xa9: {  	[dreg:$0x3] =	wrdreg s5  }
0xaa: {  	[dreg:$0x4] =	wrdreg $0xC0  }
0xab: {  	_ =	task [dreg:s7], $0x5FFFF  }
0xac: {  	[dreg:$0x1] =	wrdreg $0xFFFFFFFF  }
0xad: {  	[dreg:$0x0] =	wrdreg $0x60  }
0xae: {  	[dreg:$0x2] =	wrdreg s24  }
0xaf: {  	[dreg:$0x3] =	wrdreg s2  }
0xb0: {  	[dreg:$0x4] =	wrdreg $0xCE400  }
0xb1: {  	[dreg:$0x5] =	wrdreg $0x9  }
0xb2: {  	_ =	task.clear_ibuf [dreg:s7], $0x6FFFF;
	_ =	strace $0x90000049  }
0xb3: {  	s29 =	simm.s32 $0x9;
	_ =	strace $0x8000004B  }
0xb4: {  	_ =	swait.ge [sflag:s29], $0x1  }
0xb5: {  	[sflag:s29] =	ssyncadd.s32 $0xFFFFFFFF  }
0xb6: {  	_ =	strace $0x9000004B  }
0xb7: {  	_ =	sfence  }
0xb8: {  	s30 =	sld [smem:$0x0];
	_ =	sdelay $0x2  }
0xb9: {  	s31 =	sshll.u32 s1, $0xD;
	s1 =	sshrl.u32 s1, $0x2  }
0xba: {  	s3 =	sand.u32 $0x4000, s31;
	s1 =	sadd.s32 s1, s30  }
0xbb: {  	s0 =	sor.u32 s3, s0;
	s1 =	sshll.u32 s1, $0x11  }
0xbc: {  	s0 =	sor.u32 s1, s0  }
0xbd: {  	s0 =	sadd.s32 $0x8F2B, s0  }
0xbe: {  	[sflag:s0] =	ssyncadd.remote.s32 $0x1  }
0xbf: {  	_ =	sfence.sel $0xFFFF  }
0xc0: {  	[dreg:$0x0] =	wrdreg $0xFFFFFFFF;
	(pc) =	sbr.abs _section_cstart, $3  }
0xc1: {  	[dreg:$0x1] =	wrdreg $0xFFFFFFFF  }
0xc2: {  	_ =	task.clear_ibuf [dreg:s7], $0x2FFFF;
	_ =	strace $0x9FFFFFFF  }
0xc3: {  	(tm) =	ssettm $0x7FFFFFFF  }
tec
execute0_lowered:
.L_overlay_start_1:
0x0: {  	(tag) =	ssettag $0x1  }
0x1: {  	s0 =	rddreg [dreg:$0x0]  }
0x2: {  	s3 =	rddreg [dreg:$0x2]  }
0x3: {  	s4 =	simm.s32 $0x0;
	s1 =	srdreg.scid;
	s8 =	stileid.u32  }
0x4: {  	s17 =	simm.s32 $0xB;
	s18 =	simm.s32 $0x28A0;
	s19 =	simm.s32 $0x5140  }
0x5: {  	s20 =	simm.s32 $0x64;
	s29 =	simm.s32 $0xB540;
	s30 =	simm.s32 $0x1  }
0x6: {  	s31 =	simm.s32 $0x2;
	s28 =	simm.s32 $0x9;
	s1 =	sand.u32 $0x1, s1  }
0x7: {  	s2 =	sshll.u32 s8, $0x1;
	s6 =	smul.u32 $0x9C40, s8;
	[smem:$0x7FF] =	sst s4  }
0x8: {  	s5 =	sadd.s32 $0x3200, s0;
	s8 =	smul.u32 $0x27100, s8;
	s2 =	sor.u32 s1, s2  }
0x9: {  	s7 =	smul.u32 $0x9C400, s1;
	_ =	strace $0x8000004A;
	s1 =	ssub.s32 $0x2, s1  }
0xa: {  	s2 =	smul.u32 $0x514, s2;
	s9 =	sshrl.u32 s1, $0x1;
	s21 =	sshrl.u32 s8, $0x2  }
0xb: {  	s8 =	sadd.s32 s6, s3;
	s7 =	sadd.s32 s6, s7;
	s1 =	ssub.s32 s1, s9  }
0xc: {  	s23 =	sadd.s32 s21, s3;
	s21 =	simm.s32 $0x4;
	s6 =	simm.s32 $0xA  }
0xd: {  	s2 =	sadd.s32 s2, s0;
	s7 =	sshrl.u32 s7, $0x3;
	s24 =	sadd.s32 $0x1900, s23  }
0xe: {  	s25 =	sadd.s32 $0x3200, s23;
	s26 =	sadd.s32 $0x4B00, s23;
	s12 =	sadd.s32 $0x6400, s23  }
0xf: {  	s13 =	sadd.s32 $0x7D00, s23;
	s14 =	sadd.s32 $0x9600, s23;
	s16 =	smax.u32 s1, $0x1  }
0x10: {  	s1 =	simm.s32 $0x3;
	s23 =	simm.s32 $0x8;
	[dreg:$0x6] =	wrdreg s24  }
0x11: {  	s0 =	sadd.s32 s7, s0;
	s22 =	sadd.s32 $0x5C600, s2;
	[dreg:$0x7] =	wrdreg s25  }
0x12: {  	s2 =	sadd.s32 $0x52200, s2;
	[dreg:$0x8] =	wrdreg s26;
	s24 =	simm.s32 $0x8340  }
0x13: {  	s26 =	simm.s32 $0x9C40;
	s25 =	simm.s32 $0x5;
	[dreg:$0x4] =	wrdreg s22  }
0x14: {  	s7 =	simm.s32 $0x0;
	[dreg:$0x5] =	wrdreg s2;
	s15 =	sadd.s32 $0x16C00, s0  }
0x15: {  	s22 =	simm.s32 $0x6A40;
	s0 =	simm.s32 $0x6;
	s2 =	simm.s32 $0x7  }
.LBB2_1:
0x16: {  	s9 =	rddreg [dreg:$0x4]  }
0x17: {  	[tilespmem:s4], [sflag:$0xB] =	stream.linear.gather [hbm4b:s9+s4], $0x28A0, $0x38;
	[tilespmem:$0x16A80] =	vst v63  }
0x18: {  	_ =	swait.ge [sflag:s17], $0x28A0  }
0x19: {  	[sflag:s17] =	ssyncset.done $0x0  }
0x1a: {  	s10 =	rddreg [dreg:$0x5];
	[sflag:s17] =	ssyncadd.s32 $0xFFFFD760  }
0x1b: {  	[tilespmem:s18], [sflag:$0xB] =	stream.linear.gather [hbm4b:s10+s4], $0x28A0, $0x38;
	[tilespmem:$0x16A80] =	vst v63  }
0x1c: {  	_ =	swait.ge [sflag:s17], $0x28A0  }
0x1d: {  	[sflag:s17] =	ssyncset.done $0x0  }
0x1e: {  	[sflag:s17] =	ssyncadd.s32 $0xFFFFD760  }
0x1f: {  	s11 =	rddreg [dreg:$0x1]  }
0x20: {  	[tilespmem:s19], [sflag:$0xB] =	stream.linear.gather [hbm4b:s11+s4], $0x1900, $0x38;
	[tilespmem:$0x16A80] =	vst v63  }
0x21: {  	_ =	swait.ge [sflag:s17], $0x1900  }
0x22: {  	[sflag:s17] =	ssyncset.done $0x0  }
0x23: {  	[sflag:s17] =	ssyncadd.s32 $0xFFFFE700  }
0x24: {  	[spmem:s8] =	stream.linear.scatter [tilespmem:s19], [sflag:$0xB], $0x1900, $0x38;
	[tilespmem:$0x16A80] =	vst v63  }
0x25: {  	_ =	swait.ge [sflag:s17], $0x1900  }
0x26: {  	[sflag:s17] =	ssyncset.done $0x0  }
0x27: {  	s10 =	rddreg [dreg:$0x6];
	[sflag:s17] =	ssyncadd.s32 $0xFFFFE700  }
0x28: {  	[spmem:s10] =	stream.linear.scatter [tilespmem:s19], [sflag:$0xB], $0x1900, $0x38;
	[tilespmem:$0x16A80] =	vst v63  }
0x29: {  	_ =	swait.ge [sflag:s17], $0x1900  }
0x2a: {  	[sflag:s17] =	ssyncset.done $0x0  }
0x2b: {  	s11 =	rddreg [dreg:$0x7];
	[sflag:s17] =	ssyncadd.s32 $0xFFFFE700  }
0x2c: {  	[spmem:s11] =	stream.linear.scatter [tilespmem:s19], [sflag:$0xB], $0x1900, $0x38;
	[tilespmem:$0x16A80] =	vst v63  }
0x2d: {  	_ =	swait.ge [sflag:s17], $0x1900  }
0x2e: {  	[sflag:s17] =	ssyncset.done $0x0  }
0x2f: {  	s10 =	rddreg [dreg:$0x8];
	[sflag:s17] =	ssyncadd.s32 $0xFFFFE700  }
0x30: {  	[spmem:s10] =	stream.linear.scatter [tilespmem:s19], [sflag:$0xB], $0x1900, $0x38;
	[tilespmem:$0x16A80] =	vst v63  }
0x31: {  	_ =	swait.ge [sflag:s17], $0x1900  }
0x32: {  	[sflag:s17] =	ssyncset.done $0x0  }
0x33: {  	[sflag:s17] =	ssyncadd.s32 $0xFFFFE700  }
0x34: {  	[spmem:s12] =	stream.linear.scatter [tilespmem:s19], [sflag:$0xB], $0x1900, $0x38;
	[tilespmem:$0x16A80] =	vst v63  }
0x35: {  	_ =	swait.ge [sflag:s17], $0x1900  }
0x36: {  	[sflag:s17] =	ssyncset.done $0x0  }
0x37: {  	[sflag:s17] =	ssyncadd.s32 $0xFFFFE700  }
0x38: {  	[spmem:s13] =	stream.linear.scatter [tilespmem:s19], [sflag:$0xB], $0x1900, $0x38;
	[tilespmem:$0x16A80] =	vst v63  }
0x39: {  	_ =	swait.ge [sflag:s17], $0x1900  }
0x3a: {  	[sflag:s17] =	ssyncset.done $0x0  }
0x3b: {  	[sflag:s17] =	ssyncadd.s32 $0xFFFFE700  }
0x3c: {  	[spmem:s14] =	stream.linear.scatter [tilespmem:s19], [sflag:$0xB], $0x640, $0x38;
	[tilespmem:$0x16A80] =	vst v63  }
0x3d: {  	_ =	swait.ge [sflag:s17], $0x640  }
0x3e: {  	[sflag:s17] =	ssyncset.done $0x0  }
0x3f: {  	[sflag:s17] =	ssyncadd.s32 $0xFFFFF9C0  }
0x40: {  	[bflag:$0x0] =	sbarrier.arrive $0xFFFF  }
0x41: {  	[tilespmem:s19], [sflag:$0x1] =	stream.indirect.gather [hbm4b:s5+s20], $0x40, s4, s20, $0xb8;
	[tilespmem:$0x16A80] =	vst v63  }
0x42: {  	s11 =	simm.s32 $0x68  }
0x43: {  	[tilespmem:s22], [sflag:$0x2] =	stream.indirect.gather [hbm4b:s5+s20], $0x40, s11, s20, $0xb8;
	[tilespmem:$0x16A80] =	vst v63  }
0x44: {  	s10 =	simm.s32 $0xD0  }
0x45: {  	[tilespmem:s24], [sflag:$0x3] =	stream.indirect.gather [hbm4b:s5+s20], $0x40, s10, s20, $0xb8;
	[tilespmem:$0x16A80] =	vst v63  }
0x46: {  	s11 =	simm.s32 $0x138  }
0x47: {  	[tilespmem:s26], [sflag:$0x4] =	stream.indirect.gather [hbm4b:s5+s20], $0x40, s11, s20, $0xb8;
	[tilespmem:$0x16A80] =	vst v63  }
0x48: {  	s10 =	simm.s32 $0x1A0  }
0x49: {  	[tilespmem:s29], [sflag:$0x5] =	stream.indirect.gather [hbm4b:s5+s20], $0x40, s10, s20, $0xb8;
	[tilespmem:$0x16A80] =	vst v63  }
0x4a: {  	_ =	swait.ge [sflag:s30], $0x1900  }
0x4b: {  	[sflag:s30] =	ssyncset.done $0x0  }
0x4c: {  	[sflag:s30] =	ssyncadd.s32 $0xFFFFE700  }
0x4d: {  	[spmem:s3] =	stream.indirect.scatter.add.f32 [tilespmem:s19], [sflag:$0x6], $0x40, s18, s20, $0xb8;
	[tilespmem:$0x16A80] =	vst v63  }
0x4e: {  	_ =	swait.ge [sflag:s31], $0x1900  }
0x4f: {  	[sflag:s31] =	ssyncset.done $0x0  }
0x50: {  	s11 =	simm.s32 $0x2908;
	[sflag:s31] =	ssyncadd.s32 $0xFFFFE700  }
0x51: {  	[spmem:s3] =	stream.indirect.scatter.add.f32 [tilespmem:s22], [sflag:$0x7], $0x40, s11, s20, $0xb8;
	[tilespmem:$0x16A80] =	vst v63  }
0x52: {  	_ =	swait.ge [sflag:s1], $0x1900  }
0x53: {  	[sflag:s1] =	ssyncset.done $0x0  }
0x54: {  	s10 =	simm.s32 $0x2970;
	[sflag:s1] =	ssyncadd.s32 $0xFFFFE700  }
0x55: {  	[spmem:s3] =	stream.indirect.scatter.add.f32 [tilespmem:s24], [sflag:$0x8], $0x40, s10, s20, $0xb8;
	[tilespmem:$0x16A80] =	vst v63  }
0x56: {  	_ =	swait.ge [sflag:s21], $0x1900  }
0x57: {  	[sflag:s21] =	ssyncset.done $0x0  }
0x58: {  	s11 =	simm.s32 $0x29D8;
	[sflag:s21] =	ssyncadd.s32 $0xFFFFE700  }
0x59: {  	[spmem:s3] =	stream.indirect.scatter.add.f32 [tilespmem:s26], [sflag:$0x9], $0x40, s11, s20, $0xb8;
	[tilespmem:$0x16A80] =	vst v63  }
0x5a: {  	_ =	swait.ge [sflag:s25], $0x1900  }
0x5b: {  	[sflag:s25] =	ssyncset.done $0x0  }
0x5c: {  	s10 =	simm.s32 $0x2A40;
	[sflag:s25] =	ssyncadd.s32 $0xFFFFE700  }
0x5d: {  	[spmem:s3] =	stream.indirect.scatter.add.f32 [tilespmem:s29], [sflag:$0xA], $0x40, s10, s20, $0xb8;
	[tilespmem:$0x16A80] =	vst v63  }
0x5e: {  	_ =	swait.ge [sflag:s0], $0x1900  }
0x5f: {  	[sflag:s0] =	ssyncset.done $0x0  }
0x60: {  	s11 =	simm.s32 $0x208;
	[sflag:s0] =	ssyncadd.s32 $0xFFFFE700  }
0x61: {  	[tilespmem:s19], [sflag:$0x1] =	stream.indirect.gather [hbm4b:s5+s20], $0x40, s11, s20, $0xb8;
	[tilespmem:$0x16A80] =	vst v63  }
0x62: {  	_ =	swait.ge [sflag:s2], $0x1900  }
0x63: {  	[sflag:s2] =	ssyncset.done $0x0  }
0x64: {  	s10 =	simm.s32 $0x270;
	[sflag:s2] =	ssyncadd.s32 $0xFFFFE700  }
0x65: {  	[tilespmem:s22], [sflag:$0x2] =	stream.indirect.gather [hbm4b:s5+s20], $0x40, s10, s20, $0xb8;
	[tilespmem:$0x16A80] =	vst v63  }
0x66: {  	_ =	swait.ge [sflag:s23], $0x1900  }
0x67: {  	[sflag:s23] =	ssyncset.done $0x0  }
0x68: {  	s11 =	simm.s32 $0x2D8;
	[sflag:s23] =	ssyncadd.s32 $0xFFFFE700  }
0x69: {  	[tilespmem:s24], [sflag:$0x3] =	stream.indirect.gather [hbm4b:s5+s20], $0x40, s11, s20, $0xb8;
	[tilespmem:$0x16A80] =	vst v63  }
0x6a: {  	_ =	swait.ge [sflag:s28], $0x1900  }
0x6b: {  	[sflag:s28] =	ssyncset.done $0x0  }
0x6c: {  	s10 =	simm.s32 $0x340;
	[sflag:s28] =	ssyncadd.s32 $0xFFFFE700  }
0x6d: {  	[tilespmem:s26], [sflag:$0x4] =	stream.indirect.gather [hbm4b:s5+s20], $0x40, s10, s20, $0xb8;
	[tilespmem:$0x16A80] =	vst v63  }
0x6e: {  	_ =	swait.ge [sflag:s6], $0x1900  }
0x6f: {  	[sflag:s6] =	ssyncset.done $0x0  }
0x70: {  	s11 =	simm.s32 $0x3A8;
	[sflag:s6] =	ssyncadd.s32 $0xFFFFE700  }
0x71: {  	[tilespmem:s29], [sflag:$0x5] =	stream.indirect.gather [hbm4b:s5+s20], $0x40, s11, s20, $0xb8;
	[tilespmem:$0x16A80] =	vst v63  }
0x72: {  	_ =	swait.ge [sflag:s30], $0x1900  }
0x73: {  	[sflag:s30] =	ssyncset.done $0x0  }
0x74: {  	s10 =	simm.s32 $0x2AA8;
	[sflag:s30] =	ssyncadd.s32 $0xFFFFE700  }
0x75: {  	[spmem:s3] =	stream.indirect.scatter.add.f32 [tilespmem:s19], [sflag:$0x6], $0x40, s10, s20, $0xb8;
	[tilespmem:$0x16A80] =	vst v63  }
0x76: {  	_ =	swait.ge [sflag:s31], $0x1900  }
0x77: {  	[sflag:s31] =	ssyncset.done $0x0  }
0x78: {  	s11 =	simm.s32 $0x2B10;
	[sflag:s31] =	ssyncadd.s32 $0xFFFFE700  }
0x79: {  	[spmem:s3] =	stream.indirect.scatter.add.f32 [tilespmem:s22], [sflag:$0x7], $0x40, s11, s20, $0xb8;
	[tilespmem:$0x16A80] =	vst v63  }
0x7a: {  	_ =	swait.ge [sflag:s1], $0x1900  }
0x7b: {  	[sflag:s1] =	ssyncset.done $0x0  }
0x7c: {  	s10 =	simm.s32 $0x2B78;
	[sflag:s1] =	ssyncadd.s32 $0xFFFFE700  }
0x7d: {  	[spmem:s3] =	stream.indirect.scatter.add.f32 [tilespmem:s24], [sflag:$0x8], $0x40, s10, s20, $0xb8;
	[tilespmem:$0x16A80] =	vst v63  }
0x7e: {  	_ =	swait.ge [sflag:s21], $0x1900  }
0x7f: {  	[sflag:s21] =	ssyncset.done $0x0  }
0x80: {  	s11 =	simm.s32 $0x2BE0;
	[sflag:s21] =	ssyncadd.s32 $0xFFFFE700  }
0x81: {  	[spmem:s3] =	stream.indirect.scatter.add.f32 [tilespmem:s26], [sflag:$0x9], $0x40, s11, s20, $0xb8;
	[tilespmem:$0x16A80] =	vst v63  }
0x82: {  	_ =	swait.ge [sflag:s25], $0x1900  }
0x83: {  	[sflag:s25] =	ssyncset.done $0x0  }
0x84: {  	s9 =	simm.s32 $0x820;
	s10 =	simm.s32 $0x2C48;
	[sflag:s25] =	ssyncadd.s32 $0xFFFFE700  }
.LBB2_2:
0x85: {  	[spmem:s3] =	stream.indirect.scatter.add.f32 [tilespmem:s29], [sflag:$0xA], $0x40, s10, s20, $0xb8;
	[tilespmem:$0x16A80] =	vst v63  }
0x86: {  	s10 =	smov.u32 s9  }
0x87: {  	p0 =	sne.s32 s9, $0x9240;
	s9 =	sadd.s32 $0x820, s9;
	_ =	swait.ge [sflag:s0], $0x1900  }
0x88: {  	s10 =	sshra.s32 s10, $0x2;
	[sflag:s0] =	ssyncset.done $0x0  }
0x89: {  	s11 =	sadd.s32 $0x208, s10;
	[sflag:s0] =	ssyncadd.s32 $0xFFFFE700  }
0x8a: {  	[tilespmem:s19], [sflag:$0x1] =	stream.indirect.gather [hbm4b:s5+s20], $0x40, s11, s20, $0xb8;
	[tilespmem:$0x16A80] =	vst v63  }
0x8b: {  	_ =	swait.ge [sflag:s2], $0x1900  }
0x8c: {  	[sflag:s2] =	ssyncset.done $0x0  }
0x8d: {  	s11 =	sadd.s32 $0x270, s10;
	[sflag:s2] =	ssyncadd.s32 $0xFFFFE700  }
0x8e: {  	[tilespmem:s22], [sflag:$0x2] =	stream.indirect.gather [hbm4b:s5+s20], $0x40, s11, s20, $0xb8;
	[tilespmem:$0x16A80] =	vst v63  }
0x8f: {  	_ =	swait.ge [sflag:s23], $0x1900  }
0x90: {  	[sflag:s23] =	ssyncset.done $0x0  }
0x91: {  	s11 =	sadd.s32 $0x2D8, s10;
	[sflag:s23] =	ssyncadd.s32 $0xFFFFE700  }
0x92: {  	[tilespmem:s24], [sflag:$0x3] =	stream.indirect.gather [hbm4b:s5+s20], $0x40, s11, s20, $0xb8;
	[tilespmem:$0x16A80] =	vst v63  }
0x93: {  	_ =	swait.ge [sflag:s28], $0x1900  }
0x94: {  	[sflag:s28] =	ssyncset.done $0x0  }
0x95: {  	s11 =	sadd.s32 $0x340, s10;
	[sflag:s28] =	ssyncadd.s32 $0xFFFFE700  }
0x96: {  	[tilespmem:s26], [sflag:$0x4] =	stream.indirect.gather [hbm4b:s5+s20], $0x40, s11, s20, $0xb8;
	[tilespmem:$0x16A80] =	vst v63  }
0x97: {  	_ =	swait.ge [sflag:s6], $0x1900  }
0x98: {  	[sflag:s6] =	ssyncset.done $0x0  }
0x99: {  	s11 =	sadd.s32 $0x3A8, s10;
	[sflag:s6] =	ssyncadd.s32 $0xFFFFE700  }
0x9a: {  	[tilespmem:s29], [sflag:$0x5] =	stream.indirect.gather [hbm4b:s5+s20], $0x40, s11, s20, $0xb8;
	[tilespmem:$0x16A80] =	vst v63  }
0x9b: {  	_ =	swait.ge [sflag:s30], $0x1900  }
0x9c: {  	[sflag:s30] =	ssyncset.done $0x0  }
0x9d: {  	s11 =	sadd.s32 $0x2AA8, s10;
	[sflag:s30] =	ssyncadd.s32 $0xFFFFE700  }
0x9e: {  	[spmem:s3] =	stream.indirect.scatter.add.f32 [tilespmem:s19], [sflag:$0x6], $0x40, s11, s20, $0xb8;
	[tilespmem:$0x16A80] =	vst v63  }
0x9f: {  	_ =	swait.ge [sflag:s31], $0x1900  }
0xa0: {  	[sflag:s31] =	ssyncset.done $0x0  }
0xa1: {  	s11 =	sadd.s32 $0x2B10, s10;
	[sflag:s31] =	ssyncadd.s32 $0xFFFFE700  }
0xa2: {  	[spmem:s3] =	stream.indirect.scatter.add.f32 [tilespmem:s22], [sflag:$0x7], $0x40, s11, s20, $0xb8;
	[tilespmem:$0x16A80] =	vst v63  }
0xa3: {  	_ =	swait.ge [sflag:s1], $0x1900  }
0xa4: {  	[sflag:s1] =	ssyncset.done $0x0  }
0xa5: {  	s11 =	sadd.s32 $0x2B78, s10;
	[sflag:s1] =	ssyncadd.s32 $0xFFFFE700  }
0xa6: {  	[spmem:s3] =	stream.indirect.scatter.add.f32 [tilespmem:s24], [sflag:$0x8], $0x40, s11, s20, $0xb8;
	[tilespmem:$0x16A80] =	vst v63  }
0xa7: {  	_ =	swait.ge [sflag:s21], $0x1900  }
0xa8: {  	[sflag:s21] =	ssyncset.done $0x0  }
.Ltmp0:
0xa9: {  	s11 =	sadd.s32 $0x2BE0, s10;
	[sflag:s21] =	ssyncadd.s32 $0xFFFFE700;
	(pc) =	sbr.rel @p0 .LBB2_2-.Ltmp0, $4  }
0xaa: {  	[spmem:s3] =	stream.indirect.scatter.add.f32 [tilespmem:s26], [sflag:$0x9], $0x40, s11, s20, $0xb8;
	[tilespmem:$0x16A80] =	vst v63  }
0xab: {  	_ =	swait.ge [sflag:s25], $0x1900  }
0xac: {  	[sflag:s25] =	ssyncset.done $0x0  }
0xad: {  	s10 =	sadd.s32 $0x2C48, s10;
	[sflag:s25] =	ssyncadd.s32 $0xFFFFE700  }
0xae: {  	[spmem:s3] =	stream.indirect.scatter.add.f32 [tilespmem:s29], [sflag:$0xA], $0x40, s10, s20, $0xb8;
	[tilespmem:$0x16A80] =	vst v63  }
0xaf: {  	_ =	swait.ge [sflag:s0], $0x1900  }
0xb0: {  	[sflag:s0] =	ssyncset.done $0x0  }
0xb1: {  	[sflag:s0] =	ssyncadd.s32 $0xFFFFE700  }
0xb2: {  	_ =	swait.ge [sflag:s2], $0x1900  }
0xb3: {  	[sflag:s2] =	ssyncset.done $0x0  }
0xb4: {  	[sflag:s2] =	ssyncadd.s32 $0xFFFFE700  }
0xb5: {  	_ =	swait.ge [sflag:s23], $0x1900  }
0xb6: {  	[sflag:s23] =	ssyncset.done $0x0  }
0xb7: {  	[sflag:s23] =	ssyncadd.s32 $0xFFFFE700  }
0xb8: {  	_ =	swait.ge [sflag:s28], $0x1900  }
0xb9: {  	[sflag:s28] =	ssyncset.done $0x0  }
0xba: {  	[sflag:s28] =	ssyncadd.s32 $0xFFFFE700  }
0xbb: {  	s9 =	stileid.u32;
	_ =	swait.ge [sflag:s6], $0x1900  }
0xbc: {  	s11 =	sshrl.u32 s8, $0x3;
	s7 =	sadd.s32 $0x1, s7;
	[sflag:s6] =	ssyncset.done $0x0  }
0xbd: {  	s9 =	sshll.u32 s9, $0x6;
	p0 =	sne.s32 s7, s16;
	[sflag:s6] =	ssyncadd.s32 $0xFFFFE700  }
.Ltmp1:
0xbe: {  	s9 =	sor.u32 $0x1C0B, s9;
	[bflag:$0x0] =	sbarrier.arrive $0xFFFF;
	(pc) =	sbr.rel @p0 .LBB2_1-.Ltmp1, $4  }
0xbf: {  	[hbm:s15], [sflag:s9] =	dma.local [spmem:s11], $0x1388  }
0xc0: {  	_ =	swait.ge [sflag:s17], $0x1388  }
0xc1: {  	[sflag:s17] =	ssyncset.done $0x0  }
0xc2: {  	[sflag:s17] =	ssyncadd.s32 $0xFFFFEC78  }
0xc3: {  	_ =	sfence.sel $0x180000  }
0xc4: {  	[bflag:$0x0] =	sbarrier.arrive $0xFFFF  }
0xc5: {  	_ =	strace $0x9000004A  }
0xc6: {  	s0 =	stileid.u32;
	[bflag:$0x2] =	sbarrier.arrive $0xFFFF  }
0xc7: {  	p0 =	sne.s32 s0, $0x0;
	s0 =	rddreg [dreg:$0x3]  }
0xc8: {  	s0 =	sadd.s32 @!p0 $0x100000, s0  }
0xc9: {  	[sflag:s0] =	ssyncadd.tile.s32 @!p0 $0x1;
	_ =	shalt  }
.Lfunc_end2:
_tile_overlayer_lowered:
.L_overlay_start_2:
0xca: {  	(tag) =	ssettag $0x2  }
0xcb: {  	s0 =	rddreg [dreg:$0x0];
	s2 =	stileid.u32  }
0xcc: {  	s1 =	rddreg [dreg:$0x1];
	p0 =	sne.s32 s2, $0x0  }
0xcd: {  	s3 =	rddreg [dreg:$0x2];
	[bflag:$0x3] =	sbarrier.arrive $0xFFFF;
	s2 =	simm.s32 @!p0 $0x1C0B  }
0xce: {  	[timem:s3], [sflag:s2] =	dma.local @!p0 [hbm:s0], s1  }
0xcf: {  	s0 =	simm.s32 @!p0 $0xB  }
0xd0: {  	_ =	swait.ge @!p0 [sflag:s0], s1  }
0xd1: {  	s1 =	ssub.s32 @!p0 $0x0, s1;
	[sflag:s0] =	ssyncset.done @!p0 $0x0  }
0xd2: {  	[sflag:s0] =	ssyncadd.s32 @!p0 s1  }
0xd3: {  	[bflag:$0x3] =	sbarrier.arrive $0xFFFF  }
0xd4: {  	_ =	shalt  }

// kernel: kernel.15.cloned.1.call-start
scs
__scs_entry_jumppad:
0x0: {  	(pc) =	sbr.rel $0x88, $3  }
0x1: {  	(tag) =	ssettag $0x0;
	lr =	simm.s32 $0x1  }
0x2: {  	[smem:$0x3F93] =	sst lr;
	_ =	strace $0xD0000000  }
0x3: {  	_ = 	snop  }
0x4: {  	_ = 	snop  }
0x5: {  	_ = 	snop  }
0x6: {  	_ = 	snop  }
0x7: {  	_ = 	snop  }
__scs_overlays_trampoline_lowered:
0x8: {  	[smem:$0x3FA2] =	sst s0  }
0x9: {  	[smem:$0x3FA3] =	sst s1  }
0xa: {  	[smem:$0x3FA4] =	sst s2  }
0xb: {  	[smem:$0x3FA5] =	sst s3  }
0xc: {  	[smem:$0x3FA6] =	sst s4  }
0xd: {  	[smem:$0x3FA7] =	sst s5  }
0xe: {  	[smem:$0x3FA8] =	sst s6  }
0xf: {  	[smem:$0x3FA9] =	sst s7  }
0x10: {  	[smem:$0x3FAA] =	sst s8  }
0x11: {  	[smem:$0x3FAB] =	sst s9;
	s0 =	simm.s32 @!p0 $0x0  }
0x12: {  	s1 =	sld [smem:$0x3F91];
	s0 =	simm.s32 @p0 $0x1  }
0x13: {  	[smem:$0x3FAC] =	sst s0;
	s0 =	simm.s32 @!p1 $0x0  }
0x14: {  	s2 =	sld [smem:$0x3F90];
	s0 =	simm.s32 @p1 $0x1  }
0x15: {  	[smem:$0x3FAD] =	sst s0;
	s0 =	simm.s32 @!p2 $0x0  }
0x16: {  	s3 =	sld [smem:$0x3FDB];
	s0 =	simm.s32 @p2 $0x1  }
0x17: {  	s4 =	simm.s32 $0x1BF5;
	[smem:$0x3FAF] =	sst s0  }
0x18: {  	s0 =	sld [smem:$0x3F92];
	_ =	swait.ge [sflag:s4], $0x0  }
0x19: {  	s7 =	sld [smem:$0x3F93]  }
0x1a: {  	s8 =	sadd.s32 $0xFFFFE003, lr  }
0x1b: {  	s9 =	sadd.s32 $0xFFFFFEF7, lr;
	s5 =	simm.s32 $0xFFFFFFFF;
	p2 =	slt.u32 s8, $0xFFFFF086  }
0x1c: {  	p1 =	slt.u32 s9, $0xF7A;
	s5 =	simm.s32 @!p2 $0x0  }
0x1d: {  	s5 =	simm.s32 @p1 $0x1;
	p0 =	seq.s32 s7, s2  }
0x1e: {  	s7 =	smul.u32 @!p0 $0xF7A, s2;
	p2 =	seq.s32 @!p0 s5, $0x0  }
0x1f: {  	s9 =	smul.u32 $0xF7A, s1;
	s8 =	simm.s32 @!p0 $0x1BF5;
	p2 =	por !p2, p0  }
0x20: {  	[sflag:s8] =	ssyncset.s32 @!p0 $0xFFFFF086;
	s6 =	sadd.s32 @!p0 s3, s7;
	s7 =	simm.s32 @!p0 $0x108  }
0x21: {  	s3 =	sadd.s32 s3, s9;
	s6 =	sadd.s32 @!p0 $0x88, s6;
	s7 =	simm.s32 @p2 $0x1082  }
0x22: {  	[simem:s7], [sflag:s8] =	dma.local @!p0 [hbm:s6], $0xF7A  }
0x23: {  	s9 =	sor.u32 $0xD0000000, s2;
	s6 =	simm.s32 $0x108;
	_ =	swait.ge @!p0 [sflag:s8], $0x0  }
0x24: {  	s3 =	sadd.s32 $0x88, s3;
	s6 =	simm.s32 @!p1 $0x1082;
	[sflag:s4] =	ssyncset.s32 $0xFFFFF086  }
0x25: {  	[simem:s6], [sflag:s4] =	dma.local [hbm:s3], $0xF7A  }
0x26: {  	[smem:$0x3F93] =	sst s1;
	(tag) =	ssettag s2;
	_ =	strace s9  }
0x27: {  	s1 =	sld [smem:$0x3FA3]  }
0x28: {  	s2 =	sld [smem:$0x3FA4]  }
0x29: {  	s4 =	sld [smem:$0x3FA6]  }
0x2a: {  	p0 =	seq.s32 s5, $0x0;
	s5 =	sld [smem:$0x3FA7]  }
0x2b: {  	s6 =	sld [smem:$0x3FA8]  }
0x2c: {  	s7 =	sld [smem:$0x3FA9]  }
0x2d: {  	s3 =	simm.s32 $0x108;
	s8 =	sld [smem:$0x3FAA]  }
0x2e: {  	s3 =	simm.s32 @!p0 $0x1082;
	s9 =	sld [smem:$0x3FAB]  }
0x2f: {  	lr =	sadd.s32 s0, s3;
	s0 =	sld [smem:$0x3FA2]  }
0x30: {  	s3 =	sld [smem:$0x3FA5]  }
0x31: {  	[smem:$0x3FAE] =	sst s10  }
0x32: {  	s10 =	sld [smem:$0x3FAC];
	_ =	sdelay $0x3  }
0x33: {  	p0 =	seq.s32 s10, $0x1;
	s10 =	sld [smem:$0x3FAE];
	_ =	sdelay $0x3  }
0x34: {  	[smem:$0x3FAE] =	sst s10  }
0x35: {  	s10 =	sld [smem:$0x3FAD];
	_ =	sdelay $0x3  }
0x36: {  	p1 =	seq.s32 s10, $0x1;
	s10 =	sld [smem:$0x3FAE];
	_ =	sdelay $0x3  }
0x37: {  	[smem:$0x3FAE] =	sst s10  }
0x38: {  	s10 =	sld [smem:$0x3FAF]  }
0x39: {  	_ = 	snop;
	(pc) =	sbr.ind lr, $3  }
0x3a: {  	_ = 	snop  }
0x3b: {  	_ = 	snop  }
0x3c: {  	p2 =	seq.s32 s10, $0x1;
	s10 =	sld [smem:$0x3FAE]  }
0x3d: {  	_ =	shalt  }
0x3e: {  	_ =	shalt  }
0x3f: {  	_ =	shalt  }
0x40: {  	_ =	shalt  }
0x41: {  	_ =	shalt  }
0x42: {  	_ =	shalt  }
0x43: {  	_ =	shalt  }
0x44: {  	_ =	shalt  }
0x45: {  	_ =	shalt  }
0x46: {  	_ =	shalt  }
0x47: {  	_ =	shalt  }
0x48: {  	_ =	shalt  }
0x49: {  	_ =	shalt  }
0x4a: {  	_ =	shalt  }
0x4b: {  	_ =	shalt  }
0x4c: {  	_ =	shalt  }
0x4d: {  	_ =	shalt  }
0x4e: {  	_ =	shalt  }
0x4f: {  	_ =	shalt  }
0x50: {  	_ =	shalt  }
0x51: {  	_ =	shalt  }
0x52: {  	_ =	shalt  }
0x53: {  	_ =	shalt  }
0x54: {  	_ =	shalt  }
0x55: {  	_ =	shalt  }
0x56: {  	_ =	shalt  }
0x57: {  	_ =	shalt  }
0x58: {  	_ =	shalt  }
0x59: {  	_ =	shalt  }
0x5a: {  	_ =	shalt  }
0x5b: {  	_ =	shalt  }
0x5c: {  	_ =	shalt  }
0x5d: {  	_ =	shalt  }
0x5e: {  	_ =	shalt  }
0x5f: {  	_ =	shalt  }
0x60: {  	_ =	shalt  }
0x61: {  	_ =	shalt  }
0x62: {  	_ =	shalt  }
0x63: {  	_ =	shalt  }
0x64: {  	_ =	shalt  }
0x65: {  	_ =	shalt  }
0x66: {  	_ =	shalt  }
0x67: {  	_ =	shalt  }
0x68: {  	_ =	shalt  }
0x69: {  	_ =	shalt  }
0x6a: {  	_ =	shalt  }
0x6b: {  	_ =	shalt  }
0x6c: {  	_ =	shalt  }
0x6d: {  	_ =	shalt  }
0x6e: {  	_ =	shalt  }
0x6f: {  	_ =	shalt  }
0x70: {  	_ =	shalt  }
0x71: {  	_ =	shalt  }
0x72: {  	_ =	shalt  }
0x73: {  	_ =	shalt  }
0x74: {  	_ =	shalt  }
0x75: {  	_ =	shalt  }
0x76: {  	_ =	shalt  }
0x77: {  	_ =	shalt  }
0x78: {  	_ =	shalt  }
0x79: {  	_ =	shalt  }
0x7a: {  	_ =	shalt  }
0x7b: {  	_ =	shalt  }
0x7c: {  	_ =	shalt  }
0x7d: {  	_ =	shalt  }
0x7e: {  	_ =	shalt  }
0x7f: {  	_ =	shalt  }
0x80: {  	_ =	shalt  }
0x81: {  	_ =	shalt  }
0x82: {  	_ =	shalt  }
0x83: {  	_ =	shalt  }
0x84: {  	_ =	shalt  }
0x85: {  	_ =	shalt  }
0x86: {  	_ =	shalt  }
0x87: {  	_ =	shalt  }
.Lfunc_end0:
.L_simem_size_0:
called_computation.2_lowered:
.L_overlay_start_0:
0x88: {  	s2 =	sld [smem:$0x3FD9]  }
0x89: {  	s3 =	sld [smem:$0x3FFE];
	_ =	sdelay $0x1  }
0x8a: {  	s1 =	srdreg.scid  }
0x8b: {  	s0 =	sand.u32 $0x1, s1  }
0x8c: {  	s17 =	sshll.u32 s0, $0xA;
	s2 =	sadd.s32 s3, s2  }
0x8d: {  	s2 =	sadd.s32 s2, s17  }
0x8e: {  	[smem:$0x3FBA] =	sst s2  }
0x8f: {  	_ = 	snop  }
0x90: {  	s2 =	sld [smem:$0x3FD0];
	(tm) =	ssettm $0x1  }
0x91: {  	s18 =	sld [smem:$0x3FFB];
	_ =	sdelay $0x3  }
0x92: {  	_ =	strace s18  }
0x93: {  	s3 =	sld [smem:$0x3FFC];
	_ =	sdelay $0x3  }
0x94: {  	_ =	strace s3  }
0x95: {  	s3 =	sld [smem:$0x3FFD];
	_ =	sdelay $0x3  }
0x96: {  	_ =	strace s3  }
0x97: {  	_ =	strace $0x8FFFFFFF  }
0x98: {  	s19 =	sld [smem:$0x3FDB];
	_ =	sdelay $0x1  }
0x99: {  	s4 =	simm.s32 $_scs_section_size  }
0x9a: {  	s5 =	simm.s32 $_size__tile_overlayer_lowered;
	s6 =	simm.s32 $_tile_overlayer_lowered  }
0x9b: {  	s22 =	simm.s32 $0x1BFF;
	s21 =	sshll.u32 s6, $0x1;
	s3 =	sadd.s32 s4, s19  }
0x9c: {  	s7 =	simm.s32 $0x0;
	s20 =	sshll.u32 s5, $0x1;
	s5 =	sadd.s32 s21, s3  }
0x9d: {  	[timem:s7], [sflag:s22] =	dma.local [hbm:s5], s20  }
0x9e: {  	_ =	swait.ge [sflag:s22], s20  }
0x9f: {  	s4 =	ssub.s32 $0x0, s20;
	[sflag:s22] =	ssyncset.done $0x0  }
0xa0: {  	[sflag:s22] =	ssyncadd.s32 s4;
	_ =	sdelay $0x1  }
0xa1: {  	s23 =	simm.s32 $0x1B8B  }
0xa2: {  	_ =	swait.ge [sflag:s23], $0x1  }
0xa3: {  	[sflag:s23] =	ssyncset.done $0x0  }
0xa4: {  	s25 =	simm.s32 $0x1B8E;
	s24 =	sld [smem:$0x3FFE];
	[sflag:s23] =	ssyncadd.s32 $0xFFFFFFFF  }
0xa5: {  	s26 =	simm.s32 $execute0_lowered;
	[smem:$0x3FD2] =	sst s25  }
0xa6: {  	s5 =	sshll.u32 s26, $0x1;
	_ =	strace $0x8000004C;
	[dreg:$0x1] =	wrdreg $0xFFFFFFFF  }
0xa7: {  	s28 =	simm.s32 $_size_execute0_lowered;
	s3 =	sadd.s32 s3, s5;
	[dreg:$0x0] =	wrdreg $0x0  }
0xa8: {  	s5 =	sshll.u32 s28, $0x1;
	[dreg:$0x2] =	wrdreg s3  }
0xa9: {  	[dreg:$0x3] =	wrdreg s5  }
0xaa: {  	[dreg:$0x4] =	wrdreg $0xC0  }
0xab: {  	_ =	task [dreg:s7], $0x5FFFF  }
0xac: {  	[dreg:$0x1] =	wrdreg $0xFFFFFFFF  }
0xad: {  	[dreg:$0x0] =	wrdreg $0x60  }
0xae: {  	[dreg:$0x2] =	wrdreg s24  }
0xaf: {  	[dreg:$0x3] =	wrdreg s2  }
0xb0: {  	[dreg:$0x4] =	wrdreg $0xCE400  }
0xb1: {  	[dreg:$0x5] =	wrdreg $0x9  }
0xb2: {  	_ =	task.clear_ibuf [dreg:s7], $0x6FFFF;
	_ =	strace $0x9000004C  }
0xb3: {  	s29 =	simm.s32 $0x9;
	_ =	strace $0x8000004E  }
0xb4: {  	_ =	swait.ge [sflag:s29], $0x1  }
0xb5: {  	[sflag:s29] =	ssyncadd.s32 $0xFFFFFFFF  }
0xb6: {  	_ =	strace $0x9000004E  }
0xb7: {  	_ =	sfence  }
0xb8: {  	s30 =	sld [smem:$0x0];
	_ =	sdelay $0x2  }
0xb9: {  	s31 =	sshll.u32 s1, $0xD;
	s1 =	sshrl.u32 s1, $0x2  }
0xba: {  	s3 =	sand.u32 $0x4000, s31;
	s1 =	sadd.s32 s1, s30  }
0xbb: {  	s0 =	sor.u32 s3, s0;
	s1 =	sshll.u32 s1, $0x11  }
0xbc: {  	s0 =	sor.u32 s1, s0  }
0xbd: {  	s0 =	sadd.s32 $0x8F2B, s0  }
0xbe: {  	[sflag:s0] =	ssyncadd.remote.s32 $0x1  }
0xbf: {  	_ =	sfence.sel $0xFFFF  }
0xc0: {  	[dreg:$0x0] =	wrdreg $0xFFFFFFFF;
	(pc) =	sbr.abs _section_cstart, $3  }
0xc1: {  	[dreg:$0x1] =	wrdreg $0xFFFFFFFF  }
0xc2: {  	_ =	task.clear_ibuf [dreg:s7], $0x2FFFF;
	_ =	strace $0x9FFFFFFF  }
0xc3: {  	(tm) =	ssettm $0x7FFFFFFF  }
tec
execute0_lowered:
.L_overlay_start_1:
0x0: {  	(tag) =	ssettag $0x1  }
0x1: {  	s0 =	rddreg [dreg:$0x0]  }
0x2: {  	s3 =	rddreg [dreg:$0x2]  }
0x3: {  	s4 =	simm.s32 $0x0;
	s1 =	srdreg.scid;
	s8 =	stileid.u32  }
0x4: {  	s17 =	simm.s32 $0xB;
	s18 =	simm.s32 $0x28A0;
	s19 =	simm.s32 $0x5140  }
0x5: {  	s20 =	simm.s32 $0x64;
	s29 =	simm.s32 $0xB540;
	s30 =	simm.s32 $0x1  }
0x6: {  	s31 =	simm.s32 $0x2;
	s28 =	simm.s32 $0x9;
	s1 =	sand.u32 $0x1, s1  }
0x7: {  	s2 =	sshll.u32 s8, $0x1;
	s6 =	smul.u32 $0x9C40, s8;
	[smem:$0x7FF] =	sst s4  }
0x8: {  	s5 =	sadd.s32 $0x3200, s0;
	s8 =	smul.u32 $0x27100, s8;
	s2 =	sor.u32 s1, s2  }
0x9: {  	s7 =	smul.u32 $0x9C400, s1;
	_ =	strace $0x8000004D;
	s1 =	ssub.s32 $0x2, s1  }
0xa: {  	s2 =	smul.u32 $0x514, s2;
	s9 =	sshrl.u32 s1, $0x1;
	s21 =	sshrl.u32 s8, $0x2  }
0xb: {  	s8 =	sadd.s32 s6, s3;
	s7 =	sadd.s32 s6, s7;
	s1 =	ssub.s32 s1, s9  }
0xc: {  	s23 =	sadd.s32 s21, s3;
	s21 =	simm.s32 $0x4;
	s6 =	simm.s32 $0xA  }
0xd: {  	s2 =	sadd.s32 s2, s0;
	s7 =	sshrl.u32 s7, $0x3;
	s24 =	sadd.s32 $0x1900, s23  }
0xe: {  	s25 =	sadd.s32 $0x3200, s23;
	s26 =	sadd.s32 $0x4B00, s23;
	s12 =	sadd.s32 $0x6400, s23  }
0xf: {  	s13 =	sadd.s32 $0x7D00, s23;
	s14 =	sadd.s32 $0x9600, s23;
	s16 =	smax.u32 s1, $0x1  }
0x10: {  	s1 =	simm.s32 $0x3;
	s23 =	simm.s32 $0x8;
	[dreg:$0x6] =	wrdreg s24  }
0x11: {  	s0 =	sadd.s32 s7, s0;
	s22 =	sadd.s32 $0x5C600, s2;
	[dreg:$0x7] =	wrdreg s25  }
0x12: {  	s2 =	sadd.s32 $0x52200, s2;
	[dreg:$0x8] =	wrdreg s26;
	s24 =	simm.s32 $0x8340  }
0x13: {  	s26 =	simm.s32 $0x9C40;
	s25 =	simm.s32 $0x5;
	[dreg:$0x4] =	wrdreg s22  }
0x14: {  	s7 =	simm.s32 $0x0;
	[dreg:$0x5] =	wrdreg s2;
	s15 =	sadd.s32 $0x16C00, s0  }
0x15: {  	s22 =	simm.s32 $0x6A40;
	s0 =	simm.s32 $0x6;
	s2 =	simm.s32 $0x7  }
.LBB2_1:
0x16: {  	s9 =	rddreg [dreg:$0x4]  }
0x17: {  	[tilespmem:s4], [sflag:$0xB] =	stream.linear.gather [hbm4b:s9+s4], $0x28A0, $0x38;
	[tilespmem:$0x16A80] =	vst v63  }
0x18: {  	_ =	swait.ge [sflag:s17], $0x28A0  }
0x19: {  	[sflag:s17] =	ssyncset.done $0x0  }
0x1a: {  	s10 =	rddreg [dreg:$0x5];
	[sflag:s17] =	ssyncadd.s32 $0xFFFFD760  }
0x1b: {  	[tilespmem:s18], [sflag:$0xB] =	stream.linear.gather [hbm4b:s10+s4], $0x28A0, $0x38;
	[tilespmem:$0x16A80] =	vst v63  }
0x1c: {  	_ =	swait.ge [sflag:s17], $0x28A0  }
0x1d: {  	[sflag:s17] =	ssyncset.done $0x0  }
0x1e: {  	[sflag:s17] =	ssyncadd.s32 $0xFFFFD760  }
0x1f: {  	s11 =	rddreg [dreg:$0x1]  }
0x20: {  	[tilespmem:s19], [sflag:$0xB] =	stream.linear.gather [hbm4b:s11+s4], $0x1900, $0x38;
	[tilespmem:$0x16A80] =	vst v63  }
0x21: {  	_ =	swait.ge [sflag:s17], $0x1900  }
0x22: {  	[sflag:s17] =	ssyncset.done $0x0  }
0x23: {  	[sflag:s17] =	ssyncadd.s32 $0xFFFFE700  }
0x24: {  	[spmem:s8] =	stream.linear.scatter [tilespmem:s19], [sflag:$0xB], $0x1900, $0x38;
	[tilespmem:$0x16A80] =	vst v63  }
0x25: {  	_ =	swait.ge [sflag:s17], $0x1900  }
0x26: {  	[sflag:s17] =	ssyncset.done $0x0  }
0x27: {  	s10 =	rddreg [dreg:$0x6];
	[sflag:s17] =	ssyncadd.s32 $0xFFFFE700  }
0x28: {  	[spmem:s10] =	stream.linear.scatter [tilespmem:s19], [sflag:$0xB], $0x1900, $0x38;
	[tilespmem:$0x16A80] =	vst v63  }
0x29: {  	_ =	swait.ge [sflag:s17], $0x1900  }
0x2a: {  	[sflag:s17] =	ssyncset.done $0x0  }
0x2b: {  	s11 =	rddreg [dreg:$0x7];
	[sflag:s17] =	ssyncadd.s32 $0xFFFFE700  }
0x2c: {  	[spmem:s11] =	stream.linear.scatter [tilespmem:s19], [sflag:$0xB], $0x1900, $0x38;
	[tilespmem:$0x16A80] =	vst v63  }
0x2d: {  	_ =	swait.ge [sflag:s17], $0x1900  }
0x2e: {  	[sflag:s17] =	ssyncset.done $0x0  }
0x2f: {  	s10 =	rddreg [dreg:$0x8];
	[sflag:s17] =	ssyncadd.s32 $0xFFFFE700  }
0x30: {  	[spmem:s10] =	stream.linear.scatter [tilespmem:s19], [sflag:$0xB], $0x1900, $0x38;
	[tilespmem:$0x16A80] =	vst v63  }
0x31: {  	_ =	swait.ge [sflag:s17], $0x1900  }
0x32: {  	[sflag:s17] =	ssyncset.done $0x0  }
0x33: {  	[sflag:s17] =	ssyncadd.s32 $0xFFFFE700  }
0x34: {  	[spmem:s12] =	stream.linear.scatter [tilespmem:s19], [sflag:$0xB], $0x1900, $0x38;
	[tilespmem:$0x16A80] =	vst v63  }
0x35: {  	_ =	swait.ge [sflag:s17], $0x1900  }
0x36: {  	[sflag:s17] =	ssyncset.done $0x0  }
0x37: {  	[sflag:s17] =	ssyncadd.s32 $0xFFFFE700  }
0x38: {  	[spmem:s13] =	stream.linear.scatter [tilespmem:s19], [sflag:$0xB], $0x1900, $0x38;
	[tilespmem:$0x16A80] =	vst v63  }
0x39: {  	_ =	swait.ge [sflag:s17], $0x1900  }
0x3a: {  	[sflag:s17] =	ssyncset.done $0x0  }
0x3b: {  	[sflag:s17] =	ssyncadd.s32 $0xFFFFE700  }
0x3c: {  	[spmem:s14] =	stream.linear.scatter [tilespmem:s19], [sflag:$0xB], $0x640, $0x38;
	[tilespmem:$0x16A80] =	vst v63  }
0x3d: {  	_ =	swait.ge [sflag:s17], $0x640  }
0x3e: {  	[sflag:s17] =	ssyncset.done $0x0  }
0x3f: {  	[sflag:s17] =	ssyncadd.s32 $0xFFFFF9C0  }
0x40: {  	[bflag:$0x0] =	sbarrier.arrive $0xFFFF  }
0x41: {  	[tilespmem:s19], [sflag:$0x1] =	stream.indirect.gather [hbm4b:s5+s20], $0x40, s4, s20, $0xb8;
	[tilespmem:$0x16A80] =	vst v63  }
0x42: {  	s11 =	simm.s32 $0x68  }
0x43: {  	[tilespmem:s22], [sflag:$0x2] =	stream.indirect.gather [hbm4b:s5+s20], $0x40, s11, s20, $0xb8;
	[tilespmem:$0x16A80] =	vst v63  }
0x44: {  	s10 =	simm.s32 $0xD0  }
0x45: {  	[tilespmem:s24], [sflag:$0x3] =	stream.indirect.gather [hbm4b:s5+s20], $0x40, s10, s20, $0xb8;
	[tilespmem:$0x16A80] =	vst v63  }
0x46: {  	s11 =	simm.s32 $0x138  }
0x47: {  	[tilespmem:s26], [sflag:$0x4] =	stream.indirect.gather [hbm4b:s5+s20], $0x40, s11, s20, $0xb8;
	[tilespmem:$0x16A80] =	vst v63  }
0x48: {  	s10 =	simm.s32 $0x1A0  }
0x49: {  	[tilespmem:s29], [sflag:$0x5] =	stream.indirect.gather [hbm4b:s5+s20], $0x40, s10, s20, $0xb8;
	[tilespmem:$0x16A80] =	vst v63  }
0x4a: {  	_ =	swait.ge [sflag:s30], $0x1900  }
0x4b: {  	[sflag:s30] =	ssyncset.done $0x0  }
0x4c: {  	[sflag:s30] =	ssyncadd.s32 $0xFFFFE700  }
0x4d: {  	[spmem:s3] =	stream.indirect.scatter.add.f32 [tilespmem:s19], [sflag:$0x6], $0x40, s18, s20, $0xb8;
	[tilespmem:$0x16A80] =	vst v63  }
0x4e: {  	_ =	swait.ge [sflag:s31], $0x1900  }
0x4f: {  	[sflag:s31] =	ssyncset.done $0x0  }
0x50: {  	s11 =	simm.s32 $0x2908;
	[sflag:s31] =	ssyncadd.s32 $0xFFFFE700  }
0x51: {  	[spmem:s3] =	stream.indirect.scatter.add.f32 [tilespmem:s22], [sflag:$0x7], $0x40, s11, s20, $0xb8;
	[tilespmem:$0x16A80] =	vst v63  }
0x52: {  	_ =	swait.ge [sflag:s1], $0x1900  }
0x53: {  	[sflag:s1] =	ssyncset.done $0x0  }
0x54: {  	s10 =	simm.s32 $0x2970;
	[sflag:s1] =	ssyncadd.s32 $0xFFFFE700  }
0x55: {  	[spmem:s3] =	stream.indirect.scatter.add.f32 [tilespmem:s24], [sflag:$0x8], $0x40, s10, s20, $0xb8;
	[tilespmem:$0x16A80] =	vst v63  }
0x56: {  	_ =	swait.ge [sflag:s21], $0x1900  }
0x57: {  	[sflag:s21] =	ssyncset.done $0x0  }
0x58: {  	s11 =	simm.s32 $0x29D8;
	[sflag:s21] =	ssyncadd.s32 $0xFFFFE700  }
0x59: {  	[spmem:s3] =	stream.indirect.scatter.add.f32 [tilespmem:s26], [sflag:$0x9], $0x40, s11, s20, $0xb8;
	[tilespmem:$0x16A80] =	vst v63  }
0x5a: {  	_ =	swait.ge [sflag:s25], $0x1900  }
0x5b: {  	[sflag:s25] =	ssyncset.done $0x0  }
0x5c: {  	s10 =	simm.s32 $0x2A40;
	[sflag:s25] =	ssyncadd.s32 $0xFFFFE700  }
0x5d: {  	[spmem:s3] =	stream.indirect.scatter.add.f32 [tilespmem:s29], [sflag:$0xA], $0x40, s10, s20, $0xb8;
	[tilespmem:$0x16A80] =	vst v63  }
0x5e: {  	_ =	swait.ge [sflag:s0], $0x1900  }
0x5f: {  	[sflag:s0] =	ssyncset.done $0x0  }
0x60: {  	s11 =	simm.s32 $0x208;
	[sflag:s0] =	ssyncadd.s32 $0xFFFFE700  }
0x61: {  	[tilespmem:s19], [sflag:$0x1] =	stream.indirect.gather [hbm4b:s5+s20], $0x40, s11, s20, $0xb8;
	[tilespmem:$0x16A80] =	vst v63  }
0x62: {  	_ =	swait.ge [sflag:s2], $0x1900  }
0x63: {  	[sflag:s2] =	ssyncset.done $0x0  }
0x64: {  	s10 =	simm.s32 $0x270;
	[sflag:s2] =	ssyncadd.s32 $0xFFFFE700  }
0x65: {  	[tilespmem:s22], [sflag:$0x2] =	stream.indirect.gather [hbm4b:s5+s20], $0x40, s10, s20, $0xb8;
	[tilespmem:$0x16A80] =	vst v63  }
0x66: {  	_ =	swait.ge [sflag:s23], $0x1900  }
0x67: {  	[sflag:s23] =	ssyncset.done $0x0  }
0x68: {  	s11 =	simm.s32 $0x2D8;
	[sflag:s23] =	ssyncadd.s32 $0xFFFFE700  }
0x69: {  	[tilespmem:s24], [sflag:$0x3] =	stream.indirect.gather [hbm4b:s5+s20], $0x40, s11, s20, $0xb8;
	[tilespmem:$0x16A80] =	vst v63  }
0x6a: {  	_ =	swait.ge [sflag:s28], $0x1900  }
0x6b: {  	[sflag:s28] =	ssyncset.done $0x0  }
0x6c: {  	s10 =	simm.s32 $0x340;
	[sflag:s28] =	ssyncadd.s32 $0xFFFFE700  }
0x6d: {  	[tilespmem:s26], [sflag:$0x4] =	stream.indirect.gather [hbm4b:s5+s20], $0x40, s10, s20, $0xb8;
	[tilespmem:$0x16A80] =	vst v63  }
0x6e: {  	_ =	swait.ge [sflag:s6], $0x1900  }
0x6f: {  	[sflag:s6] =	ssyncset.done $0x0  }
0x70: {  	s11 =	simm.s32 $0x3A8;
	[sflag:s6] =	ssyncadd.s32 $0xFFFFE700  }
0x71: {  	[tilespmem:s29], [sflag:$0x5] =	stream.indirect.gather [hbm4b:s5+s20], $0x40, s11, s20, $0xb8;
	[tilespmem:$0x16A80] =	vst v63  }
0x72: {  	_ =	swait.ge [sflag:s30], $0x1900  }
0x73: {  	[sflag:s30] =	ssyncset.done $0x0  }
0x74: {  	s10 =	simm.s32 $0x2AA8;
	[sflag:s30] =	ssyncadd.s32 $0xFFFFE700  }
0x75: {  	[spmem:s3] =	stream.indirect.scatter.add.f32 [tilespmem:s19], [sflag:$0x6], $0x40, s10, s20, $0xb8;
	[tilespmem:$0x16A80] =	vst v63  }
0x76: {  	_ =	swait.ge [sflag:s31], $0x1900  }
0x77: {  	[sflag:s31] =	ssyncset.done $0x0  }
0x78: {  	s11 =	simm.s32 $0x2B10;
	[sflag:s31] =	ssyncadd.s32 $0xFFFFE700  }
0x79: {  	[spmem:s3] =	stream.indirect.scatter.add.f32 [tilespmem:s22], [sflag:$0x7], $0x40, s11, s20, $0xb8;
	[tilespmem:$0x16A80] =	vst v63  }
0x7a: {  	_ =	swait.ge [sflag:s1], $0x1900  }
0x7b: {  	[sflag:s1] =	ssyncset.done $0x0  }
0x7c: {  	s10 =	simm.s32 $0x2B78;
	[sflag:s1] =	ssyncadd.s32 $0xFFFFE700  }
0x7d: {  	[spmem:s3] =	stream.indirect.scatter.add.f32 [tilespmem:s24], [sflag:$0x8], $0x40, s10, s20, $0xb8;
	[tilespmem:$0x16A80] =	vst v63  }
0x7e: {  	_ =	swait.ge [sflag:s21], $0x1900  }
0x7f: {  	[sflag:s21] =	ssyncset.done $0x0  }
0x80: {  	s11 =	simm.s32 $0x2BE0;
	[sflag:s21] =	ssyncadd.s32 $0xFFFFE700  }
0x81: {  	[spmem:s3] =	stream.indirect.scatter.add.f32 [tilespmem:s26], [sflag:$0x9], $0x40, s11, s20, $0xb8;
	[tilespmem:$0x16A80] =	vst v63  }
0x82: {  	_ =	swait.ge [sflag:s25], $0x1900  }
0x83: {  	[sflag:s25] =	ssyncset.done $0x0  }
0x84: {  	s9 =	simm.s32 $0x820;
	s10 =	simm.s32 $0x2C48;
	[sflag:s25] =	ssyncadd.s32 $0xFFFFE700  }
.LBB2_2:
0x85: {  	[spmem:s3] =	stream.indirect.scatter.add.f32 [tilespmem:s29], [sflag:$0xA], $0x40, s10, s20, $0xb8;
	[tilespmem:$0x16A80] =	vst v63  }
0x86: {  	s10 =	smov.u32 s9  }
0x87: {  	p0 =	sne.s32 s9, $0x9240;
	s9 =	sadd.s32 $0x820, s9;
	_ =	swait.ge [sflag:s0], $0x1900  }
0x88: {  	s10 =	sshra.s32 s10, $0x2;
	[sflag:s0] =	ssyncset.done $0x0  }
0x89: {  	s11 =	sadd.s32 $0x208, s10;
	[sflag:s0] =	ssyncadd.s32 $0xFFFFE700  }
0x8a: {  	[tilespmem:s19], [sflag:$0x1] =	stream.indirect.gather [hbm4b:s5+s20], $0x40, s11, s20, $0xb8;
	[tilespmem:$0x16A80] =	vst v63  }
0x8b: {  	_ =	swait.ge [sflag:s2], $0x1900  }
0x8c: {  	[sflag:s2] =	ssyncset.done $0x0  }
0x8d: {  	s11 =	sadd.s32 $0x270, s10;
	[sflag:s2] =	ssyncadd.s32 $0xFFFFE700  }
0x8e: {  	[tilespmem:s22], [sflag:$0x2] =	stream.indirect.gather [hbm4b:s5+s20], $0x40, s11, s20, $0xb8;
	[tilespmem:$0x16A80] =	vst v63  }
0x8f: {  	_ =	swait.ge [sflag:s23], $0x1900  }
0x90: {  	[sflag:s23] =	ssyncset.done $0x0  }
0x91: {  	s11 =	sadd.s32 $0x2D8, s10;
	[sflag:s23] =	ssyncadd.s32 $0xFFFFE700  }
0x92: {  	[tilespmem:s24], [sflag:$0x3] =	stream.indirect.gather [hbm4b:s5+s20], $0x40, s11, s20, $0xb8;
	[tilespmem:$0x16A80] =	vst v63  }
0x93: {  	_ =	swait.ge [sflag:s28], $0x1900  }
0x94: {  	[sflag:s28] =	ssyncset.done $0x0  }
0x95: {  	s11 =	sadd.s32 $0x340, s10;
	[sflag:s28] =	ssyncadd.s32 $0xFFFFE700  }
0x96: {  	[tilespmem:s26], [sflag:$0x4] =	stream.indirect.gather [hbm4b:s5+s20], $0x40, s11, s20, $0xb8;
	[tilespmem:$0x16A80] =	vst v63  }
0x97: {  	_ =	swait.ge [sflag:s6], $0x1900  }
0x98: {  	[sflag:s6] =	ssyncset.done $0x0  }
0x99: {  	s11 =	sadd.s32 $0x3A8, s10;
	[sflag:s6] =	ssyncadd.s32 $0xFFFFE700  }
0x9a: {  	[tilespmem:s29], [sflag:$0x5] =	stream.indirect.gather [hbm4b:s5+s20], $0x40, s11, s20, $0xb8;
	[tilespmem:$0x16A80] =	vst v63  }
0x9b: {  	_ =	swait.ge [sflag:s30], $0x1900  }
0x9c: {  	[sflag:s30] =	ssyncset.done $0x0  }
0x9d: {  	s11 =	sadd.s32 $0x2AA8, s10;
	[sflag:s30] =	ssyncadd.s32 $0xFFFFE700  }
0x9e: {  	[spmem:s3] =	stream.indirect.scatter.add.f32 [tilespmem:s19], [sflag:$0x6], $0x40, s11, s20, $0xb8;
	[tilespmem:$0x16A80] =	vst v63  }
0x9f: {  	_ =	swait.ge [sflag:s31], $0x1900  }
0xa0: {  	[sflag:s31] =	ssyncset.done $0x0  }
0xa1: {  	s11 =	sadd.s32 $0x2B10, s10;
	[sflag:s31] =	ssyncadd.s32 $0xFFFFE700  }
0xa2: {  	[spmem:s3] =	stream.indirect.scatter.add.f32 [tilespmem:s22], [sflag:$0x7], $0x40, s11, s20, $0xb8;
	[tilespmem:$0x16A80] =	vst v63  }
0xa3: {  	_ =	swait.ge [sflag:s1], $0x1900  }
0xa4: {  	[sflag:s1] =	ssyncset.done $0x0  }
0xa5: {  	s11 =	sadd.s32 $0x2B78, s10;
	[sflag:s1] =	ssyncadd.s32 $0xFFFFE700  }
0xa6: {  	[spmem:s3] =	stream.indirect.scatter.add.f32 [tilespmem:s24], [sflag:$0x8], $0x40, s11, s20, $0xb8;
	[tilespmem:$0x16A80] =	vst v63  }
0xa7: {  	_ =	swait.ge [sflag:s21], $0x1900  }
0xa8: {  	[sflag:s21] =	ssyncset.done $0x0  }
.Ltmp0:
0xa9: {  	s11 =	sadd.s32 $0x2BE0, s10;
	[sflag:s21] =	ssyncadd.s32 $0xFFFFE700;
	(pc) =	sbr.rel @p0 .LBB2_2-.Ltmp0, $4  }
0xaa: {  	[spmem:s3] =	stream.indirect.scatter.add.f32 [tilespmem:s26], [sflag:$0x9], $0x40, s11, s20, $0xb8;
	[tilespmem:$0x16A80] =	vst v63  }
0xab: {  	_ =	swait.ge [sflag:s25], $0x1900  }
0xac: {  	[sflag:s25] =	ssyncset.done $0x0  }
0xad: {  	s10 =	sadd.s32 $0x2C48, s10;
	[sflag:s25] =	ssyncadd.s32 $0xFFFFE700  }
0xae: {  	[spmem:s3] =	stream.indirect.scatter.add.f32 [tilespmem:s29], [sflag:$0xA], $0x40, s10, s20, $0xb8;
	[tilespmem:$0x16A80] =	vst v63  }
0xaf: {  	_ =	swait.ge [sflag:s0], $0x1900  }
0xb0: {  	[sflag:s0] =	ssyncset.done $0x0  }
0xb1: {  	[sflag:s0] =	ssyncadd.s32 $0xFFFFE700  }
0xb2: {  	_ =	swait.ge [sflag:s2], $0x1900  }
0xb3: {  	[sflag:s2] =	ssyncset.done $0x0  }
0xb4: {  	[sflag:s2] =	ssyncadd.s32 $0xFFFFE700  }
0xb5: {  	_ =	swait.ge [sflag:s23], $0x1900  }
0xb6: {  	[sflag:s23] =	ssyncset.done $0x0  }
0xb7: {  	[sflag:s23] =	ssyncadd.s32 $0xFFFFE700  }
0xb8: {  	_ =	swait.ge [sflag:s28], $0x1900  }
0xb9: {  	[sflag:s28] =	ssyncset.done $0x0  }
0xba: {  	[sflag:s28] =	ssyncadd.s32 $0xFFFFE700  }
0xbb: {  	s9 =	stileid.u32;
	_ =	swait.ge [sflag:s6], $0x1900  }
0xbc: {  	s11 =	sshrl.u32 s8, $0x3;
	s7 =	sadd.s32 $0x1, s7;
	[sflag:s6] =	ssyncset.done $0x0  }
0xbd: {  	s9 =	sshll.u32 s9, $0x6;
	p0 =	sne.s32 s7, s16;
	[sflag:s6] =	ssyncadd.s32 $0xFFFFE700  }
.Ltmp1:
0xbe: {  	s9 =	sor.u32 $0x1C0B, s9;
	[bflag:$0x0] =	sbarrier.arrive $0xFFFF;
	(pc) =	sbr.rel @p0 .LBB2_1-.Ltmp1, $4  }
0xbf: {  	[hbm:s15], [sflag:s9] =	dma.local [spmem:s11], $0x1388  }
0xc0: {  	_ =	swait.ge [sflag:s17], $0x1388  }
0xc1: {  	[sflag:s17] =	ssyncset.done $0x0  }
0xc2: {  	[sflag:s17] =	ssyncadd.s32 $0xFFFFEC78  }
0xc3: {  	_ =	sfence.sel $0x180000  }
0xc4: {  	[bflag:$0x0] =	sbarrier.arrive $0xFFFF  }
0xc5: {  	_ =	strace $0x9000004D  }
0xc6: {  	s0 =	stileid.u32;
	[bflag:$0x2] =	sbarrier.arrive $0xFFFF  }
0xc7: {  	p0 =	sne.s32 s0, $0x0;
	s0 =	rddreg [dreg:$0x3]  }
0xc8: {  	s0 =	sadd.s32 @!p0 $0x100000, s0  }
0xc9: {  	[sflag:s0] =	ssyncadd.tile.s32 @!p0 $0x1;
	_ =	shalt  }
.Lfunc_end2:
_tile_overlayer_lowered:
.L_overlay_start_2:
0xca: {  	(tag) =	ssettag $0x2  }
0xcb: {  	s0 =	rddreg [dreg:$0x0];
	s2 =	stileid.u32  }
0xcc: {  	s1 =	rddreg [dreg:$0x1];
	p0 =	sne.s32 s2, $0x0  }
0xcd: {  	s3 =	rddreg [dreg:$0x2];
	[bflag:$0x3] =	sbarrier.arrive $0xFFFF;
	s2 =	simm.s32 @!p0 $0x1C0B  }
0xce: {  	[timem:s3], [sflag:s2] =	dma.local @!p0 [hbm:s0], s1  }
0xcf: {  	s0 =	simm.s32 @!p0 $0xB  }
0xd0: {  	_ =	swait.ge @!p0 [sflag:s0], s1  }
0xd1: {  	s1 =	ssub.s32 @!p0 $0x0, s1;
	[sflag:s0] =	ssyncset.done @!p0 $0x0  }
0xd2: {  	[sflag:s0] =	ssyncadd.s32 @!p0 s1  }
0xd3: {  	[bflag:$0x3] =	sbarrier.arrive $0xFFFF  }
0xd4: {  	_ =	shalt  }

// kernel: kernel.9.cloned.1.call-start
scs
__scs_entry_jumppad:
0x0: {  	(pc) =	sbr.rel $0x88, $3  }
0x1: {  	(tag) =	ssettag $0x0;
	lr =	simm.s32 $0x1  }
0x2: {  	[smem:$0x3F93] =	sst lr;
	_ =	strace $0xD0000000  }
0x3: {  	_ = 	snop  }
0x4: {  	_ = 	snop  }
0x5: {  	_ = 	snop  }
0x6: {  	_ = 	snop  }
0x7: {  	_ = 	snop  }
__scs_overlays_trampoline_lowered:
0x8: {  	[smem:$0x3FA2] =	sst s0  }
0x9: {  	[smem:$0x3FA3] =	sst s1  }
0xa: {  	[smem:$0x3FA4] =	sst s2  }
0xb: {  	[smem:$0x3FA5] =	sst s3  }
0xc: {  	[smem:$0x3FA6] =	sst s4  }
0xd: {  	[smem:$0x3FA7] =	sst s5  }
0xe: {  	[smem:$0x3FA8] =	sst s6  }
0xf: {  	[smem:$0x3FA9] =	sst s7  }
0x10: {  	[smem:$0x3FAA] =	sst s8  }
0x11: {  	[smem:$0x3FAB] =	sst s9;
	s0 =	simm.s32 @!p0 $0x0  }
0x12: {  	s1 =	sld [smem:$0x3F91];
	s0 =	simm.s32 @p0 $0x1  }
0x13: {  	[smem:$0x3FAC] =	sst s0;
	s0 =	simm.s32 @!p1 $0x0  }
0x14: {  	s2 =	sld [smem:$0x3F90];
	s0 =	simm.s32 @p1 $0x1  }
0x15: {  	[smem:$0x3FAD] =	sst s0;
	s0 =	simm.s32 @!p2 $0x0  }
0x16: {  	s3 =	sld [smem:$0x3FDB];
	s0 =	simm.s32 @p2 $0x1  }
0x17: {  	s4 =	simm.s32 $0x1BF5;
	[smem:$0x3FAF] =	sst s0  }
0x18: {  	s0 =	sld [smem:$0x3F92];
	_ =	swait.ge [sflag:s4], $0x0  }
0x19: {  	s7 =	sld [smem:$0x3F93]  }
0x1a: {  	s8 =	sadd.s32 $0xFFFFE003, lr  }
0x1b: {  	s9 =	sadd.s32 $0xFFFFFEF7, lr;
	s5 =	simm.s32 $0xFFFFFFFF;
	p2 =	slt.u32 s8, $0xFFFFF086  }
0x1c: {  	p1 =	slt.u32 s9, $0xF7A;
	s5 =	simm.s32 @!p2 $0x0  }
0x1d: {  	s5 =	simm.s32 @p1 $0x1;
	p0 =	seq.s32 s7, s2  }
0x1e: {  	s7 =	smul.u32 @!p0 $0xF7A, s2;
	p2 =	seq.s32 @!p0 s5, $0x0  }
0x1f: {  	s9 =	smul.u32 $0xF7A, s1;
	s8 =	simm.s32 @!p0 $0x1BF5;
	p2 =	por !p2, p0  }
0x20: {  	[sflag:s8] =	ssyncset.s32 @!p0 $0xFFFFF086;
	s6 =	sadd.s32 @!p0 s3, s7;
	s7 =	simm.s32 @!p0 $0x108  }
0x21: {  	s3 =	sadd.s32 s3, s9;
	s6 =	sadd.s32 @!p0 $0x88, s6;
	s7 =	simm.s32 @p2 $0x1082  }
0x22: {  	[simem:s7], [sflag:s8] =	dma.local @!p0 [hbm:s6], $0xF7A  }
0x23: {  	s9 =	sor.u32 $0xD0000000, s2;
	s6 =	simm.s32 $0x108;
	_ =	swait.ge @!p0 [sflag:s8], $0x0  }
0x24: {  	s3 =	sadd.s32 $0x88, s3;
	s6 =	simm.s32 @!p1 $0x1082;
	[sflag:s4] =	ssyncset.s32 $0xFFFFF086  }
0x25: {  	[simem:s6], [sflag:s4] =	dma.local [hbm:s3], $0xF7A  }
0x26: {  	[smem:$0x3F93] =	sst s1;
	(tag) =	ssettag s2;
	_ =	strace s9  }
0x27: {  	s1 =	sld [smem:$0x3FA3]  }
0x28: {  	s2 =	sld [smem:$0x3FA4]  }
0x29: {  	s4 =	sld [smem:$0x3FA6]  }
0x2a: {  	p0 =	seq.s32 s5, $0x0;
	s5 =	sld [smem:$0x3FA7]  }
0x2b: {  	s6 =	sld [smem:$0x3FA8]  }
0x2c: {  	s7 =	sld [smem:$0x3FA9]  }
0x2d: {  	s3 =	simm.s32 $0x108;
	s8 =	sld [smem:$0x3FAA]  }
0x2e: {  	s3 =	simm.s32 @!p0 $0x1082;
	s9 =	sld [smem:$0x3FAB]  }
0x2f: {  	lr =	sadd.s32 s0, s3;
	s0 =	sld [smem:$0x3FA2]  }
0x30: {  	s3 =	sld [smem:$0x3FA5]  }
0x31: {  	[smem:$0x3FAE] =	sst s10  }
0x32: {  	s10 =	sld [smem:$0x3FAC];
	_ =	sdelay $0x3  }
0x33: {  	p0 =	seq.s32 s10, $0x1;
	s10 =	sld [smem:$0x3FAE];
	_ =	sdelay $0x3  }
0x34: {  	[smem:$0x3FAE] =	sst s10  }
0x35: {  	s10 =	sld [smem:$0x3FAD];
	_ =	sdelay $0x3  }
0x36: {  	p1 =	seq.s32 s10, $0x1;
	s10 =	sld [smem:$0x3FAE];
	_ =	sdelay $0x3  }
0x37: {  	[smem:$0x3FAE] =	sst s10  }
0x38: {  	s10 =	sld [smem:$0x3FAF]  }
0x39: {  	_ = 	snop;
	(pc) =	sbr.ind lr, $3  }
0x3a: {  	_ = 	snop  }
0x3b: {  	_ = 	snop  }
0x3c: {  	p2 =	seq.s32 s10, $0x1;
	s10 =	sld [smem:$0x3FAE]  }
0x3d: {  	_ =	shalt  }
0x3e: {  	_ =	shalt  }
0x3f: {  	_ =	shalt  }
0x40: {  	_ =	shalt  }
0x41: {  	_ =	shalt  }
0x42: {  	_ =	shalt  }
0x43: {  	_ =	shalt  }
0x44: {  	_ =	shalt  }
0x45: {  	_ =	shalt  }
0x46: {  	_ =	shalt  }
0x47: {  	_ =	shalt  }
0x48: {  	_ =	shalt  }
0x49: {  	_ =	shalt  }
0x4a: {  	_ =	shalt  }
0x4b: {  	_ =	shalt  }
0x4c: {  	_ =	shalt  }
0x4d: {  	_ =	shalt  }
0x4e: {  	_ =	shalt  }
0x4f: {  	_ =	shalt  }
0x50: {  	_ =	shalt  }
0x51: {  	_ =	shalt  }
0x52: {  	_ =	shalt  }
0x53: {  	_ =	shalt  }
0x54: {  	_ =	shalt  }
0x55: {  	_ =	shalt  }
0x56: {  	_ =	shalt  }
0x57: {  	_ =	shalt  }
0x58: {  	_ =	shalt  }
0x59: {  	_ =	shalt  }
0x5a: {  	_ =	shalt  }
0x5b: {  	_ =	shalt  }
0x5c: {  	_ =	shalt  }
0x5d: {  	_ =	shalt  }
0x5e: {  	_ =	shalt  }
0x5f: {  	_ =	shalt  }
0x60: {  	_ =	shalt  }
0x61: {  	_ =	shalt  }
0x62: {  	_ =	shalt  }
0x63: {  	_ =	shalt  }
0x64: {  	_ =	shalt  }
0x65: {  	_ =	shalt  }
0x66: {  	_ =	shalt  }
0x67: {  	_ =	shalt  }
0x68: {  	_ =	shalt  }
0x69: {  	_ =	shalt  }
0x6a: {  	_ =	shalt  }
0x6b: {  	_ =	shalt  }
0x6c: {  	_ =	shalt  }
0x6d: {  	_ =	shalt  }
0x6e: {  	_ =	shalt  }
0x6f: {  	_ =	shalt  }
0x70: {  	_ =	shalt  }
0x71: {  	_ =	shalt  }
0x72: {  	_ =	shalt  }
0x73: {  	_ =	shalt  }
0x74: {  	_ =	shalt  }
0x75: {  	_ =	shalt  }
0x76: {  	_ =	shalt  }
0x77: {  	_ =	shalt  }
0x78: {  	_ =	shalt  }
0x79: {  	_ =	shalt  }
0x7a: {  	_ =	shalt  }
0x7b: {  	_ =	shalt  }
0x7c: {  	_ =	shalt  }
0x7d: {  	_ =	shalt  }
0x7e: {  	_ =	shalt  }
0x7f: {  	_ =	shalt  }
0x80: {  	_ =	shalt  }
0x81: {  	_ =	shalt  }
0x82: {  	_ =	shalt  }
0x83: {  	_ =	shalt  }
0x84: {  	_ =	shalt  }
0x85: {  	_ =	shalt  }
0x86: {  	_ =	shalt  }
0x87: {  	_ =	shalt  }
.Lfunc_end0:
.L_simem_size_0:
called_computation_lowered:
.L_overlay_start_0:
0x88: {  	s2 =	sld [smem:$0x3FD9]  }
0x89: {  	s3 =	sld [smem:$0x3FFE];
	_ =	sdelay $0x1  }
0x8a: {  	s1 =	srdreg.scid  }
0x8b: {  	s0 =	sand.u32 $0x1, s1  }
0x8c: {  	s16 =	sshll.u32 s0, $0xA;
	s2 =	sadd.s32 s3, s2  }
0x8d: {  	s2 =	sadd.s32 s2, s16  }
0x8e: {  	[smem:$0x3FBA] =	sst s2  }
0x8f: {  	_ = 	snop  }
0x90: {  	(tm) =	ssettm $0x1  }
0x91: {  	s17 =	sld [smem:$0x3FFB];
	_ =	sdelay $0x3  }
0x92: {  	_ =	strace s17  }
0x93: {  	s2 =	sld [smem:$0x3FFC];
	_ =	sdelay $0x3  }
0x94: {  	_ =	strace s2  }
0x95: {  	s2 =	sld [smem:$0x3FFD];
	_ =	sdelay $0x3  }
0x96: {  	_ =	strace s2  }
0x97: {  	_ =	strace $0x8FFFFFFF  }
0x98: {  	s18 =	sld [smem:$0x3FDB];
	_ =	sdelay $0x1  }
0x99: {  	s19 =	simm.s32 $_scs_section_size  }
0x9a: {  	s4 =	simm.s32 $_size__tile_overlayer_lowered;
	s5 =	simm.s32 $_tile_overlayer_lowered  }
0x9b: {  	s22 =	simm.s32 $0x1BFF;
	s21 =	sshll.u32 s5, $0x1;
	s2 =	sadd.s32 s19, s18  }
0x9c: {  	s6 =	simm.s32 $0x0;
	s20 =	sshll.u32 s4, $0x1;
	s4 =	sadd.s32 s21, s2  }
0x9d: {  	[timem:s6], [sflag:s22] =	dma.local [hbm:s4], s20  }
0x9e: {  	_ =	swait.ge [sflag:s22], s20  }
0x9f: {  	s3 =	ssub.s32 $0x0, s20;
	[sflag:s22] =	ssyncset.done $0x0  }
0xa0: {  	[sflag:s22] =	ssyncadd.s32 s3;
	_ =	sdelay $0x1  }
0xa1: {  	s23 =	simm.s32 $0x1B8B  }
0xa2: {  	_ =	swait.ge [sflag:s23], $0x1  }
0xa3: {  	[sflag:s23] =	ssyncset.done $0x0  }
0xa4: {  	s25 =	simm.s32 $0x1B8E;
	s24 =	sld [smem:$0x3FFE];
	[sflag:s23] =	ssyncadd.s32 $0xFFFFFFFF  }
0xa5: {  	s26 =	simm.s32 $execute0_lowered;
	[smem:$0x3FD2] =	sst s25  }
0xa6: {  	s4 =	sshll.u32 s26, $0x1;
	_ =	strace $0x80000046;
	[dreg:$0x1] =	wrdreg $0xFFFFFFFF  }
0xa7: {  	s28 =	simm.s32 $_size_execute0_lowered;
	s2 =	sadd.s32 s2, s4;
	[dreg:$0x0] =	wrdreg $0x0  }
0xa8: {  	s4 =	sshll.u32 s28, $0x1;
	[dreg:$0x2] =	wrdreg s2  }
0xa9: {  	[dreg:$0x3] =	wrdreg s4  }
0xaa: {  	[dreg:$0x4] =	wrdreg $0xC0  }
0xab: {  	_ =	task [dreg:s6], $0x5FFFF  }
0xac: {  	[dreg:$0x1] =	wrdreg $0xFFFFFFFF  }
0xad: {  	[dreg:$0x0] =	wrdreg $0x60  }
0xae: {  	[dreg:$0x2] =	wrdreg s24  }
0xaf: {  	[dreg:$0x3] =	wrdreg $0x9  }
0xb0: {  	_ =	task.clear_ibuf [dreg:s6], $0x4FFFF;
	_ =	strace $0x90000046  }
0xb1: {  	s29 =	simm.s32 $0x9;
	_ =	strace $0x80000048  }
0xb2: {  	_ =	swait.ge [sflag:s29], $0x1  }
0xb3: {  	[sflag:s29] =	ssyncadd.s32 $0xFFFFFFFF  }
0xb4: {  	_ =	strace $0x90000048  }
0xb5: {  	_ =	sfence  }
0xb6: {  	s30 =	sld [smem:$0x0];
	_ =	sdelay $0x2  }
0xb7: {  	s31 =	sshll.u32 s1, $0xD;
	s1 =	sshrl.u32 s1, $0x2  }
0xb8: {  	s3 =	sand.u32 $0x4000, s31;
	s1 =	sadd.s32 s1, s30  }
0xb9: {  	s0 =	sor.u32 s3, s0;
	s1 =	sshll.u32 s1, $0x11  }
0xba: {  	s0 =	sor.u32 s1, s0  }
0xbb: {  	s0 =	sadd.s32 $0x8F2B, s0  }
0xbc: {  	[sflag:s0] =	ssyncadd.remote.s32 $0x1  }
0xbd: {  	_ =	sfence.sel $0xFFFF  }
0xbe: {  	[dreg:$0x0] =	wrdreg $0xFFFFFFFF;
	(pc) =	sbr.abs _section_cstart, $3  }
0xbf: {  	[dreg:$0x1] =	wrdreg $0xFFFFFFFF  }
0xc0: {  	_ =	task.clear_ibuf [dreg:s6], $0x2FFFF;
	_ =	strace $0x9FFFFFFF  }
0xc1: {  	(tm) =	ssettm $0x7FFFFFFF  }
tec
execute0_lowered:
.L_overlay_start_1:
0x0: {  	(tag) =	ssettag $0x1  }
0x1: {  	s1 =	srdreg.scid;
	s0 =	stileid.u32  }
0x2: {  	s4 =	rddreg [dreg:$0x0];
	s2 =	simm.s32 $0x0;
	s9 =	simm.s32 $0x1  }
0x3: {  	s10 =	simm.s32 $0x2710;
	s3 =	sand.u32 $0x1, s1;
	s30 =	sshll.u32 s0, $0x1  }
0x4: {  	s11 =	simm.s32 $0x4E20;
	s12 =	simm.s32 $0x7530;
	s5 =	sor.u32 s3, s30  }
0x5: {  	s1 =	rddreg [dreg:$0x1];
	s6 =	ssub.s32 $0x2, s3;
	s5 =	smul.u32 $0x4E2, s5  }
0x6: {  	s13 =	simm.s32 $0x0;
	[smem:$0x7FF] =	sst s2;
	s31 =	sshrl.u32 s6, $0x1  }
0x7: {  	_ =	strace $0x80000047;
	s8 =	ssub.s32 s6, s31;
	s7 =	sadd.s32 s5, s4  }
0x8: {  	s3 =	sadd.s32 $0x16E00, s4;
	s8 =	smax.u32 s8, $0x1;
	s4 =	sadd.s32 $0xD000, s7  }
0x9: {  	v0 =	vimm.f32 $1.000000000e+00;
	s5 =	sadd.s32 $0x3200, s7;
	s6 =	sadd.s32 $0x21200, s7;
	s7 =	sadd.s32 $0x17400, s7  }
.LBB2_1:
0xa: {  	[tilespmem:s2], [sflag:$0x1] =	stream.linear.gather [hbm4b:s4+s2], $0x2710, $0x38;
	[tilespmem:$0x9C40] =	vst v63  }
0xb: {  	_ =	swait.ge [sflag:s9], $0x2710  }
0xc: {  	[sflag:s9] =	ssyncset.done $0x0  }
0xd: {  	[sflag:s9] =	ssyncadd.s32 $0xFFFFD8F0  }
0xe: {  	[tilespmem:s10], [sflag:$0x1] =	stream.linear.gather [hbm4b:s5+s2], $0x2710, $0x38;
	[tilespmem:$0x9C40] =	vst v63  }
0xf: {  	_ =	swait.ge [sflag:s9], $0x2710  }
0x10: {  	[sflag:s9] =	ssyncset.done $0x0  }
0x11: {  	[sflag:s9] =	ssyncadd.s32 $0xFFFFD8F0  }
0x12: {  	[tilespmem:s11], [sflag:$0x1] =	stream.linear.gather [hbm4b:s3+s2], $0x2710, $0x38;
	[tilespmem:$0x9C40] =	vst v63  }
0x13: {  	_ =	swait.ge [sflag:s9], $0x2710  }
0x14: {  	[sflag:s9] =	ssyncset.done $0x0  }
0x15: {  	[sflag:s9] =	ssyncadd.s32 $0xFFFFD8F0  }
0x16: {  	[tilespmem:s12], [sflag:$0x1] =	stream.linear.gather [hbm4b:s3+s2], $0x2710, $0x38;
	[tilespmem:$0x9C40] =	vst v63  }
0x17: {  	_ =	swait.ge [sflag:s9], $0x2710  }
0x18: {  	[sflag:s9] =	ssyncset.done $0x0  }
0x19: {  	s15 =	simm.s32 $0x0;
	s14 =	simm.s32 $0x40;
	[sflag:s9] =	ssyncadd.s32 $0xFFFFD8F0  }
.LBB2_2:
0x1a: {  	p0 =	sne.s32 s14, $0x9C00;
	v1 =	vld [tilespmem:s15+$0x0];
	_ =	sdelay $0x7  }
0x1b: {  	[tilespmem:v1+s11+$0x0] =	vst.idx.add.f32.msk $0xffff, v0  }
0x1c: {  	v1 =	vld [tilespmem:s15+$0x2710];
	_ =	sdelay $0x3  }
.Ltmp0:
0x1d: {  	(pc) =	sbr.rel @p0 .LBB2_2-.Ltmp0, $2  }
0x1e: {  	_ =	sdelay $0x2  }
0x1f: {  	s15 =	sshra.s32 s14, $0x2;
	s14 =	sadd.s32 $0x40, s14;
	[tilespmem:v1+s12+$0x0] =	vst.idx.add.f32.msk $0xffff, v0  }
0x20: {  	v1 =	vld [tilespmem:s15+$0x0];
	_ =	sdelay $0x7  }
0x21: {  	[tilespmem:v1+s11+$0x0] =	vst.idx.add.f32.msk $0xffff, v0  }
0x22: {  	v1 =	vld [tilespmem:s15+$0x2710];
	_ =	sdelay $0x7  }
0x23: {  	[tilespmem:v1+s12+$0x0] =	vst.idx.add.f32.msk $0xffff, v0  }
0x24: {  	[hbm4b:s6+s2] =	stream.linear.scatter [tilespmem:s11], [sflag:$0x1], $0x2710, $0x38;
	[tilespmem:$0x9C40] =	vst v63  }
0x25: {  	s13 =	sadd.s32 $0x1, s13;
	_ =	swait.ge [sflag:s9], $0x2710  }
0x26: {  	p0 =	sne.s32 s13, s8;
	[sflag:s9] =	ssyncset.done $0x0  }
.Ltmp1:
0x27: {  	[sflag:s9] =	ssyncadd.s32 $0xFFFFD8F0;
	(pc) =	sbr.rel @p0 .LBB2_1-.Ltmp1, $4  }
0x28: {  	[hbm4b:s7+s2] =	stream.linear.scatter [tilespmem:s12], [sflag:$0x1], $0x2710, $0x38;
	[tilespmem:$0x9C40] =	vst v63  }
0x29: {  	_ =	swait.ge [sflag:s9], $0x2710  }
0x2a: {  	[sflag:s9] =	ssyncset.done $0x0  }
0x2b: {  	[sflag:s9] =	ssyncadd.s32 $0xFFFFD8F0  }
0x2c: {  	_ =	sfence.sel $0x180000  }
0x2d: {  	[bflag:$0x0] =	sbarrier.arrive $0xFFFF  }
0x2e: {  	p0 =	sne.s32 s0, $0x0;
	_ =	strace $0x90000047  }
0x2f: {  	s0 =	sadd.s32 @!p0 $0x100000, s1;
	[bflag:$0x2] =	sbarrier.arrive $0xFFFF  }
0x30: {  	[sflag:s0] =	ssyncadd.tile.s32 @!p0 $0x1;
	_ =	shalt  }
.Lfunc_end2:
_tile_overlayer_lowered:
.L_overlay_start_2:
0x31: {  	(tag) =	ssettag $0x2  }
0x32: {  	s0 =	rddreg [dreg:$0x0];
	s2 =	stileid.u32  }
0x33: {  	s1 =	rddreg [dreg:$0x1];
	p0 =	sne.s32 s2, $0x0  }
0x34: {  	s3 =	rddreg [dreg:$0x2];
	[bflag:$0x3] =	sbarrier.arrive $0xFFFF;
	s2 =	simm.s32 @!p0 $0x1C01  }
0x35: {  	[timem:s3], [sflag:s2] =	dma.local @!p0 [hbm:s0], s1  }
0x36: {  	s0 =	simm.s32 @!p0 $0x1  }
0x37: {  	_ =	swait.ge @!p0 [sflag:s0], s1  }
0x38: {  	s1 =	ssub.s32 @!p0 $0x0, s1;
	[sflag:s0] =	ssyncset.done @!p0 $0x0  }
0x39: {  	[sflag:s0] =	ssyncadd.s32 @!p0 s1  }
0x3a: {  	[bflag:$0x3] =	sbarrier.arrive $0xFFFF  }
0x3b: {  	_ =	shalt  }

</sc_bundles>
